<compile_context>
chip_gen: v7x
topology: tpu7x:2x2x1
jax: 0.10.2.dev20260603
libtpu: 0.0.44.dev20260713+nightly
codegen_flags: <defaults>
</compile_context>

<pallas_src>
import functools

import jax
import jax.numpy as jnp
from jax import lax
from jax.experimental import pallas as pl
from jax.experimental.pallas import tpu as pltpu
from jax.experimental.pallas import tpu_sc as plsc

_N = 10000
_E = 320000
_H = 128
_C = 3
_T = 5

_NC = 2
_NS = 16
_NW = _NC * _NS
_EPW = _E // _NW
_CHP = 112
_NCHP = 90
_EPWP = _NCHP * _CHP
_NP = 10240
_RPT = _NP // _NS

_f32 = jnp.float32


@functools.lru_cache(maxsize=None)
def _make_sc_kernels():
  _mesh = plsc.VectorSubcoreMesh(core_axis_name="c", subcore_axis_name="s",
                                 num_cores=_NC, num_subcores=_NS)

  @functools.partial(
      pl.kernel,
      out_type=jax.ShapeDtypeStruct((_NC * _NP, _H), _f32),
      mesh=_mesh,
      scratch_types=[
          pltpu.VMEM_SHARED((_NP, _H), _f32),
          pltpu.VMEM((2, _NCHP, _CHP), jnp.int32),
          pltpu.VMEM((_CHP, _H), _f32),
          pltpu.SemaphoreType.DMA,
      ],
  )
  def _sc_spmm(mh, edges4, zrows, out, acc, idxs, rows, sem):
      c = lax.axis_index("c")
      s = lax.axis_index("s")
      wid = s * _NC + c
      pltpu.sync_copy(edges4.at[wid], idxs)
      pltpu.sync_copy(zrows, acc.at[pl.ds(s * _RPT, _RPT)])
      plsc.subcore_barrier()

      def body(i, carry):
          pltpu.async_copy(mh.at[idxs.at[0, i]], rows, sem).wait()
          pltpu.sync_copy(rows, acc.at[idxs.at[1, i]], add=True)
          return carry

      lax.fori_loop(0, _NCHP, body, 0)
      plsc.subcore_barrier()
      pltpu.sync_copy(acc.at[pl.ds(s * _RPT, _RPT)],
                      out.at[pl.ds(c * _NP + s * _RPT, _RPT)])


  @functools.partial(
      pl.kernel,
      out_type=[jax.ShapeDtypeStruct((_NC * _NP, _H), _f32),
                jax.ShapeDtypeStruct((_NC * _NP, _H), _f32)],
      mesh=_mesh,
      scratch_types=[
          pltpu.VMEM_SHARED((_NP, _H), _f32),
          pltpu.VMEM((2, _NCHP, _CHP), jnp.int32),
          pltpu.VMEM((_CHP, _H), _f32),
      ],
  )
  def _sc_deg(edges4, ones_rows, zrows, dego_out, degi_out,
              tab, idxs, ones_v):
      c = lax.axis_index("c")
      s = lax.axis_index("s")
      wid = s * _NC + c
      pltpu.sync_copy(edges4.at[wid], idxs)
      pltpu.sync_copy(ones_rows, ones_v)

      for plane, out_hbm in ((0, dego_out), (1, degi_out)):
          pltpu.sync_copy(zrows, tab.at[pl.ds(s * _RPT, _RPT)])
          plsc.subcore_barrier()

          def body(i, carry):
              pltpu.sync_copy(ones_v, tab.at[idxs.at[plane, i]], add=True)
              return carry

          lax.fori_loop(0, _NCHP, body, 0)
          plsc.subcore_barrier()
          pltpu.sync_copy(tab.at[pl.ds(s * _RPT, _RPT)],
                          out_hbm.at[pl.ds(c * _NP + s * _RPT, _RPT)])
          plsc.subcore_barrier()

  return _sc_spmm, _sc_deg



def _rowmajor_matmul(a, w_t, b):
    return lax.dot_general(a, w_t, (((1,), (1,)), ((), ())),
                           preferred_element_type=_f32) + b


def _tc_init_body(x_ref, we_ref, be_ref, h_ref, mh_ref):
    h = x_ref[...] / jnp.sqrt(jnp.float32(_H))
    h_ref[...] = h
    mh_ref[...] = _rowmajor_matmul(h, we_ref[...], be_ref[...])


_tc_init = pl.pallas_call(
    _tc_init_body,
    out_shape=[jax.ShapeDtypeStruct((_N, _H), _f32),
               jax.ShapeDtypeStruct((_N, _H), _f32)],
)


def _tc_gru_body(ap_ref, h_ref, wih_ref, bih_ref, whh_ref, bhh_ref,
                 we_ref, be_ref, hn_ref, mh_ref):
    a = ap_ref[0] + ap_ref[1]
    h = h_ref[...]
    gi = _rowmajor_matmul(a, wih_ref[...], bih_ref[...])
    gh = _rowmajor_matmul(h, whh_ref[...], bhh_ref[...])
    r = jax.nn.sigmoid(gi[:, :_H] + gh[:, :_H])
    z = jax.nn.sigmoid(gi[:, _H:2 * _H] + gh[:, _H:2 * _H])
    n = jnp.tanh(gi[:, 2 * _H:] + r * gh[:, 2 * _H:])
    hn = (1.0 - z) * n + z * h
    hn_ref[...] = hn
    mh_ref[...] = _rowmajor_matmul(hn, we_ref[...], be_ref[...])


_tc_gru = pl.pallas_call(
    _tc_gru_body,
    out_shape=[jax.ShapeDtypeStruct((_N, _H), _f32),
               jax.ShapeDtypeStruct((_N, _H), _f32)],
)


def _tc_hs_body(h_ref, dego_ref, hs_ref):
    deg = dego_ref[0, :, 0:1] + dego_ref[1, :, 0:1]
    row = lax.broadcasted_iota(jnp.int32, (_N, 1), 0)
    deg = deg - jnp.where(row == 0, jnp.float32(_NW * (_EPWP - _EPW)), 0.0)
    hs_ref[...] = h_ref[...] * lax.rsqrt(jnp.maximum(deg, 1.0))


_tc_hs = pl.pallas_call(
    _tc_hs_body,
    out_shape=jax.ShapeDtypeStruct((_N, _H), _f32),
)


def _tc_fin_body(aggp_ref, degi_ref, wgc_ref, bgc_ref, wpool_ref,
                 bpool_ref, wout_ref, bout_ref, colors_ref, sat_ref):
    deg = degi_ref[0, :, 0:1] + degi_ref[1, :, 0:1]
    agg = (aggp_ref[0] + aggp_ref[1]) * lax.rsqrt(jnp.maximum(deg, 1.0))
    gc = jnp.dot(agg, wgc_ref[...], preferred_element_type=_f32) + bgc_ref[...]
    colors = jax.nn.softmax(gc, axis=1)
    colors_ref[...] = colors
    pool = jnp.dot(colors, wpool_ref[...],
                   preferred_element_type=_f32) + bpool_ref[...]
    gate = jax.nn.softmax(pool, axis=0)
    readout = jnp.sum(gate * colors, axis=0, keepdims=True)
    sat_ref[...] = jax.nn.sigmoid(
        jnp.dot(readout, wout_ref[...], preferred_element_type=_f32)
        + bout_ref[...])


_tc_fin = pl.pallas_call(
    _tc_fin_body,
    out_shape=[jax.ShapeDtypeStruct((_N, _C), _f32),
               jax.ShapeDtypeStruct((1, 1), _f32)],
)



def kernel(x, edge_index, W_e, b_e, W_ih, b_ih, W_hh, b_hh,
           W_gc, b_gc, W_pool, b_pool, W_out, b_out):
    src = edge_index[0]
    dst = edge_index[1]
    pad = _EPWP - _EPW
    src4 = jnp.pad(src.reshape(_NW, _EPW), ((0, 0), (0, pad)),
                   constant_values=0).reshape(_NW, _NCHP, _CHP)
    dst4 = jnp.pad(dst.reshape(_NW, _EPW), ((0, 0), (0, pad)),
                   constant_values=_NP - 8).reshape(_NW, _NCHP, _CHP)
    edges4 = jnp.stack([src4, dst4], axis=1)
    zrows = jnp.zeros((_RPT, _H), _f32)
    ones_rows = jnp.ones((_CHP, _H), _f32)
    be2 = b_e.reshape(1, _H)
    bih2 = b_ih.reshape(1, 3 * _H)
    bhh2 = b_hh.reshape(1, 3 * _H)
    bgc2 = b_gc.reshape(1, _C)
    bpool2 = b_pool.reshape(1, 1)
    bout2 = b_out.reshape(1, 1)

    sc_spmm, sc_deg = _make_sc_kernels()
    h, mh = _tc_init(x, W_e, be2)
    dego, degi = sc_deg(edges4, ones_rows, zrows)
    dego = dego.reshape(_NC, _NP, _H)[:, :_N, :1]
    degi = degi.reshape(_NC, _NP, _H)[:, :_N, :1]
    for _ in range(_T):
        ap = sc_spmm(mh, edges4, zrows).reshape(_NC, _NP, _H)[:, :_N, :]
        h, mh = _tc_gru(ap, h, W_ih, bih2, W_hh, bhh2, W_e, be2)
    hs = _tc_hs(h, dego)
    aggp = sc_spmm(hs, edges4, zrows).reshape(_NC, _NP, _H)[:, :_N, :]
    colors, sat = _tc_fin(aggp, degi, W_gc, bgc2,
                          W_pool, bpool2, W_out, bout2)
    return colors, sat.reshape(())

# --- scband reference (transcript-rebuilt; emitter-appended) ---
"""Pipeline reference for scband-hash-sat-7224134991918 (READ-ONLY COPY).

The authoritative reference and input builder live on the scoring server;
editing this copy changes nothing except your own understanding.
"""

import jax, jax.numpy as jnp
import numpy as np

N = 10000
E = 320000
H = 128
C = 3
T = 5

def setup_inputs(seed: int = 0):
    key = jax.random.key(seed)
    ks = jax.random.split(key, 12)
    x = jax.random.uniform(ks[0], (N, H), dtype=jnp.float32)
    edge_index = jax.random.randint(ks[1], (2, E), 0, N, dtype=jnp.int32)
    s = 1.0 / np.sqrt(H)
    W_e = jax.random.normal(ks[2], (H, H), dtype=jnp.float32) * s
    b_e = jnp.zeros((H,), dtype=jnp.float32)
    W_ih = jax.random.normal(ks[3], (3 * H, H), dtype=jnp.float32) * s
    b_ih = jnp.zeros((3 * H,), dtype=jnp.float32)
    W_hh = jax.random.normal(ks[4], (3 * H, H), dtype=jnp.float32) * s
    b_hh = jnp.zeros((3 * H,), dtype=jnp.float32)
    W_gc = jax.random.normal(ks[5], (H, C), dtype=jnp.float32) * s
    b_gc = jnp.zeros((C,), dtype=jnp.float32)
    W_pool = jax.random.normal(ks[6], (C, 1), dtype=jnp.float32) * 0.5
    b_pool = jnp.zeros((1,), dtype=jnp.float32)
    W_out = jax.random.normal(ks[7], (C, 1), dtype=jnp.float32) * 0.5
    b_out = jnp.zeros((1,), dtype=jnp.float32)
    return {"x": x, "edge_index": edge_index, "W_e": W_e, "b_e": b_e, "W_ih": W_ih, "b_ih": b_ih, "W_hh": W_hh, "b_hh": b_hh, "W_gc": W_gc, "b_gc": b_gc, "W_pool": W_pool, "b_pool": b_pool, "W_out": W_out, "b_out": b_out}

def _gru(a, h, W_ih, b_ih, W_hh, b_hh):
    gi = a @ W_ih.T + b_ih
    gh = h @ W_hh.T + b_hh
    i_r, i_z, i_n = jnp.split(gi, 3, axis=1)
    h_r, h_z, h_n = jnp.split(gh, 3, axis=1)
    r = jax.nn.sigmoid(i_r + h_r)
    z = jax.nn.sigmoid(i_z + h_z)
    n = jnp.tanh(i_n + r * h_n)
    return (1.0 - z) * n + z * h

def reference(x, edge_index, W_e, b_e, W_ih, b_ih, W_hh, b_hh, W_gc, b_gc, W_pool, b_pool, W_out, b_out):
    src = edge_index[0]
    dst = edge_index[1]
    h = x / jnp.sqrt(jnp.float32(H))
    for _ in range(T):
        m = (h @ W_e.T + b_e)[src]
        a = jnp.zeros((N, H), dtype=h.dtype).at[dst].add(m)
        h = _gru(a, h, W_ih, b_ih, W_hh, b_hh)
    deg_out = jnp.clip(jnp.bincount(src, length=N), 1, None).astype(h.dtype)
    deg_in = jnp.clip(jnp.bincount(dst, length=N), 1, None).astype(h.dtype)
    hs = h * (deg_out ** -0.5)[:, None]
    agg = jnp.zeros((N, H), dtype=h.dtype).at[dst].add(hs[src])
    agg = agg * (deg_in ** -0.5)[:, None]
    gc = agg @ W_gc + b_gc
    colors = jax.nn.softmax(gc, axis=1)
    gate = jax.nn.softmax(colors @ W_pool + b_pool, axis=0)
    readout = jnp.sum(gate * colors, axis=0, keepdims=True)
    sat = jax.nn.sigmoid(readout @ W_out + b_out).squeeze()
    return colors, sat

if __name__ == "__main__":
    import jax
    _d = setup_inputs()
    print(jax.jit(kernel)(*tuple(_d.values())))

</pallas_src>

<mosaic_0001>
#map = affine_map<(d0, d1) -> (0, 0)>
#map1 = affine_map<(d0, d1) -> (0, 0, 0, 0)>
module attributes {stable_mosaic.version = 14 : i64} {
  func.func @_sc_spmm(%arg0: i32, %arg1: i32, %arg2: memref<10000x128xf32, #tpu.memory_space<hbm>>, %arg3: memref<32x2x90x112xi32, #tpu.memory_space<hbm>>, %arg4: memref<640x128xf32, #tpu.memory_space<hbm>>, %arg5: memref<20480x128xf32, #tpu.memory_space<hbm>>, %arg6: memref<10240x128xf32, #tpu.memory_space<vmem_shared>>, %arg7: memref<2x90x112xi32, #tpu.memory_space<vmem>>, %arg8: memref<112x128xf32, #tpu.memory_space<vmem>>, %arg9: memref<!tpu.dma_semaphore, #tpu.memory_space<semaphore_mem>>) attributes {dimension_semantics = [#tpu.dimension_semantics<core_parallel>, #tpu.dimension_semantics<subcore_parallel>], iteration_bounds = array<i64: 2, 16>, scalar_prefetch = 0 : i64, scratch_operands = 4 : i64, tpu.core_type = #tpu.core_type<sc_vector_subcore>, window_params = [{transform_indices = #map}, {transform_indices = #map1}, {transform_indices = #map}, {transform_indices = #map}]} {
    %mul3A = arith.constant 2 : i32
    %mul3A_0 = arith.muli %arg1, %mul3A : i32
    %add3A = arith.addi %mul3A_0, %arg0 : i32
    "tpu.region"() ({
      %run_scoped3A = tpu.sem_alloc : memref<!tpu.dma_semaphore, #tpu.memory_space<semaphore_mem>>
      %dma_start3A = arith.constant 0 : i32
      %dma_start3A_16 = arith.constant 0 : i32
      %dma_start3A_17 = arith.constant 0 : i32
      %dma_start3A_18 = tpu.memref_slice %arg3[%add3A, %dma_start3A, %dma_start3A_16, %dma_start3A_17] : memref<32x2x90x112xi32, #tpu.memory_space<hbm>> -> memref<1x2x90x112xi32, #tpu.memory_space<hbm>>
      %dma_start3A_19 = tpu.memref_squeeze %dma_start3A_18 : memref<1x2x90x112xi32, #tpu.memory_space<hbm>> -> memref<2x90x112xi32, #tpu.memory_space<hbm>>
      %dma_start3A_20 = arith.constant 0 : i32
      %dma_start3A_21 = arith.constant 0 : i32
      %dma_start3A_22 = arith.constant 0 : i32
      %dma_start3A_23 = tpu.memref_slice %arg3[%add3A, %dma_start3A_20, %dma_start3A_21, %dma_start3A_22] : memref<32x2x90x112xi32, #tpu.memory_space<hbm>> -> memref<1x2x90x112xi32, #tpu.memory_space<hbm>>
      %dma_start3A_24 = tpu.memref_squeeze %dma_start3A_23 : memref<1x2x90x112xi32, #tpu.memory_space<hbm>> -> memref<2x90x112xi32, #tpu.memory_space<hbm>>
      tpu.enqueue_dma source(%dma_start3A_24 : memref<2x90x112xi32, #tpu.memory_space<hbm>>) target(%arg7 : memref<2x90x112xi32, #tpu.memory_space<vmem>>) target_semaphore(%run_scoped3A : memref<!tpu.dma_semaphore, #tpu.memory_space<semaphore_mem>>)
      %dma_wait3A = arith.constant 0 : i32
      %dma_wait3A_25 = arith.constant 0 : i32
      %dma_wait3A_26 = arith.constant 0 : i32
      %dma_wait3A_27 = tpu.memref_slice %arg3[%add3A, %dma_wait3A, %dma_wait3A_25, %dma_wait3A_26] : memref<32x2x90x112xi32, #tpu.memory_space<hbm>> -> memref<1x2x90x112xi32, #tpu.memory_space<hbm>>
      %dma_wait3A_28 = tpu.memref_squeeze %dma_wait3A_27 : memref<1x2x90x112xi32, #tpu.memory_space<hbm>> -> memref<2x90x112xi32, #tpu.memory_space<hbm>>
      %dma_wait3A_29 = arith.constant 0 : i32
      %dma_wait3A_30 = arith.constant 0 : i32
      %dma_wait3A_31 = arith.constant 0 : i32
      %dma_wait3A_32 = tpu.memref_slice %arg3[%add3A, %dma_wait3A_29, %dma_wait3A_30, %dma_wait3A_31] : memref<32x2x90x112xi32, #tpu.memory_space<hbm>> -> memref<1x2x90x112xi32, #tpu.memory_space<hbm>>
      %dma_wait3A_33 = tpu.memref_squeeze %dma_wait3A_32 : memref<1x2x90x112xi32, #tpu.memory_space<hbm>> -> memref<2x90x112xi32, #tpu.memory_space<hbm>>
      tpu.wait_dma2 semaphore(%run_scoped3A : memref<!tpu.dma_semaphore, #tpu.memory_space<semaphore_mem>>) src(%dma_wait3A_33 : memref<2x90x112xi32, #tpu.memory_space<hbm>>) dst(%arg7 : memref<2x90x112xi32, #tpu.memory_space<vmem>>)
      tpu.yield
    }) : () -> ()
    %mul3A_1 = arith.constant 640 : i32
    %mul3A_2 = arith.muli %arg1, %mul3A_1 : i32
    "tpu.region"() ({
      %run_scoped3A = tpu.sem_alloc : memref<!tpu.dma_semaphore, #tpu.memory_space<semaphore_mem>>
      %dma_start3A = arith.constant 0 : i32
      %dma_start3A_16 = tpu.memref_slice %arg6[%mul3A_2, %dma_start3A] : memref<10240x128xf32, #tpu.memory_space<vmem_shared>> -> memref<640x128xf32, #tpu.memory_space<vmem_shared>>
      tpu.enqueue_dma source(%arg4 : memref<640x128xf32, #tpu.memory_space<hbm>>) target(%dma_start3A_16 : memref<640x128xf32, #tpu.memory_space<vmem_shared>>) target_semaphore(%run_scoped3A : memref<!tpu.dma_semaphore, #tpu.memory_space<semaphore_mem>>)
      %dma_wait3A = arith.constant 0 : i32
      %dma_wait3A_17 = tpu.memref_slice %arg6[%mul3A_2, %dma_wait3A] : memref<10240x128xf32, #tpu.memory_space<vmem_shared>> -> memref<640x128xf32, #tpu.memory_space<vmem_shared>>
      tpu.wait_dma2 semaphore(%run_scoped3A : memref<!tpu.dma_semaphore, #tpu.memory_space<semaphore_mem>>) src(%arg4 : memref<640x128xf32, #tpu.memory_space<hbm>>) dst(%dma_wait3A_17 : memref<640x128xf32, #tpu.memory_space<vmem_shared>>)
      tpu.yield
    }) : () -> ()
    %barrier3A = arith.constant 0 : index
    tpu.barrier barrier_id(%barrier3A)
    %scan3A = arith.constant 0 : i32
    %scan3A_3 = arith.constant 0 : i32
    %scan3A_4 = arith.constant 90 : i32
    %scan3A_5 = arith.addi %scan3A_3, %scan3A_4 : i32
    %scan3A_6 = arith.constant 1 : i32
    scf.for %scan3A_16 = %scan3A_3 to %scan3A_5 step %scan3A_6  : i32 {
      %dma_start3A = arith.constant 0 : i32
      %dma_start3A_17 = arith.constant 0 : i32
      %dma_start3A_18 = tpu.memref_slice %arg7[%dma_start3A, %scan3A_16, %dma_start3A_17] : memref<2x90x112xi32, #tpu.memory_space<vmem>> -> memref<1x1x112xi32, #tpu.memory_space<vmem>>
      %dma_start3A_19 = tpu.memref_squeeze %dma_start3A_18 : memref<1x1x112xi32, #tpu.memory_space<vmem>> -> memref<112xi32, #tpu.memory_space<vmem>>
      %dma_start3A_20 = arith.constant 0 : i32
      %dma_start3A_21 = arith.constant 0 : i32
      %dma_start3A_22 = tpu.memref_slice %arg2[%dma_start3A_20, %dma_start3A_21] : memref<10000x128xf32, #tpu.memory_space<hbm>> -> memref<10000x128xf32, #tpu.memory_space<hbm>>
      tpu.enqueue_indirect_dma source(%dma_start3A_22 : memref<10000x128xf32, #tpu.memory_space<hbm>>) target(%arg8 : memref<112x128xf32, #tpu.memory_space<vmem>>) offsets(%dma_start3A_19 : memref<112xi32, #tpu.memory_space<vmem>>) semaphore(%arg9 : memref<!tpu.dma_semaphore, #tpu.memory_space<semaphore_mem>>)
      %dma_wait3A = arith.constant 0 : i32
      %dma_wait3A_23 = arith.constant 0 : i32
      %dma_wait3A_24 = tpu.memref_slice %arg7[%dma_wait3A, %scan3A_16, %dma_wait3A_23] : memref<2x90x112xi32, #tpu.memory_space<vmem>> -> memref<1x1x112xi32, #tpu.memory_space<vmem>>
      %dma_wait3A_25 = tpu.memref_squeeze %dma_wait3A_24 : memref<1x1x112xi32, #tpu.memory_space<vmem>> -> memref<112xi32, #tpu.memory_space<vmem>>
      %dma_wait3A_26 = arith.constant 0 : i32
      %dma_wait3A_27 = arith.constant 0 : i32
      %dma_wait3A_28 = tpu.memref_slice %arg2[%dma_wait3A_26, %dma_wait3A_27] : memref<10000x128xf32, #tpu.memory_space<hbm>> -> memref<10000x128xf32, #tpu.memory_space<hbm>>
      tpu.wait_indirect_dma semaphore(%arg9 : memref<!tpu.dma_semaphore, #tpu.memory_space<semaphore_mem>>) src(%dma_wait3A_28 : memref<10000x128xf32, #tpu.memory_space<hbm>>) dst(%arg8 : memref<112x128xf32, #tpu.memory_space<vmem>>)
      %run_scoped3A = arith.constant 1 : i32
      "tpu.region"() ({
        %run_scoped3A_29 = tpu.sem_alloc : memref<!tpu.dma_semaphore, #tpu.memory_space<semaphore_mem>>
        %dma_start3A_30 = arith.constant 0 : i32
        %dma_start3A_31 = tpu.memref_slice %arg7[%run_scoped3A, %scan3A_16, %dma_start3A_30] : memref<2x90x112xi32, #tpu.memory_space<vmem>> -> memref<1x1x112xi32, #tpu.memory_space<vmem>>
        %dma_start3A_32 = tpu.memref_squeeze %dma_start3A_31 : memref<1x1x112xi32, #tpu.memory_space<vmem>> -> memref<112xi32, #tpu.memory_space<vmem>>
        %dma_start3A_33 = arith.constant 0 : i32
        %dma_start3A_34 = arith.constant 0 : i32
        %dma_start3A_35 = tpu.memref_slice %arg6[%dma_start3A_33, %dma_start3A_34] : memref<10240x128xf32, #tpu.memory_space<vmem_shared>> -> memref<10240x128xf32, #tpu.memory_space<vmem_shared>>
        tpu.enqueue_indirect_dma source(%arg8 : memref<112x128xf32, #tpu.memory_space<vmem>>) target(%dma_start3A_35 : memref<10240x128xf32, #tpu.memory_space<vmem_shared>>) offsets(%dma_start3A_32 : memref<112xi32, #tpu.memory_space<vmem>>) semaphore(%run_scoped3A_29 : memref<!tpu.dma_semaphore, #tpu.memory_space<semaphore_mem>>) {add = true}
        %dma_wait3A_36 = arith.constant 0 : i32
        %dma_wait3A_37 = tpu.memref_slice %arg7[%run_scoped3A, %scan3A_16, %dma_wait3A_36] : memref<2x90x112xi32, #tpu.memory_space<vmem>> -> memref<1x1x112xi32, #tpu.memory_space<vmem>>
        %dma_wait3A_38 = tpu.memref_squeeze %dma_wait3A_37 : memref<1x1x112xi32, #tpu.memory_space<vmem>> -> memref<112xi32, #tpu.memory_space<vmem>>
        %dma_wait3A_39 = arith.constant 0 : i32
        %dma_wait3A_40 = arith.constant 0 : i32
        %dma_wait3A_41 = tpu.memref_slice %arg6[%dma_wait3A_39, %dma_wait3A_40] : memref<10240x128xf32, #tpu.memory_space<vmem_shared>> -> memref<10240x128xf32, #tpu.memory_space<vmem_shared>>
        tpu.wait_indirect_dma semaphore(%run_scoped3A_29 : memref<!tpu.dma_semaphore, #tpu.memory_space<semaphore_mem>>) src(%arg8 : memref<112x128xf32, #tpu.memory_space<vmem>>) dst(%dma_wait3A_41 : memref<10240x128xf32, #tpu.memory_space<vmem_shared>>)
        tpu.yield
      }) : () -> ()
    }
    %scan3A_7 = arith.constant 90 : i32
    %barrier3A_8 = arith.constant 0 : index
    tpu.barrier barrier_id(%barrier3A_8)
    %mul3A_9 = arith.constant 640 : i32
    %mul3A_10 = arith.muli %arg1, %mul3A_9 : i32
    %mul3A_11 = arith.constant 10240 : i32
    %mul3A_12 = arith.muli %arg0, %mul3A_11 : i32
    %mul3A_13 = arith.constant 640 : i32
    %mul3A_14 = arith.muli %arg1, %mul3A_13 : i32
    %add3A_15 = arith.addi %mul3A_12, %mul3A_14 : i32
    "tpu.region"() ({
      %run_scoped3A = tpu.sem_alloc : memref<!tpu.dma_semaphore, #tpu.memory_space<semaphore_mem>>
      %dma_start3A = arith.constant 0 : i32
      %dma_start3A_16 = tpu.memref_slice %arg5[%add3A_15, %dma_start3A] : memref<20480x128xf32, #tpu.memory_space<hbm>> -> memref<640x128xf32, #tpu.memory_space<hbm>>
      %dma_start3A_17 = arith.constant 0 : i32
      %dma_start3A_18 = tpu.memref_slice %arg6[%mul3A_10, %dma_start3A_17] : memref<10240x128xf32, #tpu.memory_space<vmem_shared>> -> memref<640x128xf32, #tpu.memory_space<vmem_shared>>
      tpu.enqueue_dma source(%dma_start3A_18 : memref<640x128xf32, #tpu.memory_space<vmem_shared>>) target(%dma_start3A_16 : memref<640x128xf32, #tpu.memory_space<hbm>>) target_semaphore(%run_scoped3A : memref<!tpu.dma_semaphore, #tpu.memory_space<semaphore_mem>>)
      %dma_wait3A = arith.constant 0 : i32
      %dma_wait3A_19 = tpu.memref_slice %arg5[%add3A_15, %dma_wait3A] : memref<20480x128xf32, #tpu.memory_space<hbm>> -> memref<640x128xf32, #tpu.memory_space<hbm>>
      %dma_wait3A_20 = arith.constant 0 : i32
      %dma_wait3A_21 = tpu.memref_slice %arg6[%mul3A_10, %dma_wait3A_20] : memref<10240x128xf32, #tpu.memory_space<vmem_shared>> -> memref<640x128xf32, #tpu.memory_space<vmem_shared>>
      tpu.wait_dma2 semaphore(%run_scoped3A : memref<!tpu.dma_semaphore, #tpu.memory_space<semaphore_mem>>) src(%dma_wait3A_21 : memref<640x128xf32, #tpu.memory_space<vmem_shared>>) dst(%dma_wait3A_19 : memref<640x128xf32, #tpu.memory_space<hbm>>)
      tpu.yield
    }) : () -> ()
    return
  }
}

#map = affine_map<(d0, d1) -> (0, 0)>
#map1 = affine_map<(d0, d1) -> (0, 0, 0, 0)>
module attributes {stable_mosaic.version = 14 : i64} {
  func.func @_sc_spmm(%arg0: i32, %arg1: i32, %arg2: memref<10000x128xf32, #tpu.memory_space<hbm>>, %arg3: memref<32x2x90x112xi32, #tpu.memory_space<hbm>>, %arg4: memref<640x128xf32, #tpu.memory_space<hbm>>, %arg5: memref<20480x128xf32, #tpu.memory_space<hbm>>, %arg6: memref<10240x128xf32, #tpu.memory_space<vmem_shared>>, %arg7: memref<2x90x112xi32, #tpu.memory_space<vmem>>, %arg8: memref<112x128xf32, #tpu.memory_space<vmem>>, %arg9: memref<!tpu.dma_semaphore, #tpu.memory_space<semaphore_mem>>) attributes {dimension_semantics = [#tpu.dimension_semantics<core_parallel>, #tpu.dimension_semantics<subcore_parallel>], iteration_bounds = array<i64: 2, 16>, scalar_prefetch = 0 : i64, scratch_operands = 4 : i64, tpu.core_type = #tpu.core_type<sc_vector_subcore>, window_params = [{transform_indices = #map}, {transform_indices = #map1}, {transform_indices = #map}, {transform_indices = #map}]} {
    %mul3A = arith.constant 2 : i32
    %mul3A_0 = arith.muli %arg1, %mul3A : i32
    %add3A = arith.addi %mul3A_0, %arg0 : i32
    "tpu.region"() ({
      %run_scoped3A = tpu.sem_alloc : memref<!tpu.dma_semaphore, #tpu.memory_space<semaphore_mem>>
      %dma_start3A = arith.constant 0 : i32
      %dma_start3A_16 = arith.constant 0 : i32
      %dma_start3A_17 = arith.constant 0 : i32
      %dma_start3A_18 = tpu.memref_slice %arg3[%add3A, %dma_start3A, %dma_start3A_16, %dma_start3A_17] : memref<32x2x90x112xi32, #tpu.memory_space<hbm>> -> memref<1x2x90x112xi32, #tpu.memory_space<hbm>>
      %dma_start3A_19 = tpu.memref_squeeze %dma_start3A_18 : memref<1x2x90x112xi32, #tpu.memory_space<hbm>> -> memref<2x90x112xi32, #tpu.memory_space<hbm>>
      %dma_start3A_20 = arith.constant 0 : i32
      %dma_start3A_21 = arith.constant 0 : i32
      %dma_start3A_22 = arith.constant 0 : i32
      %dma_start3A_23 = tpu.memref_slice %arg3[%add3A, %dma_start3A_20, %dma_start3A_21, %dma_start3A_22] : memref<32x2x90x112xi32, #tpu.memory_space<hbm>> -> memref<1x2x90x112xi32, #tpu.memory_space<hbm>>
      %dma_start3A_24 = tpu.memref_squeeze %dma_start3A_23 : memref<1x2x90x112xi32, #tpu.memory_space<hbm>> -> memref<2x90x112xi32, #tpu.memory_space<hbm>>
      tpu.enqueue_dma source(%dma_start3A_24 : memref<2x90x112xi32, #tpu.memory_space<hbm>>) target(%arg7 : memref<2x90x112xi32, #tpu.memory_space<vmem>>) target_semaphore(%run_scoped3A : memref<!tpu.dma_semaphore, #tpu.memory_space<semaphore_mem>>)
      %dma_wait3A = arith.constant 0 : i32
      %dma_wait3A_25 = arith.constant 0 : i32
      %dma_wait3A_26 = arith.constant 0 : i32
      %dma_wait3A_27 = tpu.memref_slice %arg3[%add3A, %dma_wait3A, %dma_wait3A_25, %dma_wait3A_26] : memref<32x2x90x112xi32, #tpu.memory_space<hbm>> -> memref<1x2x90x112xi32, #tpu.memory_space<hbm>>
      %dma_wait3A_28 = tpu.memref_squeeze %dma_wait3A_27 : memref<1x2x90x112xi32, #tpu.memory_space<hbm>> -> memref<2x90x112xi32, #tpu.memory_space<hbm>>
      %dma_wait3A_29 = arith.constant 0 : i32
      %dma_wait3A_30 = arith.constant 0 : i32
      %dma_wait3A_31 = arith.constant 0 : i32
      %dma_wait3A_32 = tpu.memref_slice %arg3[%add3A, %dma_wait3A_29, %dma_wait3A_30, %dma_wait3A_31] : memref<32x2x90x112xi32, #tpu.memory_space<hbm>> -> memref<1x2x90x112xi32, #tpu.memory_space<hbm>>
      %dma_wait3A_33 = tpu.memref_squeeze %dma_wait3A_32 : memref<1x2x90x112xi32, #tpu.memory_space<hbm>> -> memref<2x90x112xi32, #tpu.memory_space<hbm>>
      tpu.wait_dma2 semaphore(%run_scoped3A : memref<!tpu.dma_semaphore, #tpu.memory_space<semaphore_mem>>) src(%dma_wait3A_33 : memref<2x90x112xi32, #tpu.memory_space<hbm>>) dst(%arg7 : memref<2x90x112xi32, #tpu.memory_space<vmem>>)
      tpu.yield
    }) : () -> ()
    %mul3A_1 = arith.constant 640 : i32
    %mul3A_2 = arith.muli %arg1, %mul3A_1 : i32
    "tpu.region"() ({
      %run_scoped3A = tpu.sem_alloc : memref<!tpu.dma_semaphore, #tpu.memory_space<semaphore_mem>>
      %dma_start3A = arith.constant 0 : i32
      %dma_start3A_16 = tpu.memref_slice %arg6[%mul3A_2, %dma_start3A] : memref<10240x128xf32, #tpu.memory_space<vmem_shared>> -> memref<640x128xf32, #tpu.memory_space<vmem_shared>>
      tpu.enqueue_dma source(%arg4 : memref<640x128xf32, #tpu.memory_space<hbm>>) target(%dma_start3A_16 : memref<640x128xf32, #tpu.memory_space<vmem_shared>>) target_semaphore(%run_scoped3A : memref<!tpu.dma_semaphore, #tpu.memory_space<semaphore_mem>>)
      %dma_wait3A = arith.constant 0 : i32
      %dma_wait3A_17 = tpu.memref_slice %arg6[%mul3A_2, %dma_wait3A] : memref<10240x128xf32, #tpu.memory_space<vmem_shared>> -> memref<640x128xf32, #tpu.memory_space<vmem_shared>>
      tpu.wait_dma2 semaphore(%run_scoped3A : memref<!tpu.dma_semaphore, #tpu.memory_space<semaphore_mem>>) src(%arg4 : memref<640x128xf32, #tpu.memory_space<hbm>>) dst(%dma_wait3A_17 : memref<640x128xf32, #tpu.memory_space<vmem_shared>>)
      tpu.yield
    }) : () -> ()
    %barrier3A = arith.constant 0 : index
    tpu.barrier barrier_id(%barrier3A)
    %scan3A = arith.constant 0 : i32
    %scan3A_3 = arith.constant 0 : i32
    %scan3A_4 = arith.constant 90 : i32
    %scan3A_5 = arith.addi %scan3A_3, %scan3A_4 : i32
    %scan3A_6 = arith.constant 1 : i32
    scf.for %scan3A_16 = %scan3A_3 to %scan3A_5 step %scan3A_6  : i32 {
      %dma_start3A = arith.constant 0 : i32
      %dma_start3A_17 = arith.constant 0 : i32
      %dma_start3A_18 = tpu.memref_slice %arg7[%dma_start3A, %scan3A_16, %dma_start3A_17] : memref<2x90x112xi32, #tpu.memory_space<vmem>> -> memref<1x1x112xi32, #tpu.memory_space<vmem>>
      %dma_start3A_19 = tpu.memref_squeeze %dma_start3A_18 : memref<1x1x112xi32, #tpu.memory_space<vmem>> -> memref<112xi32, #tpu.memory_space<vmem>>
      %dma_start3A_20 = arith.constant 0 : i32
      %dma_start3A_21 = arith.constant 0 : i32
      %dma_start3A_22 = tpu.memref_slice %arg2[%dma_start3A_20, %dma_start3A_21] : memref<10000x128xf32, #tpu.memory_space<hbm>> -> memref<10000x128xf32, #tpu.memory_space<hbm>>
      tpu.enqueue_indirect_dma source(%dma_start3A_22 : memref<10000x128xf32, #tpu.memory_space<hbm>>) target(%arg8 : memref<112x128xf32, #tpu.memory_space<vmem>>) offsets(%dma_start3A_19 : memref<112xi32, #tpu.memory_space<vmem>>) semaphore(%arg9 : memref<!tpu.dma_semaphore, #tpu.memory_space<semaphore_mem>>)
      %dma_wait3A = arith.constant 0 : i32
      %dma_wait3A_23 = arith.constant 0 : i32
      %dma_wait3A_24 = tpu.memref_slice %arg7[%dma_wait3A, %scan3A_16, %dma_wait3A_23] : memref<2x90x112xi32, #tpu.memory_space<vmem>> -> memref<1x1x112xi32, #tpu.memory_space<vmem>>
      %dma_wait3A_25 = tpu.memref_squeeze %dma_wait3A_24 : memref<1x1x112xi32, #tpu.memory_space<vmem>> -> memref<112xi32, #tpu.memory_space<vmem>>
      %dma_wait3A_26 = arith.constant 0 : i32
      %dma_wait3A_27 = arith.constant 0 : i32
      %dma_wait3A_28 = tpu.memref_slice %arg2[%dma_wait3A_26, %dma_wait3A_27] : memref<10000x128xf32, #tpu.memory_space<hbm>> -> memref<10000x128xf32, #tpu.memory_space<hbm>>
      tpu.wait_indirect_dma semaphore(%arg9 : memref<!tpu.dma_semaphore, #tpu.memory_space<semaphore_mem>>) src(%dma_wait3A_28 : memref<10000x128xf32, #tpu.memory_space<hbm>>) dst(%arg8 : memref<112x128xf32, #tpu.memory_space<vmem>>)
      %run_scoped3A = arith.constant 1 : i32
      "tpu.region"() ({
        %run_scoped3A_29 = tpu.sem_alloc : memref<!tpu.dma_semaphore, #tpu.memory_space<semaphore_mem>>
        %dma_start3A_30 = arith.constant 0 : i32
        %dma_start3A_31 = tpu.memref_slice %arg7[%run_scoped3A, %scan3A_16, %dma_start3A_30] : memref<2x90x112xi32, #tpu.memory_space<vmem>> -> memref<1x1x112xi32, #tpu.memory_space<vmem>>
        %dma_start3A_32 = tpu.memref_squeeze %dma_start3A_31 : memref<1x1x112xi32, #tpu.memory_space<vmem>> -> memref<112xi32, #tpu.memory_space<vmem>>
        %dma_start3A_33 = arith.constant 0 : i32
        %dma_start3A_34 = arith.constant 0 : i32
        %dma_start3A_35 = tpu.memref_slice %arg6[%dma_start3A_33, %dma_start3A_34] : memref<10240x128xf32, #tpu.memory_space<vmem_shared>> -> memref<10240x128xf32, #tpu.memory_space<vmem_shared>>
        tpu.enqueue_indirect_dma source(%arg8 : memref<112x128xf32, #tpu.memory_space<vmem>>) target(%dma_start3A_35 : memref<10240x128xf32, #tpu.memory_space<vmem_shared>>) offsets(%dma_start3A_32 : memref<112xi32, #tpu.memory_space<vmem>>) semaphore(%run_scoped3A_29 : memref<!tpu.dma_semaphore, #tpu.memory_space<semaphore_mem>>) {add = true}
        %dma_wait3A_36 = arith.constant 0 : i32
        %dma_wait3A_37 = tpu.memref_slice %arg7[%run_scoped3A, %scan3A_16, %dma_wait3A_36] : memref<2x90x112xi32, #tpu.memory_space<vmem>> -> memref<1x1x112xi32, #tpu.memory_space<vmem>>
        %dma_wait3A_38 = tpu.memref_squeeze %dma_wait3A_37 : memref<1x1x112xi32, #tpu.memory_space<vmem>> -> memref<112xi32, #tpu.memory_space<vmem>>
        %dma_wait3A_39 = arith.constant 0 : i32
        %dma_wait3A_40 = arith.constant 0 : i32
        %dma_wait3A_41 = tpu.memref_slice %arg6[%dma_wait3A_39, %dma_wait3A_40] : memref<10240x128xf32, #tpu.memory_space<vmem_shared>> -> memref<10240x128xf32, #tpu.memory_space<vmem_shared>>
        tpu.wait_indirect_dma semaphore(%run_scoped3A_29 : memref<!tpu.dma_semaphore, #tpu.memory_space<semaphore_mem>>) src(%arg8 : memref<112x128xf32, #tpu.memory_space<vmem>>) dst(%dma_wait3A_41 : memref<10240x128xf32, #tpu.memory_space<vmem_shared>>)
        tpu.yield
      }) : () -> ()
    }
    %scan3A_7 = arith.constant 90 : i32
    %barrier3A_8 = arith.constant 0 : index
    tpu.barrier barrier_id(%barrier3A_8)
    %mul3A_9 = arith.constant 640 : i32
    %mul3A_10 = arith.muli %arg1, %mul3A_9 : i32
    %mul3A_11 = arith.constant 10240 : i32
    %mul3A_12 = arith.muli %arg0, %mul3A_11 : i32
    %mul3A_13 = arith.constant 640 : i32
    %mul3A_14 = arith.muli %arg1, %mul3A_13 : i32
    %add3A_15 = arith.addi %mul3A_12, %mul3A_14 : i32
    "tpu.region"() ({
      %run_scoped3A = tpu.sem_alloc : memref<!tpu.dma_semaphore, #tpu.memory_space<semaphore_mem>>
      %dma_start3A = arith.constant 0 : i32
      %dma_start3A_16 = tpu.memref_slice %arg5[%add3A_15, %dma_start3A] : memref<20480x128xf32, #tpu.memory_space<hbm>> -> memref<640x128xf32, #tpu.memory_space<hbm>>
      %dma_start3A_17 = arith.constant 0 : i32
      %dma_start3A_18 = tpu.memref_slice %arg6[%mul3A_10, %dma_start3A_17] : memref<10240x128xf32, #tpu.memory_space<vmem_shared>> -> memref<640x128xf32, #tpu.memory_space<vmem_shared>>
      tpu.enqueue_dma source(%dma_start3A_18 : memref<640x128xf32, #tpu.memory_space<vmem_shared>>) target(%dma_start3A_16 : memref<640x128xf32, #tpu.memory_space<hbm>>) target_semaphore(%run_scoped3A : memref<!tpu.dma_semaphore, #tpu.memory_space<semaphore_mem>>)
      %dma_wait3A = arith.constant 0 : i32
      %dma_wait3A_19 = tpu.memref_slice %arg5[%add3A_15, %dma_wait3A] : memref<20480x128xf32, #tpu.memory_space<hbm>> -> memref<640x128xf32, #tpu.memory_space<hbm>>
      %dma_wait3A_20 = arith.constant 0 : i32
      %dma_wait3A_21 = tpu.memref_slice %arg6[%mul3A_10, %dma_wait3A_20] : memref<10240x128xf32, #tpu.memory_space<vmem_shared>> -> memref<640x128xf32, #tpu.memory_space<vmem_shared>>
      tpu.wait_dma2 semaphore(%run_scoped3A : memref<!tpu.dma_semaphore, #tpu.memory_space<semaphore_mem>>) src(%dma_wait3A_21 : memref<640x128xf32, #tpu.memory_space<vmem_shared>>) dst(%dma_wait3A_19 : memref<640x128xf32, #tpu.memory_space<hbm>>)
      tpu.yield
    }) : () -> ()
    return
  }
}

#map = affine_map<(d0, d1) -> (0, 0)>
#map1 = affine_map<(d0, d1) -> (0, 0, 0, 0)>
module attributes {stable_mosaic.version = 14 : i64} {
  func.func @_sc_spmm(%arg0: i32, %arg1: i32, %arg2: memref<10000x128xf32, #tpu.memory_space<hbm>>, %arg3: memref<32x2x90x112xi32, #tpu.memory_space<hbm>>, %arg4: memref<640x128xf32, #tpu.memory_space<hbm>>, %arg5: memref<20480x128xf32, #tpu.memory_space<hbm>>, %arg6: memref<10240x128xf32, #tpu.memory_space<vmem_shared>>, %arg7: memref<2x90x112xi32, #tpu.memory_space<vmem>>, %arg8: memref<112x128xf32, #tpu.memory_space<vmem>>, %arg9: memref<!tpu.dma_semaphore, #tpu.memory_space<semaphore_mem>>) attributes {dimension_semantics = [#tpu.dimension_semantics<core_parallel>, #tpu.dimension_semantics<subcore_parallel>], iteration_bounds = array<i64: 2, 16>, scalar_prefetch = 0 : i64, scratch_operands = 4 : i64, tpu.core_type = #tpu.core_type<sc_vector_subcore>, window_params = [{transform_indices = #map}, {transform_indices = #map1}, {transform_indices = #map}, {transform_indices = #map}]} {
    %mul3A = arith.constant 2 : i32
    %mul3A_0 = arith.muli %arg1, %mul3A : i32
    %add3A = arith.addi %mul3A_0, %arg0 : i32
    "tpu.region"() ({
      %run_scoped3A = tpu.sem_alloc : memref<!tpu.dma_semaphore, #tpu.memory_space<semaphore_mem>>
      %dma_start3A = arith.constant 0 : i32
      %dma_start3A_16 = arith.constant 0 : i32
      %dma_start3A_17 = arith.constant 0 : i32
      %dma_start3A_18 = tpu.memref_slice %arg3[%add3A, %dma_start3A, %dma_start3A_16, %dma_start3A_17] : memref<32x2x90x112xi32, #tpu.memory_space<hbm>> -> memref<1x2x90x112xi32, #tpu.memory_space<hbm>>
      %dma_start3A_19 = tpu.memref_squeeze %dma_start3A_18 : memref<1x2x90x112xi32, #tpu.memory_space<hbm>> -> memref<2x90x112xi32, #tpu.memory_space<hbm>>
      %dma_start3A_20 = arith.constant 0 : i32
      %dma_start3A_21 = arith.constant 0 : i32
      %dma_start3A_22 = arith.constant 0 : i32
      %dma_start3A_23 = tpu.memref_slice %arg3[%add3A, %dma_start3A_20, %dma_start3A_21, %dma_start3A_22] : memref<32x2x90x112xi32, #tpu.memory_space<hbm>> -> memref<1x2x90x112xi32, #tpu.memory_space<hbm>>
      %dma_start3A_24 = tpu.memref_squeeze %dma_start3A_23 : memref<1x2x90x112xi32, #tpu.memory_space<hbm>> -> memref<2x90x112xi32, #tpu.memory_space<hbm>>
      tpu.enqueue_dma source(%dma_start3A_24 : memref<2x90x112xi32, #tpu.memory_space<hbm>>) target(%arg7 : memref<2x90x112xi32, #tpu.memory_space<vmem>>) target_semaphore(%run_scoped3A : memref<!tpu.dma_semaphore, #tpu.memory_space<semaphore_mem>>)
      %dma_wait3A = arith.constant 0 : i32
      %dma_wait3A_25 = arith.constant 0 : i32
      %dma_wait3A_26 = arith.constant 0 : i32
      %dma_wait3A_27 = tpu.memref_slice %arg3[%add3A, %dma_wait3A, %dma_wait3A_25, %dma_wait3A_26] : memref<32x2x90x112xi32, #tpu.memory_space<hbm>> -> memref<1x2x90x112xi32, #tpu.memory_space<hbm>>
      %dma_wait3A_28 = tpu.memref_squeeze %dma_wait3A_27 : memref<1x2x90x112xi32, #tpu.memory_space<hbm>> -> memref<2x90x112xi32, #tpu.memory_space<hbm>>
      %dma_wait3A_29 = arith.constant 0 : i32
      %dma_wait3A_30 = arith.constant 0 : i32
      %dma_wait3A_31 = arith.constant 0 : i32
      %dma_wait3A_32 = tpu.memref_slice %arg3[%add3A, %dma_wait3A_29, %dma_wait3A_30, %dma_wait3A_31] : memref<32x2x90x112xi32, #tpu.memory_space<hbm>> -> memref<1x2x90x112xi32, #tpu.memory_space<hbm>>
      %dma_wait3A_33 = tpu.memref_squeeze %dma_wait3A_32 : memref<1x2x90x112xi32, #tpu.memory_space<hbm>> -> memref<2x90x112xi32, #tpu.memory_space<hbm>>
      tpu.wait_dma2 semaphore(%run_scoped3A : memref<!tpu.dma_semaphore, #tpu.memory_space<semaphore_mem>>) src(%dma_wait3A_33 : memref<2x90x112xi32, #tpu.memory_space<hbm>>) dst(%arg7 : memref<2x90x112xi32, #tpu.memory_space<vmem>>)
      tpu.yield
    }) : () -> ()
    %mul3A_1 = arith.constant 640 : i32
    %mul3A_2 = arith.muli %arg1, %mul3A_1 : i32
    "tpu.region"() ({
      %run_scoped3A = tpu.sem_alloc : memref<!tpu.dma_semaphore, #tpu.memory_space<semaphore_mem>>
      %dma_start3A = arith.constant 0 : i32
      %dma_start3A_16 = tpu.memref_slice %arg6[%mul3A_2, %dma_start3A] : memref<10240x128xf32, #tpu.memory_space<vmem_shared>> -> memref<640x128xf32, #tpu.memory_space<vmem_shared>>
      tpu.enqueue_dma source(%arg4 : memref<640x128xf32, #tpu.memory_space<hbm>>) target(%dma_start3A_16 : memref<640x128xf32, #tpu.memory_space<vmem_shared>>) target_semaphore(%run_scoped3A : memref<!tpu.dma_semaphore, #tpu.memory_space<semaphore_mem>>)
      %dma_wait3A = arith.constant 0 : i32
      %dma_wait3A_17 = tpu.memref_slice %arg6[%mul3A_2, %dma_wait3A] : memref<10240x128xf32, #tpu.memory_space<vmem_shared>> -> memref<640x128xf32, #tpu.memory_space<vmem_shared>>
      tpu.wait_dma2 semaphore(%run_scoped3A : memref<!tpu.dma_semaphore, #tpu.memory_space<semaphore_mem>>) src(%arg4 : memref<640x128xf32, #tpu.memory_space<hbm>>) dst(%dma_wait3A_17 : memref<640x128xf32, #tpu.memory_space<vmem_shared>>)
      tpu.yield
    }) : () -> ()
    %barrier3A = arith.constant 0 : index
    tpu.barrier barrier_id(%barrier3A)
    %scan3A = arith.constant 0 : i32
    %scan3A_3 = arith.constant 0 : i32
    %scan3A_4 = arith.constant 90 : i32
    %scan3A_5 = arith.addi %scan3A_3, %scan3A_4 : i32
    %scan3A_6 = arith.constant 1 : i32
    scf.for %scan3A_16 = %scan3A_3 to %scan3A_5 step %scan3A_6  : i32 {
      %dma_start3A = arith.constant 0 : i32
      %dma_start3A_17 = arith.constant 0 : i32
      %dma_start3A_18 = tpu.memref_slice %arg7[%dma_start3A, %scan3A_16, %dma_start3A_17] : memref<2x90x112xi32, #tpu.memory_space<vmem>> -> memref<1x1x112xi32, #tpu.memory_space<vmem>>
      %dma_start3A_19 = tpu.memref_squeeze %dma_start3A_18 : memref<1x1x112xi32, #tpu.memory_space<vmem>> -> memref<112xi32, #tpu.memory_space<vmem>>
      %dma_start3A_20 = arith.constant 0 : i32
      %dma_start3A_21 = arith.constant 0 : i32
      %dma_start3A_22 = tpu.memref_slice %arg2[%dma_start3A_20, %dma_start3A_21] : memref<10000x128xf32, #tpu.memory_space<hbm>> -> memref<10000x128xf32, #tpu.memory_space<hbm>>
      tpu.enqueue_indirect_dma source(%dma_start3A_22 : memref<10000x128xf32, #tpu.memory_space<hbm>>) target(%arg8 : memref<112x128xf32, #tpu.memory_space<vmem>>) offsets(%dma_start3A_19 : memref<112xi32, #tpu.memory_space<vmem>>) semaphore(%arg9 : memref<!tpu.dma_semaphore, #tpu.memory_space<semaphore_mem>>)
      %dma_wait3A = arith.constant 0 : i32
      %dma_wait3A_23 = arith.constant 0 : i32
      %dma_wait3A_24 = tpu.memref_slice %arg7[%dma_wait3A, %scan3A_16, %dma_wait3A_23] : memref<2x90x112xi32, #tpu.memory_space<vmem>> -> memref<1x1x112xi32, #tpu.memory_space<vmem>>
      %dma_wait3A_25 = tpu.memref_squeeze %dma_wait3A_24 : memref<1x1x112xi32, #tpu.memory_space<vmem>> -> memref<112xi32, #tpu.memory_space<vmem>>
      %dma_wait3A_26 = arith.constant 0 : i32
      %dma_wait3A_27 = arith.constant 0 : i32
      %dma_wait3A_28 = tpu.memref_slice %arg2[%dma_wait3A_26, %dma_wait3A_27] : memref<10000x128xf32, #tpu.memory_space<hbm>> -> memref<10000x128xf32, #tpu.memory_space<hbm>>
      tpu.wait_indirect_dma semaphore(%arg9 : memref<!tpu.dma_semaphore, #tpu.memory_space<semaphore_mem>>) src(%dma_wait3A_28 : memref<10000x128xf32, #tpu.memory_space<hbm>>) dst(%arg8 : memref<112x128xf32, #tpu.memory_space<vmem>>)
      %run_scoped3A = arith.constant 1 : i32
      "tpu.region"() ({
        %run_scoped3A_29 = tpu.sem_alloc : memref<!tpu.dma_semaphore, #tpu.memory_space<semaphore_mem>>
        %dma_start3A_30 = arith.constant 0 : i32
        %dma_start3A_31 = tpu.memref_slice %arg7[%run_scoped3A, %scan3A_16, %dma_start3A_30] : memref<2x90x112xi32, #tpu.memory_space<vmem>> -> memref<1x1x112xi32, #tpu.memory_space<vmem>>
        %dma_start3A_32 = tpu.memref_squeeze %dma_start3A_31 : memref<1x1x112xi32, #tpu.memory_space<vmem>> -> memref<112xi32, #tpu.memory_space<vmem>>
        %dma_start3A_33 = arith.constant 0 : i32
        %dma_start3A_34 = arith.constant 0 : i32
        %dma_start3A_35 = tpu.memref_slice %arg6[%dma_start3A_33, %dma_start3A_34] : memref<10240x128xf32, #tpu.memory_space<vmem_shared>> -> memref<10240x128xf32, #tpu.memory_space<vmem_shared>>
        tpu.enqueue_indirect_dma source(%arg8 : memref<112x128xf32, #tpu.memory_space<vmem>>) target(%dma_start3A_35 : memref<10240x128xf32, #tpu.memory_space<vmem_shared>>) offsets(%dma_start3A_32 : memref<112xi32, #tpu.memory_space<vmem>>) semaphore(%run_scoped3A_29 : memref<!tpu.dma_semaphore, #tpu.memory_space<semaphore_mem>>) {add = true}
        %dma_wait3A_36 = arith.constant 0 : i32
        %dma_wait3A_37 = tpu.memref_slice %arg7[%run_scoped3A, %scan3A_16, %dma_wait3A_36] : memref<2x90x112xi32, #tpu.memory_space<vmem>> -> memref<1x1x112xi32, #tpu.memory_space<vmem>>
        %dma_wait3A_38 = tpu.memref_squeeze %dma_wait3A_37 : memref<1x1x112xi32, #tpu.memory_space<vmem>> -> memref<112xi32, #tpu.memory_space<vmem>>
        %dma_wait3A_39 = arith.constant 0 : i32
        %dma_wait3A_40 = arith.constant 0 : i32
        %dma_wait3A_41 = tpu.memref_slice %arg6[%dma_wait3A_39, %dma_wait3A_40] : memref<10240x128xf32, #tpu.memory_space<vmem_shared>> -> memref<10240x128xf32, #tpu.memory_space<vmem_shared>>
        tpu.wait_indirect_dma semaphore(%run_scoped3A_29 : memref<!tpu.dma_semaphore, #tpu.memory_space<semaphore_mem>>) src(%arg8 : memref<112x128xf32, #tpu.memory_space<vmem>>) dst(%dma_wait3A_41 : memref<10240x128xf32, #tpu.memory_space<vmem_shared>>)
        tpu.yield
      }) : () -> ()
    }
    %scan3A_7 = arith.constant 90 : i32
    %barrier3A_8 = arith.constant 0 : index
    tpu.barrier barrier_id(%barrier3A_8)
    %mul3A_9 = arith.constant 640 : i32
    %mul3A_10 = arith.muli %arg1, %mul3A_9 : i32
    %mul3A_11 = arith.constant 10240 : i32
    %mul3A_12 = arith.muli %arg0, %mul3A_11 : i32
    %mul3A_13 = arith.constant 640 : i32
    %mul3A_14 = arith.muli %arg1, %mul3A_13 : i32
    %add3A_15 = arith.addi %mul3A_12, %mul3A_14 : i32
    "tpu.region"() ({
      %run_scoped3A = tpu.sem_alloc : memref<!tpu.dma_semaphore, #tpu.memory_space<semaphore_mem>>
      %dma_start3A = arith.constant 0 : i32
      %dma_start3A_16 = tpu.memref_slice %arg5[%add3A_15, %dma_start3A] : memref<20480x128xf32, #tpu.memory_space<hbm>> -> memref<640x128xf32, #tpu.memory_space<hbm>>
      %dma_start3A_17 = arith.constant 0 : i32
      %dma_start3A_18 = tpu.memref_slice %arg6[%mul3A_10, %dma_start3A_17] : memref<10240x128xf32, #tpu.memory_space<vmem_shared>> -> memref<640x128xf32, #tpu.memory_space<vmem_shared>>
      tpu.enqueue_dma source(%dma_start3A_18 : memref<640x128xf32, #tpu.memory_space<vmem_shared>>) target(%dma_start3A_16 : memref<640x128xf32, #tpu.memory_space<hbm>>) target_semaphore(%run_scoped3A : memref<!tpu.dma_semaphore, #tpu.memory_space<semaphore_mem>>)
      %dma_wait3A = arith.constant 0 : i32
      %dma_wait3A_19 = tpu.memref_slice %arg5[%add3A_15, %dma_wait3A] : memref<20480x128xf32, #tpu.memory_space<hbm>> -> memref<640x128xf32, #tpu.memory_space<hbm>>
      %dma_wait3A_20 = arith.constant 0 : i32
      %dma_wait3A_21 = tpu.memref_slice %arg6[%mul3A_10, %dma_wait3A_20] : memref<10240x128xf32, #tpu.memory_space<vmem_shared>> -> memref<640x128xf32, #tpu.memory_space<vmem_shared>>
      tpu.wait_dma2 semaphore(%run_scoped3A : memref<!tpu.dma_semaphore, #tpu.memory_space<semaphore_mem>>) src(%dma_wait3A_21 : memref<640x128xf32, #tpu.memory_space<vmem_shared>>) dst(%dma_wait3A_19 : memref<640x128xf32, #tpu.memory_space<hbm>>)
      tpu.yield
    }) : () -> ()
    return
  }
}

#map = affine_map<(d0, d1) -> (0, 0)>
#map1 = affine_map<(d0, d1) -> (0, 0, 0, 0)>
module attributes {stable_mosaic.version = 14 : i64} {
  func.func @_sc_spmm(%arg0: i32, %arg1: i32, %arg2: memref<10000x128xf32, #tpu.memory_space<hbm>>, %arg3: memref<32x2x90x112xi32, #tpu.memory_space<hbm>>, %arg4: memref<640x128xf32, #tpu.memory_space<hbm>>, %arg5: memref<20480x128xf32, #tpu.memory_space<hbm>>, %arg6: memref<10240x128xf32, #tpu.memory_space<vmem_shared>>, %arg7: memref<2x90x112xi32, #tpu.memory_space<vmem>>, %arg8: memref<112x128xf32, #tpu.memory_space<vmem>>, %arg9: memref<!tpu.dma_semaphore, #tpu.memory_space<semaphore_mem>>) attributes {dimension_semantics = [#tpu.dimension_semantics<core_parallel>, #tpu.dimension_semantics<subcore_parallel>], iteration_bounds = array<i64: 2, 16>, scalar_prefetch = 0 : i64, scratch_operands = 4 : i64, tpu.core_type = #tpu.core_type<sc_vector_subcore>, window_params = [{transform_indices = #map}, {transform_indices = #map1}, {transform_indices = #map}, {transform_indices = #map}]} {
    %mul3A = arith.constant 2 : i32
    %mul3A_0 = arith.muli %arg1, %mul3A : i32
    %add3A = arith.addi %mul3A_0, %arg0 : i32
    "tpu.region"() ({
      %run_scoped3A = tpu.sem_alloc : memref<!tpu.dma_semaphore, #tpu.memory_space<semaphore_mem>>
      %dma_start3A = arith.constant 0 : i32
      %dma_start3A_16 = arith.constant 0 : i32
      %dma_start3A_17 = arith.constant 0 : i32
      %dma_start3A_18 = tpu.memref_slice %arg3[%add3A, %dma_start3A, %dma_start3A_16, %dma_start3A_17] : memref<32x2x90x112xi32, #tpu.memory_space<hbm>> -> memref<1x2x90x112xi32, #tpu.memory_space<hbm>>
      %dma_start3A_19 = tpu.memref_squeeze %dma_start3A_18 : memref<1x2x90x112xi32, #tpu.memory_space<hbm>> -> memref<2x90x112xi32, #tpu.memory_space<hbm>>
      %dma_start3A_20 = arith.constant 0 : i32
      %dma_start3A_21 = arith.constant 0 : i32
      %dma_start3A_22 = arith.constant 0 : i32
      %dma_start3A_23 = tpu.memref_slice %arg3[%add3A, %dma_start3A_20, %dma_start3A_21, %dma_start3A_22] : memref<32x2x90x112xi32, #tpu.memory_space<hbm>> -> memref<1x2x90x112xi32, #tpu.memory_space<hbm>>
      %dma_start3A_24 = tpu.memref_squeeze %dma_start3A_23 : memref<1x2x90x112xi32, #tpu.memory_space<hbm>> -> memref<2x90x112xi32, #tpu.memory_space<hbm>>
      tpu.enqueue_dma source(%dma_start3A_24 : memref<2x90x112xi32, #tpu.memory_space<hbm>>) target(%arg7 : memref<2x90x112xi32, #tpu.memory_space<vmem>>) target_semaphore(%run_scoped3A : memref<!tpu.dma_semaphore, #tpu.memory_space<semaphore_mem>>)
      %dma_wait3A = arith.constant 0 : i32
      %dma_wait3A_25 = arith.constant 0 : i32
      %dma_wait3A_26 = arith.constant 0 : i32
      %dma_wait3A_27 = tpu.memref_slice %arg3[%add3A, %dma_wait3A, %dma_wait3A_25, %dma_wait3A_26] : memref<32x2x90x112xi32, #tpu.memory_space<hbm>> -> memref<1x2x90x112xi32, #tpu.memory_space<hbm>>
      %dma_wait3A_28 = tpu.memref_squeeze %dma_wait3A_27 : memref<1x2x90x112xi32, #tpu.memory_space<hbm>> -> memref<2x90x112xi32, #tpu.memory_space<hbm>>
      %dma_wait3A_29 = arith.constant 0 : i32
      %dma_wait3A_30 = arith.constant 0 : i32
      %dma_wait3A_31 = arith.constant 0 : i32
      %dma_wait3A_32 = tpu.memref_slice %arg3[%add3A, %dma_wait3A_29, %dma_wait3A_30, %dma_wait3A_31] : memref<32x2x90x112xi32, #tpu.memory_space<hbm>> -> memref<1x2x90x112xi32, #tpu.memory_space<hbm>>
      %dma_wait3A_33 = tpu.memref_squeeze %dma_wait3A_32 : memref<1x2x90x112xi32, #tpu.memory_space<hbm>> -> memref<2x90x112xi32, #tpu.memory_space<hbm>>
      tpu.wait_dma2 semaphore(%run_scoped3A : memref<!tpu.dma_semaphore, #tpu.memory_space<semaphore_mem>>) src(%dma_wait3A_33 : memref<2x90x112xi32, #tpu.memory_space<hbm>>) dst(%arg7 : memref<2x90x112xi32, #tpu.memory_space<vmem>>)
      tpu.yield
    }) : () -> ()
    %mul3A_1 = arith.constant 640 : i32
    %mul3A_2 = arith.muli %arg1, %mul3A_1 : i32
    "tpu.region"() ({
      %run_scoped3A = tpu.sem_alloc : memref<!tpu.dma_semaphore, #tpu.memory_space<semaphore_mem>>
      %dma_start3A = arith.constant 0 : i32
      %dma_start3A_16 = tpu.memref_slice %arg6[%mul3A_2, %dma_start3A] : memref<10240x128xf32, #tpu.memory_space<vmem_shared>> -> memref<640x128xf32, #tpu.memory_space<vmem_shared>>
      tpu.enqueue_dma source(%arg4 : memref<640x128xf32, #tpu.memory_space<hbm>>) target(%dma_start3A_16 : memref<640x128xf32, #tpu.memory_space<vmem_shared>>) target_semaphore(%run_scoped3A : memref<!tpu.dma_semaphore, #tpu.memory_space<semaphore_mem>>)
      %dma_wait3A = arith.constant 0 : i32
      %dma_wait3A_17 = tpu.memref_slice %arg6[%mul3A_2, %dma_wait3A] : memref<10240x128xf32, #tpu.memory_space<vmem_shared>> -> memref<640x128xf32, #tpu.memory_space<vmem_shared>>
      tpu.wait_dma2 semaphore(%run_scoped3A : memref<!tpu.dma_semaphore, #tpu.memory_space<semaphore_mem>>) src(%arg4 : memref<640x128xf32, #tpu.memory_space<hbm>>) dst(%dma_wait3A_17 : memref<640x128xf32, #tpu.memory_space<vmem_shared>>)
      tpu.yield
    }) : () -> ()
    %barrier3A = arith.constant 0 : index
    tpu.barrier barrier_id(%barrier3A)
    %scan3A = arith.constant 0 : i32
    %scan3A_3 = arith.constant 0 : i32
    %scan3A_4 = arith.constant 90 : i32
    %scan3A_5 = arith.addi %scan3A_3, %scan3A_4 : i32
    %scan3A_6 = arith.constant 1 : i32
    scf.for %scan3A_16 = %scan3A_3 to %scan3A_5 step %scan3A_6  : i32 {
      %dma_start3A = arith.constant 0 : i32
      %dma_start3A_17 = arith.constant 0 : i32
      %dma_start3A_18 = tpu.memref_slice %arg7[%dma_start3A, %scan3A_16, %dma_start3A_17] : memref<2x90x112xi32, #tpu.memory_space<vmem>> -> memref<1x1x112xi32, #tpu.memory_space<vmem>>
      %dma_start3A_19 = tpu.memref_squeeze %dma_start3A_18 : memref<1x1x112xi32, #tpu.memory_space<vmem>> -> memref<112xi32, #tpu.memory_space<vmem>>
      %dma_start3A_20 = arith.constant 0 : i32
      %dma_start3A_21 = arith.constant 0 : i32
      %dma_start3A_22 = tpu.memref_slice %arg2[%dma_start3A_20, %dma_start3A_21] : memref<10000x128xf32, #tpu.memory_space<hbm>> -> memref<10000x128xf32, #tpu.memory_space<hbm>>
      tpu.enqueue_indirect_dma source(%dma_start3A_22 : memref<10000x128xf32, #tpu.memory_space<hbm>>) target(%arg8 : memref<112x128xf32, #tpu.memory_space<vmem>>) offsets(%dma_start3A_19 : memref<112xi32, #tpu.memory_space<vmem>>) semaphore(%arg9 : memref<!tpu.dma_semaphore, #tpu.memory_space<semaphore_mem>>)
      %dma_wait3A = arith.constant 0 : i32
      %dma_wait3A_23 = arith.constant 0 : i32
      %dma_wait3A_24 = tpu.memref_slice %arg7[%dma_wait3A, %scan3A_16, %dma_wait3A_23] : memref<2x90x112xi32, #tpu.memory_space<vmem>> -> memref<1x1x112xi32, #tpu.memory_space<vmem>>
      %dma_wait3A_25 = tpu.memref_squeeze %dma_wait3A_24 : memref<1x1x112xi32, #tpu.memory_space<vmem>> -> memref<112xi32, #tpu.memory_space<vmem>>
      %dma_wait3A_26 = arith.constant 0 : i32
      %dma_wait3A_27 = arith.constant 0 : i32
      %dma_wait3A_28 = tpu.memref_slice %arg2[%dma_wait3A_26, %dma_wait3A_27] : memref<10000x128xf32, #tpu.memory_space<hbm>> -> memref<10000x128xf32, #tpu.memory_space<hbm>>
      tpu.wait_indirect_dma semaphore(%arg9 : memref<!tpu.dma_semaphore, #tpu.memory_space<semaphore_mem>>) src(%dma_wait3A_28 : memref<10000x128xf32, #tpu.memory_space<hbm>>) dst(%arg8 : memref<112x128xf32, #tpu.memory_space<vmem>>)
      %run_scoped3A = arith.constant 1 : i32
      "tpu.region"() ({
        %run_scoped3A_29 = tpu.sem_alloc : memref<!tpu.dma_semaphore, #tpu.memory_space<semaphore_mem>>
        %dma_start3A_30 = arith.constant 0 : i32
        %dma_start3A_31 = tpu.memref_slice %arg7[%run_scoped3A, %scan3A_16, %dma_start3A_30] : memref<2x90x112xi32, #tpu.memory_space<vmem>> -> memref<1x1x112xi32, #tpu.memory_space<vmem>>
        %dma_start3A_32 = tpu.memref_squeeze %dma_start3A_31 : memref<1x1x112xi32, #tpu.memory_space<vmem>> -> memref<112xi32, #tpu.memory_space<vmem>>
        %dma_start3A_33 = arith.constant 0 : i32
        %dma_start3A_34 = arith.constant 0 : i32
        %dma_start3A_35 = tpu.memref_slice %arg6[%dma_start3A_33, %dma_start3A_34] : memref<10240x128xf32, #tpu.memory_space<vmem_shared>> -> memref<10240x128xf32, #tpu.memory_space<vmem_shared>>
        tpu.enqueue_indirect_dma source(%arg8 : memref<112x128xf32, #tpu.memory_space<vmem>>) target(%dma_start3A_35 : memref<10240x128xf32, #tpu.memory_space<vmem_shared>>) offsets(%dma_start3A_32 : memref<112xi32, #tpu.memory_space<vmem>>) semaphore(%run_scoped3A_29 : memref<!tpu.dma_semaphore, #tpu.memory_space<semaphore_mem>>) {add = true}
        %dma_wait3A_36 = arith.constant 0 : i32
        %dma_wait3A_37 = tpu.memref_slice %arg7[%run_scoped3A, %scan3A_16, %dma_wait3A_36] : memref<2x90x112xi32, #tpu.memory_space<vmem>> -> memref<1x1x112xi32, #tpu.memory_space<vmem>>
        %dma_wait3A_38 = tpu.memref_squeeze %dma_wait3A_37 : memref<1x1x112xi32, #tpu.memory_space<vmem>> -> memref<112xi32, #tpu.memory_space<vmem>>
        %dma_wait3A_39 = arith.constant 0 : i32
        %dma_wait3A_40 = arith.constant 0 : i32
        %dma_wait3A_41 = tpu.memref_slice %arg6[%dma_wait3A_39, %dma_wait3A_40] : memref<10240x128xf32, #tpu.memory_space<vmem_shared>> -> memref<10240x128xf32, #tpu.memory_space<vmem_shared>>
        tpu.wait_indirect_dma semaphore(%run_scoped3A_29 : memref<!tpu.dma_semaphore, #tpu.memory_space<semaphore_mem>>) src(%arg8 : memref<112x128xf32, #tpu.memory_space<vmem>>) dst(%dma_wait3A_41 : memref<10240x128xf32, #tpu.memory_space<vmem_shared>>)
        tpu.yield
      }) : () -> ()
    }
    %scan3A_7 = arith.constant 90 : i32
    %barrier3A_8 = arith.constant 0 : index
    tpu.barrier barrier_id(%barrier3A_8)
    %mul3A_9 = arith.constant 640 : i32
    %mul3A_10 = arith.muli %arg1, %mul3A_9 : i32
    %mul3A_11 = arith.constant 10240 : i32
    %mul3A_12 = arith.muli %arg0, %mul3A_11 : i32
    %mul3A_13 = arith.constant 640 : i32
    %mul3A_14 = arith.muli %arg1, %mul3A_13 : i32
    %add3A_15 = arith.addi %mul3A_12, %mul3A_14 : i32
    "tpu.region"() ({
      %run_scoped3A = tpu.sem_alloc : memref<!tpu.dma_semaphore, #tpu.memory_space<semaphore_mem>>
      %dma_start3A = arith.constant 0 : i32
      %dma_start3A_16 = tpu.memref_slice %arg5[%add3A_15, %dma_start3A] : memref<20480x128xf32, #tpu.memory_space<hbm>> -> memref<640x128xf32, #tpu.memory_space<hbm>>
      %dma_start3A_17 = arith.constant 0 : i32
      %dma_start3A_18 = tpu.memref_slice %arg6[%mul3A_10, %dma_start3A_17] : memref<10240x128xf32, #tpu.memory_space<vmem_shared>> -> memref<640x128xf32, #tpu.memory_space<vmem_shared>>
      tpu.enqueue_dma source(%dma_start3A_18 : memref<640x128xf32, #tpu.memory_space<vmem_shared>>) target(%dma_start3A_16 : memref<640x128xf32, #tpu.memory_space<hbm>>) target_semaphore(%run_scoped3A : memref<!tpu.dma_semaphore, #tpu.memory_space<semaphore_mem>>)
      %dma_wait3A = arith.constant 0 : i32
      %dma_wait3A_19 = tpu.memref_slice %arg5[%add3A_15, %dma_wait3A] : memref<20480x128xf32, #tpu.memory_space<hbm>> -> memref<640x128xf32, #tpu.memory_space<hbm>>
      %dma_wait3A_20 = arith.constant 0 : i32
      %dma_wait3A_21 = tpu.memref_slice %arg6[%mul3A_10, %dma_wait3A_20] : memref<10240x128xf32, #tpu.memory_space<vmem_shared>> -> memref<640x128xf32, #tpu.memory_space<vmem_shared>>
      tpu.wait_dma2 semaphore(%run_scoped3A : memref<!tpu.dma_semaphore, #tpu.memory_space<semaphore_mem>>) src(%dma_wait3A_21 : memref<640x128xf32, #tpu.memory_space<vmem_shared>>) dst(%dma_wait3A_19 : memref<640x128xf32, #tpu.memory_space<hbm>>)
      tpu.yield
    }) : () -> ()
    return
  }
}

#map = affine_map<(d0, d1) -> (0, 0, 0, 0)>
#map1 = affine_map<(d0, d1) -> (0, 0)>
module attributes {stable_mosaic.version = 14 : i64} {
  func.func @_sc_deg(%arg0: i32, %arg1: i32, %arg2: memref<32x2x90x112xi32, #tpu.memory_space<hbm>>, %arg3: memref<112x128xf32, #tpu.memory_space<hbm>>, %arg4: memref<640x128xf32, #tpu.memory_space<hbm>>, %arg5: memref<20480x128xf32, #tpu.memory_space<hbm>>, %arg6: memref<20480x128xf32, #tpu.memory_space<hbm>>, %arg7: memref<10240x128xf32, #tpu.memory_space<vmem_shared>>, %arg8: memref<2x90x112xi32, #tpu.memory_space<vmem>>, %arg9: memref<112x128xf32, #tpu.memory_space<vmem>>) attributes {dimension_semantics = [#tpu.dimension_semantics<core_parallel>, #tpu.dimension_semantics<subcore_parallel>], iteration_bounds = array<i64: 2, 16>, scalar_prefetch = 0 : i64, scratch_operands = 3 : i64, tpu.core_type = #tpu.core_type<sc_vector_subcore>, window_params = [{transform_indices = #map}, {transform_indices = #map1}, {transform_indices = #map1}, {transform_indices = #map1}, {transform_indices = #map1}]} {
    %mul3A = arith.constant 2 : i32
    %mul3A_0 = arith.muli %arg1, %mul3A : i32
    %add3A = arith.addi %mul3A_0, %arg0 : i32
    "tpu.region"() ({
      %run_scoped3A = tpu.sem_alloc : memref<!tpu.dma_semaphore, #tpu.memory_space<semaphore_mem>>
      %dma_start3A = arith.constant 0 : i32
      %dma_start3A_35 = arith.constant 0 : i32
      %dma_start3A_36 = arith.constant 0 : i32
      %dma_start3A_37 = tpu.memref_slice %arg2[%add3A, %dma_start3A, %dma_start3A_35, %dma_start3A_36] : memref<32x2x90x112xi32, #tpu.memory_space<hbm>> -> memref<1x2x90x112xi32, #tpu.memory_space<hbm>>
      %dma_start3A_38 = tpu.memref_squeeze %dma_start3A_37 : memref<1x2x90x112xi32, #tpu.memory_space<hbm>> -> memref<2x90x112xi32, #tpu.memory_space<hbm>>
      %dma_start3A_39 = arith.constant 0 : i32
      %dma_start3A_40 = arith.constant 0 : i32
      %dma_start3A_41 = arith.constant 0 : i32
      %dma_start3A_42 = tpu.memref_slice %arg2[%add3A, %dma_start3A_39, %dma_start3A_40, %dma_start3A_41] : memref<32x2x90x112xi32, #tpu.memory_space<hbm>> -> memref<1x2x90x112xi32, #tpu.memory_space<hbm>>
      %dma_start3A_43 = tpu.memref_squeeze %dma_start3A_42 : memref<1x2x90x112xi32, #tpu.memory_space<hbm>> -> memref<2x90x112xi32, #tpu.memory_space<hbm>>
      tpu.enqueue_dma source(%dma_start3A_43 : memref<2x90x112xi32, #tpu.memory_space<hbm>>) target(%arg8 : memref<2x90x112xi32, #tpu.memory_space<vmem>>) target_semaphore(%run_scoped3A : memref<!tpu.dma_semaphore, #tpu.memory_space<semaphore_mem>>)
      %dma_wait3A = arith.constant 0 : i32
      %dma_wait3A_44 = arith.constant 0 : i32
      %dma_wait3A_45 = arith.constant 0 : i32
      %dma_wait3A_46 = tpu.memref_slice %arg2[%add3A, %dma_wait3A, %dma_wait3A_44, %dma_wait3A_45] : memref<32x2x90x112xi32, #tpu.memory_space<hbm>> -> memref<1x2x90x112xi32, #tpu.memory_space<hbm>>
      %dma_wait3A_47 = tpu.memref_squeeze %dma_wait3A_46 : memref<1x2x90x112xi32, #tpu.memory_space<hbm>> -> memref<2x90x112xi32, #tpu.memory_space<hbm>>
      %dma_wait3A_48 = arith.constant 0 : i32
      %dma_wait3A_49 = arith.constant 0 : i32
      %dma_wait3A_50 = arith.constant 0 : i32
      %dma_wait3A_51 = tpu.memref_slice %arg2[%add3A, %dma_wait3A_48, %dma_wait3A_49, %dma_wait3A_50] : memref<32x2x90x112xi32, #tpu.memory_space<hbm>> -> memref<1x2x90x112xi32, #tpu.memory_space<hbm>>
      %dma_wait3A_52 = tpu.memref_squeeze %dma_wait3A_51 : memref<1x2x90x112xi32, #tpu.memory_space<hbm>> -> memref<2x90x112xi32, #tpu.memory_space<hbm>>
      tpu.wait_dma2 semaphore(%run_scoped3A : memref<!tpu.dma_semaphore, #tpu.memory_space<semaphore_mem>>) src(%dma_wait3A_52 : memref<2x90x112xi32, #tpu.memory_space<hbm>>) dst(%arg8 : memref<2x90x112xi32, #tpu.memory_space<vmem>>)
      tpu.yield
    }) : () -> ()
    "tpu.region"() ({
      %run_scoped3A = tpu.sem_alloc : memref<!tpu.dma_semaphore, #tpu.memory_space<semaphore_mem>>
      tpu.enqueue_dma source(%arg3 : memref<112x128xf32, #tpu.memory_space<hbm>>) target(%arg9 : memref<112x128xf32, #tpu.memory_space<vmem>>) target_semaphore(%run_scoped3A : memref<!tpu.dma_semaphore, #tpu.memory_space<semaphore_mem>>)
      tpu.wait_dma2 semaphore(%run_scoped3A : memref<!tpu.dma_semaphore, #tpu.memory_space<semaphore_mem>>) src(%arg3 : memref<112x128xf32, #tpu.memory_space<hbm>>) dst(%arg9 : memref<112x128xf32, #tpu.memory_space<vmem>>)
      tpu.yield
    }) : () -> ()
    %mul3A_1 = arith.constant 640 : i32
    %mul3A_2 = arith.muli %arg1, %mul3A_1 : i32
    "tpu.region"() ({
      %run_scoped3A = tpu.sem_alloc : memref<!tpu.dma_semaphore, #tpu.memory_space<semaphore_mem>>
      %dma_start3A = arith.constant 0 : i32
      %dma_start3A_35 = tpu.memref_slice %arg7[%mul3A_2, %dma_start3A] : memref<10240x128xf32, #tpu.memory_space<vmem_shared>> -> memref<640x128xf32, #tpu.memory_space<vmem_shared>>
      tpu.enqueue_dma source(%arg4 : memref<640x128xf32, #tpu.memory_space<hbm>>) target(%dma_start3A_35 : memref<640x128xf32, #tpu.memory_space<vmem_shared>>) target_semaphore(%run_scoped3A : memref<!tpu.dma_semaphore, #tpu.memory_space<semaphore_mem>>)
      %dma_wait3A = arith.constant 0 : i32
      %dma_wait3A_36 = tpu.memref_slice %arg7[%mul3A_2, %dma_wait3A] : memref<10240x128xf32, #tpu.memory_space<vmem_shared>> -> memref<640x128xf32, #tpu.memory_space<vmem_shared>>
      tpu.wait_dma2 semaphore(%run_scoped3A : memref<!tpu.dma_semaphore, #tpu.memory_space<semaphore_mem>>) src(%arg4 : memref<640x128xf32, #tpu.memory_space<hbm>>) dst(%dma_wait3A_36 : memref<640x128xf32, #tpu.memory_space<vmem_shared>>)
      tpu.yield
    }) : () -> ()
    %barrier3A = arith.constant 0 : index
    tpu.barrier barrier_id(%barrier3A)
    %scan3A = arith.constant 0 : i32
    %scan3A_3 = arith.constant 0 : i32
    %scan3A_4 = arith.constant 90 : i32
    %scan3A_5 = arith.addi %scan3A_3, %scan3A_4 : i32
    %scan3A_6 = arith.constant 1 : i32
    scf.for %scan3A_35 = %scan3A_3 to %scan3A_5 step %scan3A_6  : i32 {
      %run_scoped3A = arith.constant 0 : i32
      "tpu.region"() ({
        %run_scoped3A_36 = tpu.sem_alloc : memref<!tpu.dma_semaphore, #tpu.memory_space<semaphore_mem>>
        %dma_start3A = arith.constant 0 : i32
        %dma_start3A_37 = tpu.memref_slice %arg8[%run_scoped3A, %scan3A_35, %dma_start3A] : memref<2x90x112xi32, #tpu.memory_space<vmem>> -> memref<1x1x112xi32, #tpu.memory_space<vmem>>
        %dma_start3A_38 = tpu.memref_squeeze %dma_start3A_37 : memref<1x1x112xi32, #tpu.memory_space<vmem>> -> memref<112xi32, #tpu.memory_space<vmem>>
        %dma_start3A_39 = arith.constant 0 : i32
        %dma_start3A_40 = arith.constant 0 : i32
        %dma_start3A_41 = tpu.memref_slice %arg7[%dma_start3A_39, %dma_start3A_40] : memref<10240x128xf32, #tpu.memory_space<vmem_shared>> -> memref<10240x128xf32, #tpu.memory_space<vmem_shared>>
        tpu.enqueue_indirect_dma source(%arg9 : memref<112x128xf32, #tpu.memory_space<vmem>>) target(%dma_start3A_41 : memref<10240x128xf32, #tpu.memory_space<vmem_shared>>) offsets(%dma_start3A_38 : memref<112xi32, #tpu.memory_space<vmem>>) semaphore(%run_scoped3A_36 : memref<!tpu.dma_semaphore, #tpu.memory_space<semaphore_mem>>) {add = true}
        %dma_wait3A = arith.constant 0 : i32
        %dma_wait3A_42 = tpu.memref_slice %arg8[%run_scoped3A, %scan3A_35, %dma_wait3A] : memref<2x90x112xi32, #tpu.memory_space<vmem>> -> memref<1x1x112xi32, #tpu.memory_space<vmem>>
        %dma_wait3A_43 = tpu.memref_squeeze %dma_wait3A_42 : memref<1x1x112xi32, #tpu.memory_space<vmem>> -> memref<112xi32, #tpu.memory_space<vmem>>
        %dma_wait3A_44 = arith.constant 0 : i32
        %dma_wait3A_45 = arith.constant 0 : i32
        %dma_wait3A_46 = tpu.memref_slice %arg7[%dma_wait3A_44, %dma_wait3A_45] : memref<10240x128xf32, #tpu.memory_space<vmem_shared>> -> memref<10240x128xf32, #tpu.memory_space<vmem_shared>>
        tpu.wait_indirect_dma semaphore(%run_scoped3A_36 : memref<!tpu.dma_semaphore, #tpu.memory_space<semaphore_mem>>) src(%arg9 : memref<112x128xf32, #tpu.memory_space<vmem>>) dst(%dma_wait3A_46 : memref<10240x128xf32, #tpu.memory_space<vmem_shared>>)
        tpu.yield
      }) : () -> ()
    }
    %scan3A_7 = arith.constant 90 : i32
    %barrier3A_8 = arith.constant 0 : index
    tpu.barrier barrier_id(%barrier3A_8)
    %mul3A_9 = arith.constant 640 : i32
    %mul3A_10 = arith.muli %arg1, %mul3A_9 : i32
    %mul3A_11 = arith.constant 10240 : i32
    %mul3A_12 = arith.muli %arg0, %mul3A_11 : i32
    %mul3A_13 = arith.constant 640 : i32
    %mul3A_14 = arith.muli %arg1, %mul3A_13 : i32
    %add3A_15 = arith.addi %mul3A_12, %mul3A_14 : i32
    "tpu.region"() ({
      %run_scoped3A = tpu.sem_alloc : memref<!tpu.dma_semaphore, #tpu.memory_space<semaphore_mem>>
      %dma_start3A = arith.constant 0 : i32
      %dma_start3A_35 = tpu.memref_slice %arg5[%add3A_15, %dma_start3A] : memref<20480x128xf32, #tpu.memory_space<hbm>> -> memref<640x128xf32, #tpu.memory_space<hbm>>
      %dma_start3A_36 = arith.constant 0 : i32
      %dma_start3A_37 = tpu.memref_slice %arg7[%mul3A_10, %dma_start3A_36] : memref<10240x128xf32, #tpu.memory_space<vmem_shared>> -> memref<640x128xf32, #tpu.memory_space<vmem_shared>>
      tpu.enqueue_dma source(%dma_start3A_37 : memref<640x128xf32, #tpu.memory_space<vmem_shared>>) target(%dma_start3A_35 : memref<640x128xf32, #tpu.memory_space<hbm>>) target_semaphore(%run_scoped3A : memref<!tpu.dma_semaphore, #tpu.memory_space<semaphore_mem>>)
      %dma_wait3A = arith.constant 0 : i32
      %dma_wait3A_38 = tpu.memref_slice %arg5[%add3A_15, %dma_wait3A] : memref<20480x128xf32, #tpu.memory_space<hbm>> -> memref<640x128xf32, #tpu.memory_space<hbm>>
      %dma_wait3A_39 = arith.constant 0 : i32
      %dma_wait3A_40 = tpu.memref_slice %arg7[%mul3A_10, %dma_wait3A_39] : memref<10240x128xf32, #tpu.memory_space<vmem_shared>> -> memref<640x128xf32, #tpu.memory_space<vmem_shared>>
      tpu.wait_dma2 semaphore(%run_scoped3A : memref<!tpu.dma_semaphore, #tpu.memory_space<semaphore_mem>>) src(%dma_wait3A_40 : memref<640x128xf32, #tpu.memory_space<vmem_shared>>) dst(%dma_wait3A_38 : memref<640x128xf32, #tpu.memory_space<hbm>>)
      tpu.yield
    }) : () -> ()
    %barrier3A_16 = arith.constant 0 : index
    tpu.barrier barrier_id(%barrier3A_16)
    %mul3A_17 = arith.constant 640 : i32
    %mul3A_18 = arith.muli %arg1, %mul3A_17 : i32
    "tpu.region"() ({
      %run_scoped3A = tpu.sem_alloc : memref<!tpu.dma_semaphore, #tpu.memory_space<semaphore_mem>>
      %dma_start3A = arith.constant 0 : i32
      %dma_start3A_35 = tpu.memref_slice %arg7[%mul3A_18, %dma_start3A] : memref<10240x128xf32, #tpu.memory_space<vmem_shared>> -> memref<640x128xf32, #tpu.memory_space<vmem_shared>>
      tpu.enqueue_dma source(%arg4 : memref<640x128xf32, #tpu.memory_space<hbm>>) target(%dma_start3A_35 : memref<640x128xf32, #tpu.memory_space<vmem_shared>>) target_semaphore(%run_scoped3A : memref<!tpu.dma_semaphore, #tpu.memory_space<semaphore_mem>>)
      %dma_wait3A = arith.constant 0 : i32
      %dma_wait3A_36 = tpu.memref_slice %arg7[%mul3A_18, %dma_wait3A] : memref<10240x128xf32, #tpu.memory_space<vmem_shared>> -> memref<640x128xf32, #tpu.memory_space<vmem_shared>>
      tpu.wait_dma2 semaphore(%run_scoped3A : memref<!tpu.dma_semaphore, #tpu.memory_space<semaphore_mem>>) src(%arg4 : memref<640x128xf32, #tpu.memory_space<hbm>>) dst(%dma_wait3A_36 : memref<640x128xf32, #tpu.memory_space<vmem_shared>>)
      tpu.yield
    }) : () -> ()
    %barrier3A_19 = arith.constant 0 : index
    tpu.barrier barrier_id(%barrier3A_19)
    %scan3A_20 = arith.constant 0 : i32
    %scan3A_21 = arith.constant 0 : i32
    %scan3A_22 = arith.constant 90 : i32
    %scan3A_23 = arith.addi %scan3A_21, %scan3A_22 : i32
    %scan3A_24 = arith.constant 1 : i32
    scf.for %scan3A_35 = %scan3A_21 to %scan3A_23 step %scan3A_24  : i32 {
      %run_scoped3A = arith.constant 1 : i32
      "tpu.region"() ({
        %run_scoped3A_36 = tpu.sem_alloc : memref<!tpu.dma_semaphore, #tpu.memory_space<semaphore_mem>>
        %dma_start3A = arith.constant 0 : i32
        %dma_start3A_37 = tpu.memref_slice %arg8[%run_scoped3A, %scan3A_35, %dma_start3A] : memref<2x90x112xi32, #tpu.memory_space<vmem>> -> memref<1x1x112xi32, #tpu.memory_space<vmem>>
        %dma_start3A_38 = tpu.memref_squeeze %dma_start3A_37 : memref<1x1x112xi32, #tpu.memory_space<vmem>> -> memref<112xi32, #tpu.memory_space<vmem>>
        %dma_start3A_39 = arith.constant 0 : i32
        %dma_start3A_40 = arith.constant 0 : i32
        %dma_start3A_41 = tpu.memref_slice %arg7[%dma_start3A_39, %dma_start3A_40] : memref<10240x128xf32, #tpu.memory_space<vmem_shared>> -> memref<10240x128xf32, #tpu.memory_space<vmem_shared>>
        tpu.enqueue_indirect_dma source(%arg9 : memref<112x128xf32, #tpu.memory_space<vmem>>) target(%dma_start3A_41 : memref<10240x128xf32, #tpu.memory_space<vmem_shared>>) offsets(%dma_start3A_38 : memref<112xi32, #tpu.memory_space<vmem>>) semaphore(%run_scoped3A_36 : memref<!tpu.dma_semaphore, #tpu.memory_space<semaphore_mem>>) {add = true}
        %dma_wait3A = arith.constant 0 : i32
        %dma_wait3A_42 = tpu.memref_slice %arg8[%run_scoped3A, %scan3A_35, %dma_wait3A] : memref<2x90x112xi32, #tpu.memory_space<vmem>> -> memref<1x1x112xi32, #tpu.memory_space<vmem>>
        %dma_wait3A_43 = tpu.memref_squeeze %dma_wait3A_42 : memref<1x1x112xi32, #tpu.memory_space<vmem>> -> memref<112xi32, #tpu.memory_space<vmem>>
        %dma_wait3A_44 = arith.constant 0 : i32
        %dma_wait3A_45 = arith.constant 0 : i32
        %dma_wait3A_46 = tpu.memref_slice %arg7[%dma_wait3A_44, %dma_wait3A_45] : memref<10240x128xf32, #tpu.memory_space<vmem_shared>> -> memref<10240x128xf32, #tpu.memory_space<vmem_shared>>
        tpu.wait_indirect_dma semaphore(%run_scoped3A_36 : memref<!tpu.dma_semaphore, #tpu.memory_space<semaphore_mem>>) src(%arg9 : memref<112x128xf32, #tpu.memory_space<vmem>>) dst(%dma_wait3A_46 : memref<10240x128xf32, #tpu.memory_space<vmem_shared>>)
        tpu.yield
      }) : () -> ()
    }
    %scan3A_25 = arith.constant 90 : i32
    %barrier3A_26 = arith.constant 0 : index
    tpu.barrier barrier_id(%barrier3A_26)
    %mul3A_27 = arith.constant 640 : i32
    %mul3A_28 = arith.muli %arg1, %mul3A_27 : i32
    %mul3A_29 = arith.constant 10240 : i32
    %mul3A_30 = arith.muli %arg0, %mul3A_29 : i32
    %mul3A_31 = arith.constant 640 : i32
    %mul3A_32 = arith.muli %arg1, %mul3A_31 : i32
    %add3A_33 = arith.addi %mul3A_30, %mul3A_32 : i32
    "tpu.region"() ({
      %run_scoped3A = tpu.sem_alloc : memref<!tpu.dma_semaphore, #tpu.memory_space<semaphore_mem>>
      %dma_start3A = arith.constant 0 : i32
      %dma_start3A_35 = tpu.memref_slice %arg6[%add3A_33, %dma_start3A] : memref<20480x128xf32, #tpu.memory_space<hbm>> -> memref<640x128xf32, #tpu.memory_space<hbm>>
      %dma_start3A_36 = arith.constant 0 : i32
      %dma_start3A_37 = tpu.memref_slice %arg7[%mul3A_28, %dma_start3A_36] : memref<10240x128xf32, #tpu.memory_space<vmem_shared>> -> memref<640x128xf32, #tpu.memory_space<vmem_shared>>
      tpu.enqueue_dma source(%dma_start3A_37 : memref<640x128xf32, #tpu.memory_space<vmem_shared>>) target(%dma_start3A_35 : memref<640x128xf32, #tpu.memory_space<hbm>>) target_semaphore(%run_scoped3A : memref<!tpu.dma_semaphore, #tpu.memory_space<semaphore_mem>>)
      %dma_wait3A = arith.constant 0 : i32
      %dma_wait3A_38 = tpu.memref_slice %arg6[%add3A_33, %dma_wait3A] : memref<20480x128xf32, #tpu.memory_space<hbm>> -> memref<640x128xf32, #tpu.memory_space<hbm>>
      %dma_wait3A_39 = arith.constant 0 : i32
      %dma_wait3A_40 = tpu.memref_slice %arg7[%mul3A_28, %dma_wait3A_39] : memref<10240x128xf32, #tpu.memory_space<vmem_shared>> -> memref<640x128xf32, #tpu.memory_space<vmem_shared>>
      tpu.wait_dma2 semaphore(%run_scoped3A : memref<!tpu.dma_semaphore, #tpu.memory_space<semaphore_mem>>) src(%dma_wait3A_40 : memref<640x128xf32, #tpu.memory_space<vmem_shared>>) dst(%dma_wait3A_38 : memref<640x128xf32, #tpu.memory_space<hbm>>)
      tpu.yield
    }) : () -> ()
    %barrier3A_34 = arith.constant 0 : index
    tpu.barrier barrier_id(%barrier3A_34)
    return
  }
}

#map = affine_map<(d0, d1) -> (0, 0)>
#map1 = affine_map<(d0, d1) -> (0, 0, 0, 0)>
module attributes {stable_mosaic.version = 14 : i64} {
  func.func @_sc_spmm(%arg0: i32, %arg1: i32, %arg2: memref<10000x128xf32, #tpu.memory_space<hbm>>, %arg3: memref<32x2x90x112xi32, #tpu.memory_space<hbm>>, %arg4: memref<640x128xf32, #tpu.memory_space<hbm>>, %arg5: memref<20480x128xf32, #tpu.memory_space<hbm>>, %arg6: memref<10240x128xf32, #tpu.memory_space<vmem_shared>>, %arg7: memref<2x90x112xi32, #tpu.memory_space<vmem>>, %arg8: memref<112x128xf32, #tpu.memory_space<vmem>>, %arg9: memref<!tpu.dma_semaphore, #tpu.memory_space<semaphore_mem>>) attributes {dimension_semantics = [#tpu.dimension_semantics<core_parallel>, #tpu.dimension_semantics<subcore_parallel>], iteration_bounds = array<i64: 2, 16>, scalar_prefetch = 0 : i64, scratch_operands = 4 : i64, tpu.core_type = #tpu.core_type<sc_vector_subcore>, window_params = [{transform_indices = #map}, {transform_indices = #map1}, {transform_indices = #map}, {transform_indices = #map}]} {
    %mul3A = arith.constant 2 : i32
    %mul3A_0 = arith.muli %arg1, %mul3A : i32
    %add3A = arith.addi %mul3A_0, %arg0 : i32
    "tpu.region"() ({
      %run_scoped3A = tpu.sem_alloc : memref<!tpu.dma_semaphore, #tpu.memory_space<semaphore_mem>>
      %dma_start3A = arith.constant 0 : i32
      %dma_start3A_16 = arith.constant 0 : i32
      %dma_start3A_17 = arith.constant 0 : i32
      %dma_start3A_18 = tpu.memref_slice %arg3[%add3A, %dma_start3A, %dma_start3A_16, %dma_start3A_17] : memref<32x2x90x112xi32, #tpu.memory_space<hbm>> -> memref<1x2x90x112xi32, #tpu.memory_space<hbm>>
      %dma_start3A_19 = tpu.memref_squeeze %dma_start3A_18 : memref<1x2x90x112xi32, #tpu.memory_space<hbm>> -> memref<2x90x112xi32, #tpu.memory_space<hbm>>
      %dma_start3A_20 = arith.constant 0 : i32
      %dma_start3A_21 = arith.constant 0 : i32
      %dma_start3A_22 = arith.constant 0 : i32
      %dma_start3A_23 = tpu.memref_slice %arg3[%add3A, %dma_start3A_20, %dma_start3A_21, %dma_start3A_22] : memref<32x2x90x112xi32, #tpu.memory_space<hbm>> -> memref<1x2x90x112xi32, #tpu.memory_space<hbm>>
      %dma_start3A_24 = tpu.memref_squeeze %dma_start3A_23 : memref<1x2x90x112xi32, #tpu.memory_space<hbm>> -> memref<2x90x112xi32, #tpu.memory_space<hbm>>
      tpu.enqueue_dma source(%dma_start3A_24 : memref<2x90x112xi32, #tpu.memory_space<hbm>>) target(%arg7 : memref<2x90x112xi32, #tpu.memory_space<vmem>>) target_semaphore(%run_scoped3A : memref<!tpu.dma_semaphore, #tpu.memory_space<semaphore_mem>>)
      %dma_wait3A = arith.constant 0 : i32
      %dma_wait3A_25 = arith.constant 0 : i32
      %dma_wait3A_26 = arith.constant 0 : i32
      %dma_wait3A_27 = tpu.memref_slice %arg3[%add3A, %dma_wait3A, %dma_wait3A_25, %dma_wait3A_26] : memref<32x2x90x112xi32, #tpu.memory_space<hbm>> -> memref<1x2x90x112xi32, #tpu.memory_space<hbm>>
      %dma_wait3A_28 = tpu.memref_squeeze %dma_wait3A_27 : memref<1x2x90x112xi32, #tpu.memory_space<hbm>> -> memref<2x90x112xi32, #tpu.memory_space<hbm>>
      %dma_wait3A_29 = arith.constant 0 : i32
      %dma_wait3A_30 = arith.constant 0 : i32
      %dma_wait3A_31 = arith.constant 0 : i32
      %dma_wait3A_32 = tpu.memref_slice %arg3[%add3A, %dma_wait3A_29, %dma_wait3A_30, %dma_wait3A_31] : memref<32x2x90x112xi32, #tpu.memory_space<hbm>> -> memref<1x2x90x112xi32, #tpu.memory_space<hbm>>
      %dma_wait3A_33 = tpu.memref_squeeze %dma_wait3A_32 : memref<1x2x90x112xi32, #tpu.memory_space<hbm>> -> memref<2x90x112xi32, #tpu.memory_space<hbm>>
      tpu.wait_dma2 semaphore(%run_scoped3A : memref<!tpu.dma_semaphore, #tpu.memory_space<semaphore_mem>>) src(%dma_wait3A_33 : memref<2x90x112xi32, #tpu.memory_space<hbm>>) dst(%arg7 : memref<2x90x112xi32, #tpu.memory_space<vmem>>)
      tpu.yield
    }) : () -> ()
    %mul3A_1 = arith.constant 640 : i32
    %mul3A_2 = arith.muli %arg1, %mul3A_1 : i32
    "tpu.region"() ({
      %run_scoped3A = tpu.sem_alloc : memref<!tpu.dma_semaphore, #tpu.memory_space<semaphore_mem>>
      %dma_start3A = arith.constant 0 : i32
      %dma_start3A_16 = tpu.memref_slice %arg6[%mul3A_2, %dma_start3A] : memref<10240x128xf32, #tpu.memory_space<vmem_shared>> -> memref<640x128xf32, #tpu.memory_space<vmem_shared>>
      tpu.enqueue_dma source(%arg4 : memref<640x128xf32, #tpu.memory_space<hbm>>) target(%dma_start3A_16 : memref<640x128xf32, #tpu.memory_space<vmem_shared>>) target_semaphore(%run_scoped3A : memref<!tpu.dma_semaphore, #tpu.memory_space<semaphore_mem>>)
      %dma_wait3A = arith.constant 0 : i32
      %dma_wait3A_17 = tpu.memref_slice %arg6[%mul3A_2, %dma_wait3A] : memref<10240x128xf32, #tpu.memory_space<vmem_shared>> -> memref<640x128xf32, #tpu.memory_space<vmem_shared>>
      tpu.wait_dma2 semaphore(%run_scoped3A : memref<!tpu.dma_semaphore, #tpu.memory_space<semaphore_mem>>) src(%arg4 : memref<640x128xf32, #tpu.memory_space<hbm>>) dst(%dma_wait3A_17 : memref<640x128xf32, #tpu.memory_space<vmem_shared>>)
      tpu.yield
    }) : () -> ()
    %barrier3A = arith.constant 0 : index
    tpu.barrier barrier_id(%barrier3A)
    %scan3A = arith.constant 0 : i32
    %scan3A_3 = arith.constant 0 : i32
    %scan3A_4 = arith.constant 90 : i32
    %scan3A_5 = arith.addi %scan3A_3, %scan3A_4 : i32
    %scan3A_6 = arith.constant 1 : i32
    scf.for %scan3A_16 = %scan3A_3 to %scan3A_5 step %scan3A_6  : i32 {
      %dma_start3A = arith.constant 0 : i32
      %dma_start3A_17 = arith.constant 0 : i32
      %dma_start3A_18 = tpu.memref_slice %arg7[%dma_start3A, %scan3A_16, %dma_start3A_17] : memref<2x90x112xi32, #tpu.memory_space<vmem>> -> memref<1x1x112xi32, #tpu.memory_space<vmem>>
      %dma_start3A_19 = tpu.memref_squeeze %dma_start3A_18 : memref<1x1x112xi32, #tpu.memory_space<vmem>> -> memref<112xi32, #tpu.memory_space<vmem>>
      %dma_start3A_20 = arith.constant 0 : i32
      %dma_start3A_21 = arith.constant 0 : i32
      %dma_start3A_22 = tpu.memref_slice %arg2[%dma_start3A_20, %dma_start3A_21] : memref<10000x128xf32, #tpu.memory_space<hbm>> -> memref<10000x128xf32, #tpu.memory_space<hbm>>
      tpu.enqueue_indirect_dma source(%dma_start3A_22 : memref<10000x128xf32, #tpu.memory_space<hbm>>) target(%arg8 : memref<112x128xf32, #tpu.memory_space<vmem>>) offsets(%dma_start3A_19 : memref<112xi32, #tpu.memory_space<vmem>>) semaphore(%arg9 : memref<!tpu.dma_semaphore, #tpu.memory_space<semaphore_mem>>)
      %dma_wait3A = arith.constant 0 : i32
      %dma_wait3A_23 = arith.constant 0 : i32
      %dma_wait3A_24 = tpu.memref_slice %arg7[%dma_wait3A, %scan3A_16, %dma_wait3A_23] : memref<2x90x112xi32, #tpu.memory_space<vmem>> -> memref<1x1x112xi32, #tpu.memory_space<vmem>>
      %dma_wait3A_25 = tpu.memref_squeeze %dma_wait3A_24 : memref<1x1x112xi32, #tpu.memory_space<vmem>> -> memref<112xi32, #tpu.memory_space<vmem>>
      %dma_wait3A_26 = arith.constant 0 : i32
      %dma_wait3A_27 = arith.constant 0 : i32
      %dma_wait3A_28 = tpu.memref_slice %arg2[%dma_wait3A_26, %dma_wait3A_27] : memref<10000x128xf32, #tpu.memory_space<hbm>> -> memref<10000x128xf32, #tpu.memory_space<hbm>>
      tpu.wait_indirect_dma semaphore(%arg9 : memref<!tpu.dma_semaphore, #tpu.memory_space<semaphore_mem>>) src(%dma_wait3A_28 : memref<10000x128xf32, #tpu.memory_space<hbm>>) dst(%arg8 : memref<112x128xf32, #tpu.memory_space<vmem>>)
      %run_scoped3A = arith.constant 1 : i32
      "tpu.region"() ({
        %run_scoped3A_29 = tpu.sem_alloc : memref<!tpu.dma_semaphore, #tpu.memory_space<semaphore_mem>>
        %dma_start3A_30 = arith.constant 0 : i32
        %dma_start3A_31 = tpu.memref_slice %arg7[%run_scoped3A, %scan3A_16, %dma_start3A_30] : memref<2x90x112xi32, #tpu.memory_space<vmem>> -> memref<1x1x112xi32, #tpu.memory_space<vmem>>
        %dma_start3A_32 = tpu.memref_squeeze %dma_start3A_31 : memref<1x1x112xi32, #tpu.memory_space<vmem>> -> memref<112xi32, #tpu.memory_space<vmem>>
        %dma_start3A_33 = arith.constant 0 : i32
        %dma_start3A_34 = arith.constant 0 : i32
        %dma_start3A_35 = tpu.memref_slice %arg6[%dma_start3A_33, %dma_start3A_34] : memref<10240x128xf32, #tpu.memory_space<vmem_shared>> -> memref<10240x128xf32, #tpu.memory_space<vmem_shared>>
        tpu.enqueue_indirect_dma source(%arg8 : memref<112x128xf32, #tpu.memory_space<vmem>>) target(%dma_start3A_35 : memref<10240x128xf32, #tpu.memory_space<vmem_shared>>) offsets(%dma_start3A_32 : memref<112xi32, #tpu.memory_space<vmem>>) semaphore(%run_scoped3A_29 : memref<!tpu.dma_semaphore, #tpu.memory_space<semaphore_mem>>) {add = true}
        %dma_wait3A_36 = arith.constant 0 : i32
        %dma_wait3A_37 = tpu.memref_slice %arg7[%run_scoped3A, %scan3A_16, %dma_wait3A_36] : memref<2x90x112xi32, #tpu.memory_space<vmem>> -> memref<1x1x112xi32, #tpu.memory_space<vmem>>
        %dma_wait3A_38 = tpu.memref_squeeze %dma_wait3A_37 : memref<1x1x112xi32, #tpu.memory_space<vmem>> -> memref<112xi32, #tpu.memory_space<vmem>>
        %dma_wait3A_39 = arith.constant 0 : i32
        %dma_wait3A_40 = arith.constant 0 : i32
        %dma_wait3A_41 = tpu.memref_slice %arg6[%dma_wait3A_39, %dma_wait3A_40] : memref<10240x128xf32, #tpu.memory_space<vmem_shared>> -> memref<10240x128xf32, #tpu.memory_space<vmem_shared>>
        tpu.wait_indirect_dma semaphore(%run_scoped3A_29 : memref<!tpu.dma_semaphore, #tpu.memory_space<semaphore_mem>>) src(%arg8 : memref<112x128xf32, #tpu.memory_space<vmem>>) dst(%dma_wait3A_41 : memref<10240x128xf32, #tpu.memory_space<vmem_shared>>)
        tpu.yield
      }) : () -> ()
    }
    %scan3A_7 = arith.constant 90 : i32
    %barrier3A_8 = arith.constant 0 : index
    tpu.barrier barrier_id(%barrier3A_8)
    %mul3A_9 = arith.constant 640 : i32
    %mul3A_10 = arith.muli %arg1, %mul3A_9 : i32
    %mul3A_11 = arith.constant 10240 : i32
    %mul3A_12 = arith.muli %arg0, %mul3A_11 : i32
    %mul3A_13 = arith.constant 640 : i32
    %mul3A_14 = arith.muli %arg1, %mul3A_13 : i32
    %add3A_15 = arith.addi %mul3A_12, %mul3A_14 : i32
    "tpu.region"() ({
      %run_scoped3A = tpu.sem_alloc : memref<!tpu.dma_semaphore, #tpu.memory_space<semaphore_mem>>
      %dma_start3A = arith.constant 0 : i32
      %dma_start3A_16 = tpu.memref_slice %arg5[%add3A_15, %dma_start3A] : memref<20480x128xf32, #tpu.memory_space<hbm>> -> memref<640x128xf32, #tpu.memory_space<hbm>>
      %dma_start3A_17 = arith.constant 0 : i32
      %dma_start3A_18 = tpu.memref_slice %arg6[%mul3A_10, %dma_start3A_17] : memref<10240x128xf32, #tpu.memory_space<vmem_shared>> -> memref<640x128xf32, #tpu.memory_space<vmem_shared>>
      tpu.enqueue_dma source(%dma_start3A_18 : memref<640x128xf32, #tpu.memory_space<vmem_shared>>) target(%dma_start3A_16 : memref<640x128xf32, #tpu.memory_space<hbm>>) target_semaphore(%run_scoped3A : memref<!tpu.dma_semaphore, #tpu.memory_space<semaphore_mem>>)
      %dma_wait3A = arith.constant 0 : i32
      %dma_wait3A_19 = tpu.memref_slice %arg5[%add3A_15, %dma_wait3A] : memref<20480x128xf32, #tpu.memory_space<hbm>> -> memref<640x128xf32, #tpu.memory_space<hbm>>
      %dma_wait3A_20 = arith.constant 0 : i32
      %dma_wait3A_21 = tpu.memref_slice %arg6[%mul3A_10, %dma_wait3A_20] : memref<10240x128xf32, #tpu.memory_space<vmem_shared>> -> memref<640x128xf32, #tpu.memory_space<vmem_shared>>
      tpu.wait_dma2 semaphore(%run_scoped3A : memref<!tpu.dma_semaphore, #tpu.memory_space<semaphore_mem>>) src(%dma_wait3A_21 : memref<640x128xf32, #tpu.memory_space<vmem_shared>>) dst(%dma_wait3A_19 : memref<640x128xf32, #tpu.memory_space<hbm>>)
      tpu.yield
    }) : () -> ()
    return
  }
}

#map = affine_map<(d0, d1) -> (0, 0)>
#map1 = affine_map<(d0, d1) -> (0, 0, 0, 0)>
module attributes {stable_mosaic.version = 14 : i64} {
  func.func @_sc_spmm(%arg0: i32, %arg1: i32, %arg2: memref<10000x128xf32, #tpu.memory_space<hbm>>, %arg3: memref<32x2x90x112xi32, #tpu.memory_space<hbm>>, %arg4: memref<640x128xf32, #tpu.memory_space<hbm>>, %arg5: memref<20480x128xf32, #tpu.memory_space<hbm>>, %arg6: memref<10240x128xf32, #tpu.memory_space<vmem_shared>>, %arg7: memref<2x90x112xi32, #tpu.memory_space<vmem>>, %arg8: memref<112x128xf32, #tpu.memory_space<vmem>>, %arg9: memref<!tpu.dma_semaphore, #tpu.memory_space<semaphore_mem>>) attributes {dimension_semantics = [#tpu.dimension_semantics<core_parallel>, #tpu.dimension_semantics<subcore_parallel>], iteration_bounds = array<i64: 2, 16>, scalar_prefetch = 0 : i64, scratch_operands = 4 : i64, tpu.core_type = #tpu.core_type<sc_vector_subcore>, window_params = [{transform_indices = #map}, {transform_indices = #map1}, {transform_indices = #map}, {transform_indices = #map}]} {
    %mul3A = arith.constant 2 : i32
    %mul3A_0 = arith.muli %arg1, %mul3A : i32
    %add3A = arith.addi %mul3A_0, %arg0 : i32
    "tpu.region"() ({
      %run_scoped3A = tpu.sem_alloc : memref<!tpu.dma_semaphore, #tpu.memory_space<semaphore_mem>>
      %dma_start3A = arith.constant 0 : i32
      %dma_start3A_16 = arith.constant 0 : i32
      %dma_start3A_17 = arith.constant 0 : i32
      %dma_start3A_18 = tpu.memref_slice %arg3[%add3A, %dma_start3A, %dma_start3A_16, %dma_start3A_17] : memref<32x2x90x112xi32, #tpu.memory_space<hbm>> -> memref<1x2x90x112xi32, #tpu.memory_space<hbm>>
      %dma_start3A_19 = tpu.memref_squeeze %dma_start3A_18 : memref<1x2x90x112xi32, #tpu.memory_space<hbm>> -> memref<2x90x112xi32, #tpu.memory_space<hbm>>
      %dma_start3A_20 = arith.constant 0 : i32
      %dma_start3A_21 = arith.constant 0 : i32
      %dma_start3A_22 = arith.constant 0 : i32
      %dma_start3A_23 = tpu.memref_slice %arg3[%add3A, %dma_start3A_20, %dma_start3A_21, %dma_start3A_22] : memref<32x2x90x112xi32, #tpu.memory_space<hbm>> -> memref<1x2x90x112xi32, #tpu.memory_space<hbm>>
      %dma_start3A_24 = tpu.memref_squeeze %dma_start3A_23 : memref<1x2x90x112xi32, #tpu.memory_space<hbm>> -> memref<2x90x112xi32, #tpu.memory_space<hbm>>
      tpu.enqueue_dma source(%dma_start3A_24 : memref<2x90x112xi32, #tpu.memory_space<hbm>>) target(%arg7 : memref<2x90x112xi32, #tpu.memory_space<vmem>>) target_semaphore(%run_scoped3A : memref<!tpu.dma_semaphore, #tpu.memory_space<semaphore_mem>>)
      %dma_wait3A = arith.constant 0 : i32
      %dma_wait3A_25 = arith.constant 0 : i32
      %dma_wait3A_26 = arith.constant 0 : i32
      %dma_wait3A_27 = tpu.memref_slice %arg3[%add3A, %dma_wait3A, %dma_wait3A_25, %dma_wait3A_26] : memref<32x2x90x112xi32, #tpu.memory_space<hbm>> -> memref<1x2x90x112xi32, #tpu.memory_space<hbm>>
      %dma_wait3A_28 = tpu.memref_squeeze %dma_wait3A_27 : memref<1x2x90x112xi32, #tpu.memory_space<hbm>> -> memref<2x90x112xi32, #tpu.memory_space<hbm>>
      %dma_wait3A_29 = arith.constant 0 : i32
      %dma_wait3A_30 = arith.constant 0 : i32
      %dma_wait3A_31 = arith.constant 0 : i32
      %dma_wait3A_32 = tpu.memref_slice %arg3[%add3A, %dma_wait3A_29, %dma_wait3A_30, %dma_wait3A_31] : memref<32x2x90x112xi32, #tpu.memory_space<hbm>> -> memref<1x2x90x112xi32, #tpu.memory_space<hbm>>
      %dma_wait3A_33 = tpu.memref_squeeze %dma_wait3A_32 : memref<1x2x90x112xi32, #tpu.memory_space<hbm>> -> memref<2x90x112xi32, #tpu.memory_space<hbm>>
      tpu.wait_dma2 semaphore(%run_scoped3A : memref<!tpu.dma_semaphore, #tpu.memory_space<semaphore_mem>>) src(%dma_wait3A_33 : memref<2x90x112xi32, #tpu.memory_space<hbm>>) dst(%arg7 : memref<2x90x112xi32, #tpu.memory_space<vmem>>)
      tpu.yield
    }) : () -> ()
    %mul3A_1 = arith.constant 640 : i32
    %mul3A_2 = arith.muli %arg1, %mul3A_1 : i32
    "tpu.region"() ({
      %run_scoped3A = tpu.sem_alloc : memref<!tpu.dma_semaphore, #tpu.memory_space<semaphore_mem>>
      %dma_start3A = arith.constant 0 : i32
      %dma_start3A_16 = tpu.memref_slice %arg6[%mul3A_2, %dma_start3A] : memref<10240x128xf32, #tpu.memory_space<vmem_shared>> -> memref<640x128xf32, #tpu.memory_space<vmem_shared>>
      tpu.enqueue_dma source(%arg4 : memref<640x128xf32, #tpu.memory_space<hbm>>) target(%dma_start3A_16 : memref<640x128xf32, #tpu.memory_space<vmem_shared>>) target_semaphore(%run_scoped3A : memref<!tpu.dma_semaphore, #tpu.memory_space<semaphore_mem>>)
      %dma_wait3A = arith.constant 0 : i32
      %dma_wait3A_17 = tpu.memref_slice %arg6[%mul3A_2, %dma_wait3A] : memref<10240x128xf32, #tpu.memory_space<vmem_shared>> -> memref<640x128xf32, #tpu.memory_space<vmem_shared>>
      tpu.wait_dma2 semaphore(%run_scoped3A : memref<!tpu.dma_semaphore, #tpu.memory_space<semaphore_mem>>) src(%arg4 : memref<640x128xf32, #tpu.memory_space<hbm>>) dst(%dma_wait3A_17 : memref<640x128xf32, #tpu.memory_space<vmem_shared>>)
      tpu.yield
    }) : () -> ()
    %barrier3A = arith.constant 0 : index
    tpu.barrier barrier_id(%barrier3A)
    %scan3A = arith.constant 0 : i32
    %scan3A_3 = arith.constant 0 : i32
    %scan3A_4 = arith.constant 90 : i32
    %scan3A_5 = arith.addi %scan3A_3, %scan3A_4 : i32
    %scan3A_6 = arith.constant 1 : i32
    scf.for %scan3A_16 = %scan3A_3 to %scan3A_5 step %scan3A_6  : i32 {
      %dma_start3A = arith.constant 0 : i32
      %dma_start3A_17 = arith.constant 0 : i32
      %dma_start3A_18 = tpu.memref_slice %arg7[%dma_start3A, %scan3A_16, %dma_start3A_17] : memref<2x90x112xi32, #tpu.memory_space<vmem>> -> memref<1x1x112xi32, #tpu.memory_space<vmem>>
      %dma_start3A_19 = tpu.memref_squeeze %dma_start3A_18 : memref<1x1x112xi32, #tpu.memory_space<vmem>> -> memref<112xi32, #tpu.memory_space<vmem>>
      %dma_start3A_20 = arith.constant 0 : i32
      %dma_start3A_21 = arith.constant 0 : i32
      %dma_start3A_22 = tpu.memref_slice %arg2[%dma_start3A_20, %dma_start3A_21] : memref<10000x128xf32, #tpu.memory_space<hbm>> -> memref<10000x128xf32, #tpu.memory_space<hbm>>
      tpu.enqueue_indirect_dma source(%dma_start3A_22 : memref<10000x128xf32, #tpu.memory_space<hbm>>) target(%arg8 : memref<112x128xf32, #tpu.memory_space<vmem>>) offsets(%dma_start3A_19 : memref<112xi32, #tpu.memory_space<vmem>>) semaphore(%arg9 : memref<!tpu.dma_semaphore, #tpu.memory_space<semaphore_mem>>)
      %dma_wait3A = arith.constant 0 : i32
      %dma_wait3A_23 = arith.constant 0 : i32
      %dma_wait3A_24 = tpu.memref_slice %arg7[%dma_wait3A, %scan3A_16, %dma_wait3A_23] : memref<2x90x112xi32, #tpu.memory_space<vmem>> -> memref<1x1x112xi32, #tpu.memory_space<vmem>>
      %dma_wait3A_25 = tpu.memref_squeeze %dma_wait3A_24 : memref<1x1x112xi32, #tpu.memory_space<vmem>> -> memref<112xi32, #tpu.memory_space<vmem>>
      %dma_wait3A_26 = arith.constant 0 : i32
      %dma_wait3A_27 = arith.constant 0 : i32
      %dma_wait3A_28 = tpu.memref_slice %arg2[%dma_wait3A_26, %dma_wait3A_27] : memref<10000x128xf32, #tpu.memory_space<hbm>> -> memref<10000x128xf32, #tpu.memory_space<hbm>>
      tpu.wait_indirect_dma semaphore(%arg9 : memref<!tpu.dma_semaphore, #tpu.memory_space<semaphore_mem>>) src(%dma_wait3A_28 : memref<10000x128xf32, #tpu.memory_space<hbm>>) dst(%arg8 : memref<112x128xf32, #tpu.memory_space<vmem>>)
      %run_scoped3A = arith.constant 1 : i32
      "tpu.region"() ({
        %run_scoped3A_29 = tpu.sem_alloc : memref<!tpu.dma_semaphore, #tpu.memory_space<semaphore_mem>>
        %dma_start3A_30 = arith.constant 0 : i32
        %dma_start3A_31 = tpu.memref_slice %arg7[%run_scoped3A, %scan3A_16, %dma_start3A_30] : memref<2x90x112xi32, #tpu.memory_space<vmem>> -> memref<1x1x112xi32, #tpu.memory_space<vmem>>
        %dma_start3A_32 = tpu.memref_squeeze %dma_start3A_31 : memref<1x1x112xi32, #tpu.memory_space<vmem>> -> memref<112xi32, #tpu.memory_space<vmem>>
        %dma_start3A_33 = arith.constant 0 : i32
        %dma_start3A_34 = arith.constant 0 : i32
        %dma_start3A_35 = tpu.memref_slice %arg6[%dma_start3A_33, %dma_start3A_34] : memref<10240x128xf32, #tpu.memory_space<vmem_shared>> -> memref<10240x128xf32, #tpu.memory_space<vmem_shared>>
        tpu.enqueue_indirect_dma source(%arg8 : memref<112x128xf32, #tpu.memory_space<vmem>>) target(%dma_start3A_35 : memref<10240x128xf32, #tpu.memory_space<vmem_shared>>) offsets(%dma_start3A_32 : memref<112xi32, #tpu.memory_space<vmem>>) semaphore(%run_scoped3A_29 : memref<!tpu.dma_semaphore, #tpu.memory_space<semaphore_mem>>) {add = true}
        %dma_wait3A_36 = arith.constant 0 : i32
        %dma_wait3A_37 = tpu.memref_slice %arg7[%run_scoped3A, %scan3A_16, %dma_wait3A_36] : memref<2x90x112xi32, #tpu.memory_space<vmem>> -> memref<1x1x112xi32, #tpu.memory_space<vmem>>
        %dma_wait3A_38 = tpu.memref_squeeze %dma_wait3A_37 : memref<1x1x112xi32, #tpu.memory_space<vmem>> -> memref<112xi32, #tpu.memory_space<vmem>>
        %dma_wait3A_39 = arith.constant 0 : i32
        %dma_wait3A_40 = arith.constant 0 : i32
        %dma_wait3A_41 = tpu.memref_slice %arg6[%dma_wait3A_39, %dma_wait3A_40] : memref<10240x128xf32, #tpu.memory_space<vmem_shared>> -> memref<10240x128xf32, #tpu.memory_space<vmem_shared>>
        tpu.wait_indirect_dma semaphore(%run_scoped3A_29 : memref<!tpu.dma_semaphore, #tpu.memory_space<semaphore_mem>>) src(%arg8 : memref<112x128xf32, #tpu.memory_space<vmem>>) dst(%dma_wait3A_41 : memref<10240x128xf32, #tpu.memory_space<vmem_shared>>)
        tpu.yield
      }) : () -> ()
    }
    %scan3A_7 = arith.constant 90 : i32
    %barrier3A_8 = arith.constant 0 : index
    tpu.barrier barrier_id(%barrier3A_8)
    %mul3A_9 = arith.constant 640 : i32
    %mul3A_10 = arith.muli %arg1, %mul3A_9 : i32
    %mul3A_11 = arith.constant 10240 : i32
    %mul3A_12 = arith.muli %arg0, %mul3A_11 : i32
    %mul3A_13 = arith.constant 640 : i32
    %mul3A_14 = arith.muli %arg1, %mul3A_13 : i32
    %add3A_15 = arith.addi %mul3A_12, %mul3A_14 : i32
    "tpu.region"() ({
      %run_scoped3A = tpu.sem_alloc : memref<!tpu.dma_semaphore, #tpu.memory_space<semaphore_mem>>
      %dma_start3A = arith.constant 0 : i32
      %dma_start3A_16 = tpu.memref_slice %arg5[%add3A_15, %dma_start3A] : memref<20480x128xf32, #tpu.memory_space<hbm>> -> memref<640x128xf32, #tpu.memory_space<hbm>>
      %dma_start3A_17 = arith.constant 0 : i32
      %dma_start3A_18 = tpu.memref_slice %arg6[%mul3A_10, %dma_start3A_17] : memref<10240x128xf32, #tpu.memory_space<vmem_shared>> -> memref<640x128xf32, #tpu.memory_space<vmem_shared>>
      tpu.enqueue_dma source(%dma_start3A_18 : memref<640x128xf32, #tpu.memory_space<vmem_shared>>) target(%dma_start3A_16 : memref<640x128xf32, #tpu.memory_space<hbm>>) target_semaphore(%run_scoped3A : memref<!tpu.dma_semaphore, #tpu.memory_space<semaphore_mem>>)
      %dma_wait3A = arith.constant 0 : i32
      %dma_wait3A_19 = tpu.memref_slice %arg5[%add3A_15, %dma_wait3A] : memref<20480x128xf32, #tpu.memory_space<hbm>> -> memref<640x128xf32, #tpu.memory_space<hbm>>
      %dma_wait3A_20 = arith.constant 0 : i32
      %dma_wait3A_21 = tpu.memref_slice %arg6[%mul3A_10, %dma_wait3A_20] : memref<10240x128xf32, #tpu.memory_space<vmem_shared>> -> memref<640x128xf32, #tpu.memory_space<vmem_shared>>
      tpu.wait_dma2 semaphore(%run_scoped3A : memref<!tpu.dma_semaphore, #tpu.memory_space<semaphore_mem>>) src(%dma_wait3A_21 : memref<640x128xf32, #tpu.memory_space<vmem_shared>>) dst(%dma_wait3A_19 : memref<640x128xf32, #tpu.memory_space<hbm>>)
      tpu.yield
    }) : () -> ()
    return
  }
}

module attributes {stable_mosaic.version = 14 : i64} {
  func.func @_tc_init_body(%arg0: memref<10000x128xf32, #tpu.memory_space<vmem>>, %arg1: memref<128x128xf32, #tpu.memory_space<vmem>>, %arg2: memref<1x128xf32, #tpu.memory_space<vmem>>, %arg3: memref<10000x128xf32, #tpu.memory_space<vmem>>, %arg4: memref<10000x128xf32, #tpu.memory_space<vmem>>) attributes {dimension_semantics = [], scalar_prefetch = 0 : i64, scratch_operands = 0 : i64, tpu.core_type = #tpu.core_type<tc>} {
    %get3A = arith.constant 0 : index
    %get3A_0 = arith.constant 0 : index
    %get3A_1 = vector.load %arg0[%get3A, %get3A_0] : memref<10000x128xf32, #tpu.memory_space<vmem>>, vector<10000x128xf32>
    %sqrt3A = arith.constant 1.280000e+02 : f32
    %sqrt3A_2 = math.sqrt %sqrt3A : f32
    %div3A = vector.broadcast %sqrt3A_2 : f32 to vector<10000x128xf32>
    %div3A_3 = arith.divf %get3A_1, %div3A : vector<10000x128xf32>
    %swap3A = arith.constant 0 : index
    %swap3A_4 = arith.constant 0 : index
    %swap3A_5 = vector.load %arg3[%swap3A, %swap3A_4] : memref<10000x128xf32, #tpu.memory_space<vmem>>, vector<10000x128xf32>
    tpu.vector_store %arg3[%swap3A, %swap3A_4], %div3A_3 {strides = array<i32>} : memref<10000x128xf32, #tpu.memory_space<vmem>>, vector<10000x128xf32>,
    %get3A_6 = arith.constant 0 : index
    %get3A_7 = arith.constant 0 : index
    %get3A_8 = vector.load %arg1[%get3A_6, %get3A_7] : memref<128x128xf32, #tpu.memory_space<vmem>>, vector<128x128xf32>
    %get3A_9 = arith.constant 0 : index
    %get3A_10 = arith.constant 0 : index
    %get3A_11 = vector.load %arg2[%get3A_9, %get3A_10] : memref<1x128xf32, #tpu.memory_space<vmem>>, vector<1x128xf32>
    %dot_general3A = arith.constant dense<0.000000e+00> : vector<10000x128xf32>
    %dot_general3A_12 = tpu.matmul %div3A_3, %get3A_8, %dot_general3A {dimension_numbers = #tpu.dot_dimension_numbers<[1], [1], [0], [0], [0, 0, 1, 0], [], []>, transpose_lhs_hint = false} : vector<10000x128xf32>, vector<128x128xf32>, vector<10000x128xf32> -> vector<10000x128xf32>
    %add3A = vector.broadcast %get3A_11 : vector<1x128xf32> to vector<10000x128xf32>
    %add3A_13 = arith.addf %dot_general3A_12, %add3A : vector<10000x128xf32>
    %swap3A_14 = arith.constant 0 : index
    %swap3A_15 = arith.constant 0 : index
    %swap3A_16 = vector.load %arg4[%swap3A_14, %swap3A_15] : memref<10000x128xf32, #tpu.memory_space<vmem>>, vector<10000x128xf32>
    tpu.vector_store %arg4[%swap3A_14, %swap3A_15], %add3A_13 {strides = array<i32>} : memref<10000x128xf32, #tpu.memory_space<vmem>>, vector<10000x128xf32>,
    return
  }
}

module attributes {stable_mosaic.version = 14 : i64} {
  func.func @_tc_gru_body(%arg0: memref<2x10000x128xf32, #tpu.memory_space<vmem>>, %arg1: memref<10000x128xf32, #tpu.memory_space<vmem>>, %arg2: memref<384x128xf32, #tpu.memory_space<vmem>>, %arg3: memref<1x384xf32, #tpu.memory_space<vmem>>, %arg4: memref<384x128xf32, #tpu.memory_space<vmem>>, %arg5: memref<1x384xf32, #tpu.memory_space<vmem>>, %arg6: memref<128x128xf32, #tpu.memory_space<vmem>>, %arg7: memref<1x128xf32, #tpu.memory_space<vmem>>, %arg8: memref<10000x128xf32, #tpu.memory_space<vmem>>, %arg9: memref<10000x128xf32, #tpu.memory_space<vmem>>) attributes {dimension_semantics = [], scalar_prefetch = 0 : i64, scratch_operands = 0 : i64, tpu.core_type = #tpu.core_type<tc>} {
    %get3A = arith.constant 0 : index
    %get3A_0 = arith.constant 0 : index
    %get3A_1 = arith.constant 0 : index
    %get3A_2 = vector.load %arg0[%get3A, %get3A_0, %get3A_1] : memref<2x10000x128xf32, #tpu.memory_space<vmem>>, vector<1x10000x128xf32>
    %get3A_3 = vector.shape_cast %get3A_2 : vector<1x10000x128xf32> to vector<10000x128xf32>
    %get3A_4 = arith.constant 1 : index
    %get3A_5 = arith.constant 0 : index
    %get3A_6 = arith.constant 0 : index
    %get3A_7 = vector.load %arg0[%get3A_4, %get3A_5, %get3A_6] : memref<2x10000x128xf32, #tpu.memory_space<vmem>>, vector<1x10000x128xf32>
    %get3A_8 = vector.shape_cast %get3A_7 : vector<1x10000x128xf32> to vector<10000x128xf32>
    %add3A = arith.addf %get3A_3, %get3A_8 : vector<10000x128xf32>
    %get3A_9 = arith.constant 0 : index
    %get3A_10 = arith.constant 0 : index
    %get3A_11 = vector.load %arg1[%get3A_9, %get3A_10] : memref<10000x128xf32, #tpu.memory_space<vmem>>, vector<10000x128xf32>
    %get3A_12 = arith.constant 0 : index
    %get3A_13 = arith.constant 0 : index
    %get3A_14 = vector.load %arg2[%get3A_12, %get3A_13] : memref<384x128xf32, #tpu.memory_space<vmem>>, vector<384x128xf32>
    %get3A_15 = arith.constant 0 : index
    %get3A_16 = arith.constant 0 : index
    %get3A_17 = vector.load %arg3[%get3A_15, %get3A_16] : memref<1x384xf32, #tpu.memory_space<vmem>>, vector<1x384xf32>
    %dot_general3A = arith.constant dense<0.000000e+00> : vector<10000x384xf32>
    %dot_general3A_18 = tpu.matmul %add3A, %get3A_14, %dot_general3A {dimension_numbers = #tpu.dot_dimension_numbers<[1], [1], [0], [0], [0, 0, 1, 0], [], []>, transpose_lhs_hint = false} : vector<10000x128xf32>, vector<384x128xf32>, vector<10000x384xf32> -> vector<10000x384xf32>
    %add3A_19 = vector.broadcast %get3A_17 : vector<1x384xf32> to vector<10000x384xf32>
    %add3A_20 = arith.addf %dot_general3A_18, %add3A_19 : vector<10000x384xf32>
    %get3A_21 = arith.constant 0 : index
    %get3A_22 = arith.constant 0 : index
    %get3A_23 = vector.load %arg4[%get3A_21, %get3A_22] : memref<384x128xf32, #tpu.memory_space<vmem>>, vector<384x128xf32>
    %get3A_24 = arith.constant 0 : index
    %get3A_25 = arith.constant 0 : index
    %get3A_26 = vector.load %arg5[%get3A_24, %get3A_25] : memref<1x384xf32, #tpu.memory_space<vmem>>, vector<1x384xf32>
    %dot_general3A_27 = arith.constant dense<0.000000e+00> : vector<10000x384xf32>
    %dot_general3A_28 = tpu.matmul %get3A_11, %get3A_23, %dot_general3A_27 {dimension_numbers = #tpu.dot_dimension_numbers<[1], [1], [0], [0], [0, 0, 1, 0], [], []>, transpose_lhs_hint = false} : vector<10000x128xf32>, vector<384x128xf32>, vector<10000x384xf32> -> vector<10000x384xf32>
    %add3A_29 = vector.broadcast %get3A_26 : vector<1x384xf32> to vector<10000x384xf32>
    %add3A_30 = arith.addf %dot_general3A_28, %add3A_29 : vector<10000x384xf32>
    %slice3A = vector.extract_strided_slice %add3A_20 {offsets = [0, 0], sizes = [10000, 128], strides = [1, 1]} : vector<10000x384xf32> to vector<10000x128xf32>
    %slice3A_31 = vector.extract_strided_slice %add3A_30 {offsets = [0, 0], sizes = [10000, 128], strides = [1, 1]} : vector<10000x384xf32> to vector<10000x128xf32>
    %add3A_32 = arith.addf %slice3A, %slice3A_31 : vector<10000x128xf32>
    %logistic3A = arith.negf %add3A_32 : vector<10000x128xf32>
    %logistic3A_33 = math.exp %logistic3A : vector<10000x128xf32>
    %logistic3A_34 = arith.constant 1.000000e+00 : f32
    %logistic3A_35 = vector.broadcast %logistic3A_34 : f32 to vector<10000x128xf32>
    %logistic3A_36 = arith.addf %logistic3A_35, %logistic3A_33 : vector<10000x128xf32>
    %logistic3A_37 = arith.divf %logistic3A_35, %logistic3A_36 : vector<10000x128xf32>
    %slice3A_38 = vector.extract_strided_slice %add3A_20 {offsets = [0, 128], sizes = [10000, 128], strides = [1, 1]} : vector<10000x384xf32> to vector<10000x128xf32>
    %slice3A_39 = vector.extract_strided_slice %add3A_30 {offsets = [0, 128], sizes = [10000, 128], strides = [1, 1]} : vector<10000x384xf32> to vector<10000x128xf32>
    %add3A_40 = arith.addf %slice3A_38, %slice3A_39 : vector<10000x128xf32>
    %logistic3A_41 = arith.negf %add3A_40 : vector<10000x128xf32>
    %logistic3A_42 = math.exp %logistic3A_41 : vector<10000x128xf32>
    %logistic3A_43 = arith.constant 1.000000e+00 : f32
    %logistic3A_44 = vector.broadcast %logistic3A_43 : f32 to vector<10000x128xf32>
    %logistic3A_45 = arith.addf %logistic3A_44, %logistic3A_42 : vector<10000x128xf32>
    %logistic3A_46 = arith.divf %logistic3A_44, %logistic3A_45 : vector<10000x128xf32>
    %slice3A_47 = vector.extract_strided_slice %add3A_20 {offsets = [0, 256], sizes = [10000, 128], strides = [1, 1]} : vector<10000x384xf32> to vector<10000x128xf32>
    %slice3A_48 = vector.extract_strided_slice %add3A_30 {offsets = [0, 256], sizes = [10000, 128], strides = [1, 1]} : vector<10000x384xf32> to vector<10000x128xf32>
    %mul3A = arith.mulf %logistic3A_37, %slice3A_48 : vector<10000x128xf32>
    %add3A_49 = arith.addf %slice3A_47, %mul3A : vector<10000x128xf32>
    %tanh3A = math.tanh %add3A_49 : vector<10000x128xf32>
    %sub3A = arith.constant 1.000000e+00 : f32
    %sub3A_50 = vector.broadcast %sub3A : f32 to vector<10000x128xf32>
    %sub3A_51 = arith.subf %sub3A_50, %logistic3A_46 : vector<10000x128xf32>
    %mul3A_52 = arith.mulf %sub3A_51, %tanh3A : vector<10000x128xf32>
    %mul3A_53 = arith.mulf %logistic3A_46, %get3A_11 : vector<10000x128xf32>
    %add3A_54 = arith.addf %mul3A_52, %mul3A_53 : vector<10000x128xf32>
    %swap3A = arith.constant 0 : index
    %swap3A_55 = arith.constant 0 : index
    %swap3A_56 = vector.load %arg8[%swap3A, %swap3A_55] : memref<10000x128xf32, #tpu.memory_space<vmem>>, vector<10000x128xf32>
    tpu.vector_store %arg8[%swap3A, %swap3A_55], %add3A_54 {strides = array<i32>} : memref<10000x128xf32, #tpu.memory_space<vmem>>, vector<10000x128xf32>,
    %get3A_57 = arith.constant 0 : index
    %get3A_58 = arith.constant 0 : index
    %get3A_59 = vector.load %arg6[%get3A_57, %get3A_58] : memref<128x128xf32, #tpu.memory_space<vmem>>, vector<128x128xf32>
    %get3A_60 = arith.constant 0 : index
    %get3A_61 = arith.constant 0 : index
    %get3A_62 = vector.load %arg7[%get3A_60, %get3A_61] : memref<1x128xf32, #tpu.memory_space<vmem>>, vector<1x128xf32>
    %dot_general3A_63 = arith.constant dense<0.000000e+00> : vector<10000x128xf32>
    %dot_general3A_64 = tpu.matmul %add3A_54, %get3A_59, %dot_general3A_63 {dimension_numbers = #tpu.dot_dimension_numbers<[1], [1], [0], [0], [0, 0, 1, 0], [], []>, transpose_lhs_hint = false} : vector<10000x128xf32>, vector<128x128xf32>, vector<10000x128xf32> -> vector<10000x128xf32>
    %add3A_65 = vector.broadcast %get3A_62 : vector<1x128xf32> to vector<10000x128xf32>
    %add3A_66 = arith.addf %dot_general3A_64, %add3A_65 : vector<10000x128xf32>
    %swap3A_67 = arith.constant 0 : index
    %swap3A_68 = arith.constant 0 : index
    %swap3A_69 = vector.load %arg9[%swap3A_67, %swap3A_68] : memref<10000x128xf32, #tpu.memory_space<vmem>>, vector<10000x128xf32>
    tpu.vector_store %arg9[%swap3A_67, %swap3A_68], %add3A_66 {strides = array<i32>} : memref<10000x128xf32, #tpu.memory_space<vmem>>, vector<10000x128xf32>,
    return
  }
}

module attributes {stable_mosaic.version = 14 : i64} {
  func.func @_tc_gru_body(%arg0: memref<2x10000x128xf32, #tpu.memory_space<vmem>>, %arg1: memref<10000x128xf32, #tpu.memory_space<vmem>>, %arg2: memref<384x128xf32, #tpu.memory_space<vmem>>, %arg3: memref<1x384xf32, #tpu.memory_space<vmem>>, %arg4: memref<384x128xf32, #tpu.memory_space<vmem>>, %arg5: memref<1x384xf32, #tpu.memory_space<vmem>>, %arg6: memref<128x128xf32, #tpu.memory_space<vmem>>, %arg7: memref<1x128xf32, #tpu.memory_space<vmem>>, %arg8: memref<10000x128xf32, #tpu.memory_space<vmem>>, %arg9: memref<10000x128xf32, #tpu.memory_space<vmem>>) attributes {dimension_semantics = [], scalar_prefetch = 0 : i64, scratch_operands = 0 : i64, tpu.core_type = #tpu.core_type<tc>} {
    %get3A = arith.constant 0 : index
    %get3A_0 = arith.constant 0 : index
    %get3A_1 = arith.constant 0 : index
    %get3A_2 = vector.load %arg0[%get3A, %get3A_0, %get3A_1] : memref<2x10000x128xf32, #tpu.memory_space<vmem>>, vector<1x10000x128xf32>
    %get3A_3 = vector.shape_cast %get3A_2 : vector<1x10000x128xf32> to vector<10000x128xf32>
    %get3A_4 = arith.constant 1 : index
    %get3A_5 = arith.constant 0 : index
    %get3A_6 = arith.constant 0 : index
    %get3A_7 = vector.load %arg0[%get3A_4, %get3A_5, %get3A_6] : memref<2x10000x128xf32, #tpu.memory_space<vmem>>, vector<1x10000x128xf32>
    %get3A_8 = vector.shape_cast %get3A_7 : vector<1x10000x128xf32> to vector<10000x128xf32>
    %add3A = arith.addf %get3A_3, %get3A_8 : vector<10000x128xf32>
    %get3A_9 = arith.constant 0 : index
    %get3A_10 = arith.constant 0 : index
    %get3A_11 = vector.load %arg1[%get3A_9, %get3A_10] : memref<10000x128xf32, #tpu.memory_space<vmem>>, vector<10000x128xf32>
    %get3A_12 = arith.constant 0 : index
    %get3A_13 = arith.constant 0 : index
    %get3A_14 = vector.load %arg2[%get3A_12, %get3A_13] : memref<384x128xf32, #tpu.memory_space<vmem>>, vector<384x128xf32>
    %get3A_15 = arith.constant 0 : index
    %get3A_16 = arith.constant 0 : index
    %get3A_17 = vector.load %arg3[%get3A_15, %get3A_16] : memref<1x384xf32, #tpu.memory_space<vmem>>, vector<1x384xf32>
    %dot_general3A = arith.constant dense<0.000000e+00> : vector<10000x384xf32>
    %dot_general3A_18 = tpu.matmul %add3A, %get3A_14, %dot_general3A {dimension_numbers = #tpu.dot_dimension_numbers<[1], [1], [0], [0], [0, 0, 1, 0], [], []>, transpose_lhs_hint = false} : vector<10000x128xf32>, vector<384x128xf32>, vector<10000x384xf32> -> vector<10000x384xf32>
    %add3A_19 = vector.broadcast %get3A_17 : vector<1x384xf32> to vector<10000x384xf32>
    %add3A_20 = arith.addf %dot_general3A_18, %add3A_19 : vector<10000x384xf32>
    %get3A_21 = arith.constant 0 : index
    %get3A_22 = arith.constant 0 : index
    %get3A_23 = vector.load %arg4[%get3A_21, %get3A_22] : memref<384x128xf32, #tpu.memory_space<vmem>>, vector<384x128xf32>
    %get3A_24 = arith.constant 0 : index
    %get3A_25 = arith.constant 0 : index
    %get3A_26 = vector.load %arg5[%get3A_24, %get3A_25] : memref<1x384xf32, #tpu.memory_space<vmem>>, vector<1x384xf32>
    %dot_general3A_27 = arith.constant dense<0.000000e+00> : vector<10000x384xf32>
    %dot_general3A_28 = tpu.matmul %get3A_11, %get3A_23, %dot_general3A_27 {dimension_numbers = #tpu.dot_dimension_numbers<[1], [1], [0], [0], [0, 0, 1, 0], [], []>, transpose_lhs_hint = false} : vector<10000x128xf32>, vector<384x128xf32>, vector<10000x384xf32> -> vector<10000x384xf32>
    %add3A_29 = vector.broadcast %get3A_26 : vector<1x384xf32> to vector<10000x384xf32>
    %add3A_30 = arith.addf %dot_general3A_28, %add3A_29 : vector<10000x384xf32>
    %slice3A = vector.extract_strided_slice %add3A_20 {offsets = [0, 0], sizes = [10000, 128], strides = [1, 1]} : vector<10000x384xf32> to vector<10000x128xf32>
    %slice3A_31 = vector.extract_strided_slice %add3A_30 {offsets = [0, 0], sizes = [10000, 128], strides = [1, 1]} : vector<10000x384xf32> to vector<10000x128xf32>
    %add3A_32 = arith.addf %slice3A, %slice3A_31 : vector<10000x128xf32>
    %logistic3A = arith.negf %add3A_32 : vector<10000x128xf32>
    %logistic3A_33 = math.exp %logistic3A : vector<10000x128xf32>
    %logistic3A_34 = arith.constant 1.000000e+00 : f32
    %logistic3A_35 = vector.broadcast %logistic3A_34 : f32 to vector<10000x128xf32>
    %logistic3A_36 = arith.addf %logistic3A_35, %logistic3A_33 : vector<10000x128xf32>
    %logistic3A_37 = arith.divf %logistic3A_35, %logistic3A_36 : vector<10000x128xf32>
    %slice3A_38 = vector.extract_strided_slice %add3A_20 {offsets = [0, 128], sizes = [10000, 128], strides = [1, 1]} : vector<10000x384xf32> to vector<10000x128xf32>
    %slice3A_39 = vector.extract_strided_slice %add3A_30 {offsets = [0, 128], sizes = [10000, 128], strides = [1, 1]} : vector<10000x384xf32> to vector<10000x128xf32>
    %add3A_40 = arith.addf %slice3A_38, %slice3A_39 : vector<10000x128xf32>
    %logistic3A_41 = arith.negf %add3A_40 : vector<10000x128xf32>
    %logistic3A_42 = math.exp %logistic3A_41 : vector<10000x128xf32>
    %logistic3A_43 = arith.constant 1.000000e+00 : f32
    %logistic3A_44 = vector.broadcast %logistic3A_43 : f32 to vector<10000x128xf32>
    %logistic3A_45 = arith.addf %logistic3A_44, %logistic3A_42 : vector<10000x128xf32>
    %logistic3A_46 = arith.divf %logistic3A_44, %logistic3A_45 : vector<10000x128xf32>
    %slice3A_47 = vector.extract_strided_slice %add3A_20 {offsets = [0, 256], sizes = [10000, 128], strides = [1, 1]} : vector<10000x384xf32> to vector<10000x128xf32>
    %slice3A_48 = vector.extract_strided_slice %add3A_30 {offsets = [0, 256], sizes = [10000, 128], strides = [1, 1]} : vector<10000x384xf32> to vector<10000x128xf32>
    %mul3A = arith.mulf %logistic3A_37, %slice3A_48 : vector<10000x128xf32>
    %add3A_49 = arith.addf %slice3A_47, %mul3A : vector<10000x128xf32>
    %tanh3A = math.tanh %add3A_49 : vector<10000x128xf32>
    %sub3A = arith.constant 1.000000e+00 : f32
    %sub3A_50 = vector.broadcast %sub3A : f32 to vector<10000x128xf32>
    %sub3A_51 = arith.subf %sub3A_50, %logistic3A_46 : vector<10000x128xf32>
    %mul3A_52 = arith.mulf %sub3A_51, %tanh3A : vector<10000x128xf32>
    %mul3A_53 = arith.mulf %logistic3A_46, %get3A_11 : vector<10000x128xf32>
    %add3A_54 = arith.addf %mul3A_52, %mul3A_53 : vector<10000x128xf32>
    %swap3A = arith.constant 0 : index
    %swap3A_55 = arith.constant 0 : index
    %swap3A_56 = vector.load %arg8[%swap3A, %swap3A_55] : memref<10000x128xf32, #tpu.memory_space<vmem>>, vector<10000x128xf32>
    tpu.vector_store %arg8[%swap3A, %swap3A_55], %add3A_54 {strides = array<i32>} : memref<10000x128xf32, #tpu.memory_space<vmem>>, vector<10000x128xf32>,
    %get3A_57 = arith.constant 0 : index
    %get3A_58 = arith.constant 0 : index
    %get3A_59 = vector.load %arg6[%get3A_57, %get3A_58] : memref<128x128xf32, #tpu.memory_space<vmem>>, vector<128x128xf32>
    %get3A_60 = arith.constant 0 : index
    %get3A_61 = arith.constant 0 : index
    %get3A_62 = vector.load %arg7[%get3A_60, %get3A_61] : memref<1x128xf32, #tpu.memory_space<vmem>>, vector<1x128xf32>
    %dot_general3A_63 = arith.constant dense<0.000000e+00> : vector<10000x128xf32>
    %dot_general3A_64 = tpu.matmul %add3A_54, %get3A_59, %dot_general3A_63 {dimension_numbers = #tpu.dot_dimension_numbers<[1], [1], [0], [0], [0, 0, 1, 0], [], []>, transpose_lhs_hint = false} : vector<10000x128xf32>, vector<128x128xf32>, vector<10000x128xf32> -> vector<10000x128xf32>
    %add3A_65 = vector.broadcast %get3A_62 : vector<1x128xf32> to vector<10000x128xf32>
    %add3A_66 = arith.addf %dot_general3A_64, %add3A_65 : vector<10000x128xf32>
    %swap3A_67 = arith.constant 0 : index
    %swap3A_68 = arith.constant 0 : index
    %swap3A_69 = vector.load %arg9[%swap3A_67, %swap3A_68] : memref<10000x128xf32, #tpu.memory_space<vmem>>, vector<10000x128xf32>
    tpu.vector_store %arg9[%swap3A_67, %swap3A_68], %add3A_66 {strides = array<i32>} : memref<10000x128xf32, #tpu.memory_space<vmem>>, vector<10000x128xf32>,
    return
  }
}

module attributes {stable_mosaic.version = 14 : i64} {
  func.func @_tc_hs_body(%arg0: memref<10000x128xf32, #tpu.memory_space<vmem>>, %arg1: memref<2x10000x1xf32, #tpu.memory_space<vmem>>, %arg2: memref<10000x128xf32, #tpu.memory_space<vmem>>) attributes {dimension_semantics = [], scalar_prefetch = 0 : i64, scratch_operands = 0 : i64, tpu.core_type = #tpu.core_type<tc>} {
    %get3A = arith.constant 0 : index
    %get3A_0 = arith.constant 0 : index
    %get3A_1 = arith.constant 0 : index
    %get3A_2 = vector.load %arg1[%get3A, %get3A_0, %get3A_1] : memref<2x10000x1xf32, #tpu.memory_space<vmem>>, vector<1x10000x1xf32>
    %get3A_3 = vector.shape_cast %get3A_2 : vector<1x10000x1xf32> to vector<10000x1xf32>
    %get3A_4 = arith.constant 1 : index
    %get3A_5 = arith.constant 0 : index
    %get3A_6 = arith.constant 0 : index
    %get3A_7 = vector.load %arg1[%get3A_4, %get3A_5, %get3A_6] : memref<2x10000x1xf32, #tpu.memory_space<vmem>>, vector<1x10000x1xf32>
    %get3A_8 = vector.shape_cast %get3A_7 : vector<1x10000x1xf32> to vector<10000x1xf32>
    %add3A = arith.addf %get3A_3, %get3A_8 : vector<10000x1xf32>
    %iota3A = tpu.iota {dimensions = array<i32: 0>} : vector<10000x1xi32>
    %eq3A = arith.constant 0 : i32
    %eq3A_9 = vector.broadcast %eq3A : i32 to vector<10000x1xi32>
    %eq3A_10 = arith.cmpi eq, %iota3A, %eq3A_9 : vector<10000x1xi32>
    %jit3A = arith.constant 2.560000e+03 : f32
    %jit3A_11 = arith.constant 0.000000e+00 : f32
    %broadcast_in_dim3A = vector.broadcast %jit3A : f32 to vector<10000x1xf32>
    %broadcast_in_dim3A_12 = vector.broadcast %jit3A_11 : f32 to vector<10000x1xf32>
    %select_n3A = arith.select %eq3A_10, %broadcast_in_dim3A, %broadcast_in_dim3A_12 : vector<10000x1xi1>, vector<10000x1xf32>
    %sub3A = arith.subf %add3A, %select_n3A : vector<10000x1xf32>
    %get3A_13 = arith.constant 0 : index
    %get3A_14 = arith.constant 0 : index
    %get3A_15 = vector.load %arg0[%get3A_13, %get3A_14] : memref<10000x128xf32, #tpu.memory_space<vmem>>, vector<10000x128xf32>
    %max3A = arith.constant 1.000000e+00 : f32
    %max3A_16 = vector.broadcast %max3A : f32 to vector<10000x1xf32>
    %max3A_17 = arith.maximumf %sub3A, %max3A_16 : vector<10000x1xf32>
    %rsqrt3A = math.rsqrt %max3A_17 : vector<10000x1xf32>
    %mul3A = vector.broadcast %rsqrt3A : vector<10000x1xf32> to vector<10000x128xf32>
    %mul3A_18 = arith.mulf %get3A_15, %mul3A : vector<10000x128xf32>
    %swap3A = arith.constant 0 : index
    %swap3A_19 = arith.constant 0 : index
    %swap3A_20 = vector.load %arg2[%swap3A, %swap3A_19] : memref<10000x128xf32, #tpu.memory_space<vmem>>, vector<10000x128xf32>
    tpu.vector_store %arg2[%swap3A, %swap3A_19], %mul3A_18 {strides = array<i32>} : memref<10000x128xf32, #tpu.memory_space<vmem>>, vector<10000x128xf32>,
    return
  }
}

module attributes {stable_mosaic.version = 14 : i64} {
  func.func @_tc_fin_body(%arg0: memref<2x10000x128xf32, #tpu.memory_space<vmem>>, %arg1: memref<2x10000x1xf32, #tpu.memory_space<vmem>>, %arg2: memref<128x3xf32, #tpu.memory_space<vmem>>, %arg3: memref<1x3xf32, #tpu.memory_space<vmem>>, %arg4: memref<3x1xf32, #tpu.memory_space<vmem>>, %arg5: memref<1x1xf32, #tpu.memory_space<vmem>>, %arg6: memref<3x1xf32, #tpu.memory_space<vmem>>, %arg7: memref<1x1xf32, #tpu.memory_space<vmem>>, %arg8: memref<10000x3xf32, #tpu.memory_space<vmem>>, %arg9: memref<1x1xf32, #tpu.memory_space<vmem>>) attributes {dimension_semantics = [], scalar_prefetch = 0 : i64, scratch_operands = 0 : i64, tpu.core_type = #tpu.core_type<tc>} {
    %get3A = arith.constant 0 : index
    %get3A_0 = arith.constant 0 : index
    %get3A_1 = arith.constant 0 : index
    %get3A_2 = vector.load %arg1[%get3A, %get3A_0, %get3A_1] : memref<2x10000x1xf32, #tpu.memory_space<vmem>>, vector<1x10000x1xf32>
    %get3A_3 = vector.shape_cast %get3A_2 : vector<1x10000x1xf32> to vector<10000x1xf32>
    %get3A_4 = arith.constant 1 : index
    %get3A_5 = arith.constant 0 : index
    %get3A_6 = arith.constant 0 : index
    %get3A_7 = vector.load %arg1[%get3A_4, %get3A_5, %get3A_6] : memref<2x10000x1xf32, #tpu.memory_space<vmem>>, vector<1x10000x1xf32>
    %get3A_8 = vector.shape_cast %get3A_7 : vector<1x10000x1xf32> to vector<10000x1xf32>
    %add3A = arith.addf %get3A_3, %get3A_8 : vector<10000x1xf32>
    %get3A_9 = arith.constant 0 : index
    %get3A_10 = arith.constant 0 : index
    %get3A_11 = arith.constant 0 : index
    %get3A_12 = vector.load %arg0[%get3A_9, %get3A_10, %get3A_11] : memref<2x10000x128xf32, #tpu.memory_space<vmem>>, vector<1x10000x128xf32>
    %get3A_13 = vector.shape_cast %get3A_12 : vector<1x10000x128xf32> to vector<10000x128xf32>
    %get3A_14 = arith.constant 1 : index
    %get3A_15 = arith.constant 0 : index
    %get3A_16 = arith.constant 0 : index
    %get3A_17 = vector.load %arg0[%get3A_14, %get3A_15, %get3A_16] : memref<2x10000x128xf32, #tpu.memory_space<vmem>>, vector<1x10000x128xf32>
    %get3A_18 = vector.shape_cast %get3A_17 : vector<1x10000x128xf32> to vector<10000x128xf32>
    %add3A_19 = arith.addf %get3A_13, %get3A_18 : vector<10000x128xf32>
    %max3A = arith.constant 1.000000e+00 : f32
    %max3A_20 = vector.broadcast %max3A : f32 to vector<10000x1xf32>
    %max3A_21 = arith.maximumf %add3A, %max3A_20 : vector<10000x1xf32>
    %rsqrt3A = math.rsqrt %max3A_21 : vector<10000x1xf32>
    %mul3A = vector.broadcast %rsqrt3A : vector<10000x1xf32> to vector<10000x128xf32>
    %mul3A_22 = arith.mulf %add3A_19, %mul3A : vector<10000x128xf32>
    %get3A_23 = arith.constant 0 : index
    %get3A_24 = arith.constant 0 : index
    %get3A_25 = vector.load %arg2[%get3A_23, %get3A_24] : memref<128x3xf32, #tpu.memory_space<vmem>>, vector<128x3xf32>
    %dot_general3A = arith.constant dense<0.000000e+00> : vector<10000x3xf32>
    %dot_general3A_26 = tpu.matmul %mul3A_22, %get3A_25, %dot_general3A {dimension_numbers = #tpu.dot_dimension_numbers<[1], [0], [0], [1], [0, 0, 1, 1], [], []>, transpose_lhs_hint = false} : vector<10000x128xf32>, vector<128x3xf32>, vector<10000x3xf32> -> vector<10000x3xf32>
    %get3A_27 = arith.constant 0 : index
    %get3A_28 = arith.constant 0 : index
    %get3A_29 = vector.load %arg3[%get3A_27, %get3A_28] : memref<1x3xf32, #tpu.memory_space<vmem>>, vector<1x3xf32>
    %add3A_30 = vector.broadcast %get3A_29 : vector<1x3xf32> to vector<10000x3xf32>
    %add3A_31 = arith.addf %dot_general3A_26, %add3A_30 : vector<10000x3xf32>
    %reduce_max3A = arith.constant dense<0xFF800000> : vector<10000xf32>
    %reduce_max3A_32 = vector.multi_reduction <maximumf>, %add3A_31, %reduce_max3A [1] : vector<10000x3xf32> to vector<10000xf32>
    %max3A_33 = arith.constant 0xFF800000 : f32
    %max3A_34 = vector.broadcast %max3A_33 : f32 to vector<10000xf32>
    %max3A_35 = arith.maximumf %max3A_34, %reduce_max3A_32 : vector<10000xf32>
    %broadcast_in_dim3A = vector.shape_cast %max3A_35 : vector<10000xf32> to vector<10000x1xf32>
    %sub3A = vector.broadcast %broadcast_in_dim3A : vector<10000x1xf32> to vector<10000x3xf32>
    %sub3A_36 = arith.subf %add3A_31, %sub3A : vector<10000x3xf32>
    %exp3A = math.exp %sub3A_36 : vector<10000x3xf32>
    %reduce_sum3A = arith.constant dense<0.000000e+00> : vector<10000xf32>
    %reduce_sum3A_37 = vector.multi_reduction <add>, %exp3A, %reduce_sum3A [1] : vector<10000x3xf32> to vector<10000xf32>
    %broadcast_in_dim3A_38 = vector.shape_cast %reduce_sum3A_37 : vector<10000xf32> to vector<10000x1xf32>
    %div3A = vector.broadcast %broadcast_in_dim3A_38 : vector<10000x1xf32> to vector<10000x3xf32>
    %div3A_39 = arith.divf %exp3A, %div3A : vector<10000x3xf32>
    %swap3A = arith.constant 0 : index
    %swap3A_40 = arith.constant 0 : index
    %swap3A_41 = vector.load %arg8[%swap3A, %swap3A_40] : memref<10000x3xf32, #tpu.memory_space<vmem>>, vector<10000x3xf32>
    tpu.vector_store %arg8[%swap3A, %swap3A_40], %div3A_39 {strides = array<i32>} : memref<10000x3xf32, #tpu.memory_space<vmem>>, vector<10000x3xf32>,
    %get3A_42 = arith.constant 0 : index
    %get3A_43 = arith.constant 0 : index
    %get3A_44 = vector.load %arg4[%get3A_42, %get3A_43] : memref<3x1xf32, #tpu.memory_space<vmem>>, vector<3x1xf32>
    %dot_general3A_45 = arith.constant dense<0.000000e+00> : vector<10000x1xf32>
    %dot_general3A_46 = tpu.matmul %div3A_39, %get3A_44, %dot_general3A_45 {dimension_numbers = #tpu.dot_dimension_numbers<[1], [0], [0], [1], [0, 0, 1, 1], [], []>, transpose_lhs_hint = false} : vector<10000x3xf32>, vector<3x1xf32>, vector<10000x1xf32> -> vector<10000x1xf32>
    %get3A_47 = arith.constant 0 : index
    %get3A_48 = arith.constant 0 : index
    %get3A_49 = vector.load %arg5[%get3A_47, %get3A_48] : memref<1x1xf32, #tpu.memory_space<vmem>>, vector<1x1xf32>
    %add3A_50 = vector.broadcast %get3A_49 : vector<1x1xf32> to vector<10000x1xf32>
    %add3A_51 = arith.addf %dot_general3A_46, %add3A_50 : vector<10000x1xf32>
    %reduce_max3A_52 = arith.constant dense<0xFF800000> : vector<1xf32>
    %reduce_max3A_53 = vector.multi_reduction <maximumf>, %add3A_51, %reduce_max3A_52 [0] : vector<10000x1xf32> to vector<1xf32>
    %max3A_54 = arith.constant 0xFF800000 : f32
    %max3A_55 = vector.broadcast %max3A_54 : f32 to vector<1xf32>
    %max3A_56 = arith.maximumf %max3A_55, %reduce_max3A_53 : vector<1xf32>
    %broadcast_in_dim3A_57 = vector.shape_cast %max3A_56 : vector<1xf32> to vector<1x1xf32>
    %sub3A_58 = vector.broadcast %broadcast_in_dim3A_57 : vector<1x1xf32> to vector<10000x1xf32>
    %sub3A_59 = arith.subf %add3A_51, %sub3A_58 : vector<10000x1xf32>
    %exp3A_60 = math.exp %sub3A_59 : vector<10000x1xf32>
    %reduce_sum3A_61 = arith.constant dense<0.000000e+00> : vector<1xf32>
    %reduce_sum3A_62 = vector.multi_reduction <add>, %exp3A_60, %reduce_sum3A_61 [0] : vector<10000x1xf32> to vector<1xf32>
    %broadcast_in_dim3A_63 = vector.shape_cast %reduce_sum3A_62 : vector<1xf32> to vector<1x1xf32>
    %div3A_64 = vector.broadcast %broadcast_in_dim3A_63 : vector<1x1xf32> to vector<10000x1xf32>
    %div3A_65 = arith.divf %exp3A_60, %div3A_64 : vector<10000x1xf32>
    %mul3A_66 = vector.broadcast %div3A_65 : vector<10000x1xf32> to vector<10000x3xf32>
    %mul3A_67 = arith.mulf %mul3A_66, %div3A_39 : vector<10000x3xf32>
    %reduce_sum3A_68 = arith.constant dense<0.000000e+00> : vector<3xf32>
    %reduce_sum3A_69 = vector.multi_reduction <add>, %mul3A_67, %reduce_sum3A_68 [0] : vector<10000x3xf32> to vector<3xf32>
    %broadcast_in_dim3A_70 = vector.shape_cast %reduce_sum3A_69 : vector<3xf32> to vector<1x3xf32>
    %get3A_71 = arith.constant 0 : index
    %get3A_72 = arith.constant 0 : index
    %get3A_73 = vector.load %arg6[%get3A_71, %get3A_72] : memref<3x1xf32, #tpu.memory_space<vmem>>, vector<3x1xf32>
    %dot_general3A_74 = arith.constant dense<0.000000e+00> : vector<1x1xf32>
    %dot_general3A_75 = tpu.matmul %broadcast_in_dim3A_70, %get3A_73, %dot_general3A_74 {dimension_numbers = #tpu.dot_dimension_numbers<[1], [0], [0], [1], [0, 0, 1, 1], [], []>, transpose_lhs_hint = false} : vector<1x3xf32>, vector<3x1xf32>, vector<1x1xf32> -> vector<1x1xf32>
    %get3A_76 = arith.constant 0 : index
    %get3A_77 = arith.constant 0 : index
    %get3A_78 = vector.load %arg7[%get3A_76, %get3A_77] : memref<1x1xf32, #tpu.memory_space<vmem>>, vector<1x1xf32>
    %add3A_79 = arith.addf %dot_general3A_75, %get3A_78 : vector<1x1xf32>
    %logistic3A = arith.negf %add3A_79 : vector<1x1xf32>
    %logistic3A_80 = math.exp %logistic3A : vector<1x1xf32>
    %logistic3A_81 = arith.constant 1.000000e+00 : f32
    %logistic3A_82 = vector.broadcast %logistic3A_81 : f32 to vector<1x1xf32>
    %logistic3A_83 = arith.addf %logistic3A_82, %logistic3A_80 : vector<1x1xf32>
    %logistic3A_84 = arith.divf %logistic3A_82, %logistic3A_83 : vector<1x1xf32>
    %swap3A_85 = arith.constant 0 : index
    %swap3A_86 = arith.constant 0 : index
    %swap3A_87 = vector.load %arg9[%swap3A_85, %swap3A_86] : memref<1x1xf32, #tpu.memory_space<vmem>>, vector<1x1xf32>
    tpu.vector_store %arg9[%swap3A_85, %swap3A_86], %logistic3A_84 {strides = array<i32>} : memref<1x1xf32, #tpu.memory_space<vmem>>, vector<1x1xf32>,
    return
  }
}

</mosaic_0001>

<sc_bundles>
// kernel: kernel.17.cloned.1.call-start
scs
__scs_entry_jumppad:
0x0: {  	(pc) =	sbr.rel $0x88, $3  }
0x1: {  	(tag) =	ssettag $0x0;
	lr =	simm.s32 $0x1  }
0x2: {  	[smem:$0x3F93] =	sst lr;
	_ =	strace $0xD0000000  }
0x3: {  	_ = 	snop  }
0x4: {  	_ = 	snop  }
0x5: {  	_ = 	snop  }
0x6: {  	_ = 	snop  }
0x7: {  	_ = 	snop  }
__scs_overlays_trampoline_lowered:
0x8: {  	[smem:$0x3FA2] =	sst s0  }
0x9: {  	[smem:$0x3FA3] =	sst s1  }
0xa: {  	[smem:$0x3FA4] =	sst s2  }
0xb: {  	[smem:$0x3FA5] =	sst s3  }
0xc: {  	[smem:$0x3FA6] =	sst s4  }
0xd: {  	[smem:$0x3FA7] =	sst s5  }
0xe: {  	[smem:$0x3FA8] =	sst s6  }
0xf: {  	[smem:$0x3FA9] =	sst s7  }
0x10: {  	[smem:$0x3FAA] =	sst s8  }
0x11: {  	[smem:$0x3FAB] =	sst s9;
	s0 =	simm.s32 @!p0 $0x0  }
0x12: {  	s1 =	sld [smem:$0x3F91];
	s0 =	simm.s32 @p0 $0x1  }
0x13: {  	[smem:$0x3FAC] =	sst s0;
	s0 =	simm.s32 @!p1 $0x0  }
0x14: {  	s2 =	sld [smem:$0x3F90];
	s0 =	simm.s32 @p1 $0x1  }
0x15: {  	[smem:$0x3FAD] =	sst s0;
	s0 =	simm.s32 @!p2 $0x0  }
0x16: {  	s3 =	sld [smem:$0x3FDB];
	s0 =	simm.s32 @p2 $0x1  }
0x17: {  	s4 =	simm.s32 $0x1BF5;
	[smem:$0x3FAF] =	sst s0  }
0x18: {  	s0 =	sld [smem:$0x3F92];
	_ =	swait.ge [sflag:s4], $0x0  }
0x19: {  	s7 =	sld [smem:$0x3F93]  }
0x1a: {  	s8 =	sadd.s32 $0xFFFFE003, lr  }
0x1b: {  	s9 =	sadd.s32 $0xFFFFFEF7, lr;
	s5 =	simm.s32 $0xFFFFFFFF;
	p2 =	slt.u32 s8, $0xFFFFF086  }
0x1c: {  	p1 =	slt.u32 s9, $0xF7A;
	s5 =	simm.s32 @!p2 $0x0  }
0x1d: {  	s5 =	simm.s32 @p1 $0x1;
	p0 =	seq.s32 s7, s2  }
0x1e: {  	s7 =	smul.u32 @!p0 $0xF7A, s2;
	p2 =	seq.s32 @!p0 s5, $0x0  }
0x1f: {  	s9 =	smul.u32 $0xF7A, s1;
	s8 =	simm.s32 @!p0 $0x1BF5;
	p2 =	por !p2, p0  }
0x20: {  	[sflag:s8] =	ssyncset.s32 @!p0 $0xFFFFF086;
	s6 =	sadd.s32 @!p0 s3, s7;
	s7 =	simm.s32 @!p0 $0x108  }
0x21: {  	s3 =	sadd.s32 s3, s9;
	s6 =	sadd.s32 @!p0 $0x88, s6;
	s7 =	simm.s32 @p2 $0x1082  }
0x22: {  	[simem:s7], [sflag:s8] =	dma.local @!p0 [hbm:s6], $0xF7A  }
0x23: {  	s9 =	sor.u32 $0xD0000000, s2;
	s6 =	simm.s32 $0x108;
	_ =	swait.ge @!p0 [sflag:s8], $0x0  }
0x24: {  	s3 =	sadd.s32 $0x88, s3;
	s6 =	simm.s32 @!p1 $0x1082;
	[sflag:s4] =	ssyncset.s32 $0xFFFFF086  }
0x25: {  	[simem:s6], [sflag:s4] =	dma.local [hbm:s3], $0xF7A  }
0x26: {  	[smem:$0x3F93] =	sst s1;
	(tag) =	ssettag s2;
	_ =	strace s9  }
0x27: {  	s1 =	sld [smem:$0x3FA3]  }
0x28: {  	s2 =	sld [smem:$0x3FA4]  }
0x29: {  	s4 =	sld [smem:$0x3FA6]  }
0x2a: {  	p0 =	seq.s32 s5, $0x0;
	s5 =	sld [smem:$0x3FA7]  }
0x2b: {  	s6 =	sld [smem:$0x3FA8]  }
0x2c: {  	s7 =	sld [smem:$0x3FA9]  }
0x2d: {  	s3 =	simm.s32 $0x108;
	s8 =	sld [smem:$0x3FAA]  }
0x2e: {  	s3 =	simm.s32 @!p0 $0x1082;
	s9 =	sld [smem:$0x3FAB]  }
0x2f: {  	lr =	sadd.s32 s0, s3;
	s0 =	sld [smem:$0x3FA2]  }
0x30: {  	s3 =	sld [smem:$0x3FA5]  }
0x31: {  	[smem:$0x3FAE] =	sst s10  }
0x32: {  	s10 =	sld [smem:$0x3FAC];
	_ =	sdelay $0x3  }
0x33: {  	p0 =	seq.s32 s10, $0x1;
	s10 =	sld [smem:$0x3FAE];
	_ =	sdelay $0x3  }
0x34: {  	[smem:$0x3FAE] =	sst s10  }
0x35: {  	s10 =	sld [smem:$0x3FAD];
	_ =	sdelay $0x3  }
0x36: {  	p1 =	seq.s32 s10, $0x1;
	s10 =	sld [smem:$0x3FAE];
	_ =	sdelay $0x3  }
0x37: {  	[smem:$0x3FAE] =	sst s10  }
0x38: {  	s10 =	sld [smem:$0x3FAF]  }
0x39: {  	_ = 	snop;
	(pc) =	sbr.ind lr, $3  }
0x3a: {  	_ = 	snop  }
0x3b: {  	_ = 	snop  }
0x3c: {  	p2 =	seq.s32 s10, $0x1;
	s10 =	sld [smem:$0x3FAE]  }
0x3d: {  	_ =	shalt  }
0x3e: {  	_ =	shalt  }
0x3f: {  	_ =	shalt  }
0x40: {  	_ =	shalt  }
0x41: {  	_ =	shalt  }
0x42: {  	_ =	shalt  }
0x43: {  	_ =	shalt  }
0x44: {  	_ =	shalt  }
0x45: {  	_ =	shalt  }
0x46: {  	_ =	shalt  }
0x47: {  	_ =	shalt  }
0x48: {  	_ =	shalt  }
0x49: {  	_ =	shalt  }
0x4a: {  	_ =	shalt  }
0x4b: {  	_ =	shalt  }
0x4c: {  	_ =	shalt  }
0x4d: {  	_ =	shalt  }
0x4e: {  	_ =	shalt  }
0x4f: {  	_ =	shalt  }
0x50: {  	_ =	shalt  }
0x51: {  	_ =	shalt  }
0x52: {  	_ =	shalt  }
0x53: {  	_ =	shalt  }
0x54: {  	_ =	shalt  }
0x55: {  	_ =	shalt  }
0x56: {  	_ =	shalt  }
0x57: {  	_ =	shalt  }
0x58: {  	_ =	shalt  }
0x59: {  	_ =	shalt  }
0x5a: {  	_ =	shalt  }
0x5b: {  	_ =	shalt  }
0x5c: {  	_ =	shalt  }
0x5d: {  	_ =	shalt  }
0x5e: {  	_ =	shalt  }
0x5f: {  	_ =	shalt  }
0x60: {  	_ =	shalt  }
0x61: {  	_ =	shalt  }
0x62: {  	_ =	shalt  }
0x63: {  	_ =	shalt  }
0x64: {  	_ =	shalt  }
0x65: {  	_ =	shalt  }
0x66: {  	_ =	shalt  }
0x67: {  	_ =	shalt  }
0x68: {  	_ =	shalt  }
0x69: {  	_ =	shalt  }
0x6a: {  	_ =	shalt  }
0x6b: {  	_ =	shalt  }
0x6c: {  	_ =	shalt  }
0x6d: {  	_ =	shalt  }
0x6e: {  	_ =	shalt  }
0x6f: {  	_ =	shalt  }
0x70: {  	_ =	shalt  }
0x71: {  	_ =	shalt  }
0x72: {  	_ =	shalt  }
0x73: {  	_ =	shalt  }
0x74: {  	_ =	shalt  }
0x75: {  	_ =	shalt  }
0x76: {  	_ =	shalt  }
0x77: {  	_ =	shalt  }
0x78: {  	_ =	shalt  }
0x79: {  	_ =	shalt  }
0x7a: {  	_ =	shalt  }
0x7b: {  	_ =	shalt  }
0x7c: {  	_ =	shalt  }
0x7d: {  	_ =	shalt  }
0x7e: {  	_ =	shalt  }
0x7f: {  	_ =	shalt  }
0x80: {  	_ =	shalt  }
0x81: {  	_ =	shalt  }
0x82: {  	_ =	shalt  }
0x83: {  	_ =	shalt  }
0x84: {  	_ =	shalt  }
0x85: {  	_ =	shalt  }
0x86: {  	_ =	shalt  }
0x87: {  	_ =	shalt  }
.Lfunc_end0:
.L_simem_size_0:
called_computation_lowered:
.L_overlay_start_0:
0x88: {  	s2 =	sld [smem:$0x3FD9]  }
0x89: {  	s3 =	sld [smem:$0x3FFE];
	_ =	sdelay $0x1  }
0x8a: {  	s1 =	srdreg.scid  }
0x8b: {  	s0 =	sand.u32 $0x1, s1  }
0x8c: {  	s15 =	sshll.u32 s0, $0xA;
	s2 =	sadd.s32 s3, s2  }
0x8d: {  	s2 =	sadd.s32 s2, s15  }
0x8e: {  	[smem:$0x3FBA] =	sst s2  }
0x8f: {  	_ = 	snop  }
0x90: {  	s2 =	sld [smem:$0x3FD0];
	_ =	sdelay $0x2  }
0x91: {  	s16 =	simm.s32 $0xB;
	s4 =	simm.s32 $0x10  }
0x92: {  	[smem:s4], [sflag:s16] =	dma.local [hbm:s2], $0x1  }
0x93: {  	_ =	swait.eq [sflag:s16], $0x1  }
0x94: {  	[sflag:s16] =	ssyncset.done $0x0  }
0x95: {  	[sflag:s16] =	ssyncadd.s32 $0xFFFFFFFF  }
0x96: {  	s17 =	sld [smem:$0x10];
	(tm) =	ssettm $0x1  }
0x97: {  	s18 =	sld [smem:$0x3FFB];
	_ =	sdelay $0x3  }
0x98: {  	_ =	strace s18  }
0x99: {  	s2 =	sld [smem:$0x3FFC];
	_ =	sdelay $0x3  }
0x9a: {  	_ =	strace s2  }
0x9b: {  	s2 =	sld [smem:$0x3FFD];
	_ =	sdelay $0x3  }
0x9c: {  	_ =	strace s2  }
0x9d: {  	_ =	strace $0x8FFFFFFF  }
0x9e: {  	s19 =	sld [smem:$0x3FDB];
	_ =	sdelay $0x1  }
0x9f: {  	s20 =	simm.s32 $_scs_section_size  }
0xa0: {  	s5 =	simm.s32 $_size__tile_overlayer_lowered;
	s6 =	simm.s32 $_tile_overlayer_lowered  }
0xa1: {  	s7 =	simm.s32 $0x1BFF;
	s21 =	sshll.u32 s6, $0x1;
	s4 =	sadd.s32 s20, s19  }
0xa2: {  	s22 =	simm.s32 $0x0;
	s5 =	sshll.u32 s5, $0x1;
	s6 =	sadd.s32 s21, s4  }
0xa3: {  	[timem:s22], [sflag:s7] =	dma.local [hbm:s6], s5  }
0xa4: {  	_ =	swait.ge [sflag:s7], s5  }
0xa5: {  	s5 =	ssub.s32 $0x0, s5;
	[sflag:s7] =	ssyncset.done $0x0  }
0xa6: {  	[sflag:s7] =	ssyncadd.s32 s5;
	_ =	sdelay $0x1  }
0xa7: {  	s23 =	simm.s32 $0x1B8B  }
0xa8: {  	_ =	swait.ge [sflag:s23], $0x1  }
0xa9: {  	[sflag:s23] =	ssyncset.done $0x0  }
0xaa: {  	[sflag:s23] =	ssyncadd.s32 $0xFFFFFFFF  }
0xab: {  	s5 =	sld [smem:$0x0]  }
0xac: {  	s6 =	sand.u32 $0xFFFFFFFE, s1  }
0xad: {  	p0 =	sne.s32 s1, s6  }
0xae: {  	s6 =	sshll.u32 @p0 s6, $0xE  }
0xaf: {  	s6 =	sadd.s32 @p0 $0x11B8D, s6;
	s7 =	sshll.u32 @p0 s5, $0x11  }
0xb0: {  	s6 =	sor.u32 @p0 s7, s6  }
0xb1: {  	[sflag:s6] =	ssyncadd.remote.s32 @p0 $0x1;
	_ =	sdelay $0x1  }
0xb2: {  	s6 =	simm.s32 @p0 $0x1B8D  }
0xb3: {  	_ =	swait.eq @p0 [sflag:s6], $0x1  }
0xb4: {  	[sflag:s6] =	ssyncadd.s32 @p0 $0xFFFFFFFF  }
0xb5: {  	s7 =	sshll.u32 @!p0 s1, $0xE  }
0xb6: {  	s7 =	sor.u32 @!p0 $0x4000, s7;
	s6 =	simm.s32 @!p0 $0x1B8D  }
0xb7: {  	s5 =	sshll.u32 @!p0 s5, $0x11;
	s7 =	sadd.s32 @!p0 $0x11B8D, s7;
	_ =	swait.eq @!p0 [sflag:s6], $0x1  }
0xb8: {  	s5 =	sor.u32 @!p0 s5, s7;
	[sflag:s6] =	ssyncadd.s32 @!p0 $0xFFFFFFFF  }
0xb9: {  	s25 =	simm.s32 $0x1B8E;
	s24 =	sld [smem:$0x3FFE];
	[sflag:s5] =	ssyncadd.remote.s32 @!p0 $0x1  }
0xba: {  	s26 =	simm.s32 $execute0_lowered;
	[smem:$0x3FD2] =	sst s25  }
0xbb: {  	s6 =	sshll.u32 s26, $0x1;
	_ =	strace $0x80000052;
	[dreg:$0x1] =	wrdreg $0xFFFFFFFF  }
0xbc: {  	s28 =	simm.s32 $_size_execute0_lowered;
	s4 =	sadd.s32 s4, s6;
	[dreg:$0x0] =	wrdreg $0x0  }
0xbd: {  	s6 =	sshll.u32 s28, $0x1;
	[dreg:$0x2] =	wrdreg s4  }
0xbe: {  	[dreg:$0x3] =	wrdreg s6  }
0xbf: {  	[dreg:$0x4] =	wrdreg $0xC0  }
0xc0: {  	_ =	task [dreg:s22], $0x5FFFF  }
0xc1: {  	[dreg:$0x1] =	wrdreg $0xFFFFFFFF  }
0xc2: {  	[dreg:$0x0] =	wrdreg $0x60  }
0xc3: {  	[dreg:$0x2] =	wrdreg s24  }
0xc4: {  	[dreg:$0x3] =	wrdreg s17  }
0xc5: {  	[dreg:$0x4] =	wrdreg $0x0  }
0xc6: {  	[dreg:$0x5] =	wrdreg $0x9  }
0xc7: {  	_ =	task.clear_ibuf [dreg:s22], $0x6FFFF;
	_ =	strace $0x90000052  }
0xc8: {  	s29 =	simm.s32 $0x9;
	_ =	strace $0x80000054  }
0xc9: {  	_ =	swait.ge [sflag:s29], $0x1  }
0xca: {  	[sflag:s29] =	ssyncadd.s32 $0xFFFFFFFF  }
0xcb: {  	_ =	strace $0x90000054  }
0xcc: {  	_ =	sfence  }
0xcd: {  	s30 =	sld [smem:$0x0];
	_ =	sdelay $0x2  }
0xce: {  	s31 =	sshll.u32 s1, $0xD;
	s1 =	sshrl.u32 s1, $0x2  }
0xcf: {  	s4 =	sand.u32 $0x4000, s31;
	s1 =	sadd.s32 s1, s30  }
0xd0: {  	s0 =	sor.u32 s4, s0;
	s1 =	sshll.u32 s1, $0x11  }
0xd1: {  	s0 =	sor.u32 s1, s0  }
0xd2: {  	s0 =	sadd.s32 $0x8F2B, s0  }
0xd3: {  	[sflag:s0] =	ssyncadd.remote.s32 $0x1  }
0xd4: {  	_ =	sfence.sel $0xFFFF  }
0xd5: {  	[dreg:$0x0] =	wrdreg $0xFFFFFFFF;
	(pc) =	sbr.abs _section_cstart, $3  }
0xd6: {  	[dreg:$0x1] =	wrdreg $0xFFFFFFFF  }
0xd7: {  	_ =	task.clear_ibuf [dreg:s22], $0x2FFFF;
	_ =	strace $0x9FFFFFFF  }
0xd8: {  	(tm) =	ssettm $0x7FFFFFFF  }
0xd9: {  	_ =	shalt  }
tec
execute0_lowered:
.L_overlay_start_1:
0x0: {  	(tag) =	ssettag $0x1  }
0x1: {  	s1 =	srdreg.scid;
	s6 =	rddreg [dreg:$0x0]  }
0x2: {  	s0 =	stileid.u32;
	s2 =	rddreg [dreg:$0x1]  }
0x3: {  	s3 =	rddreg [dreg:$0x2];
	s4 =	simm.s32 $0x0;
	s13 =	simm.s32 $0x1  }
0x4: {  	s14 =	simm.s32 $0x1A000;
	s17 =	simm.s32 $0x70;
	s18 =	simm.s32 $0x0  }
0x5: {  	s5 =	sand.u32 $0x1, s1;
	s26 =	sshll.u32 s0, $0x1;
	s8 =	smul.u32 $0x280, s0  }
0x6: {  	[smem:$0x7FF] =	sst s4;
	s30 =	smul.u32 $0x50000, s0;
	s15 =	sshll.u32 s0, $0x6  }
0x7: {  	s1 =	sor.u32 s5, s26;
	s9 =	smul.u32 $0x2800, s5;
	s29 =	ssub.s32 $0x2, s5  }
0x8: {  	s5 =	sadd.s32 $0x44C00, s6;
	s15 =	sor.u32 $0x1C01, s15;
	s7 =	smul.u32 $0xC00, s1  }
0x9: {  	s1 =	rddreg [dreg:$0x3];
	_ =	strace $0x80000053;
	s11 =	sshrl.u32 s29, $0x1  }
0xa: {  	s31 =	sshrl.u32 s30, $0x2;
	s28 =	sadd.s32 s8, s9;
	s11 =	ssub.s32 s29, s11  }
0xb: {  	s16 =	sadd.s32 s31, s3;
	s10 =	sadd.s32 s7, s6;
	s7 =	sshll.u32 s28, $0x4  }
0xc: {  	s9 =	smax.u32 s11, $0x1;
	s11 =	simm.s32 $0x14000;
	s16 =	sshrl.u32 s16, $0x3  }
0xd: {  	s12 =	sadd.s32 s7, s6;
	s6 =	sadd.s32 $0x5A00, s10;
	s10 =	sadd.s32 $0x6000, s10  }
0xe: {  	s7 =	sadd.s32 $0x97400, s12;
	s8 =	sadd.s32 $0xE7400, s12;
	s12 =	simm.s32 $0x17000  }
.LBB2_1:
0xf: {  	[tilespmem:s11], [sflag:$0x1] =	stream.linear.gather [hbm4b:s6+s4], $0x2D00, $0x38;
	[tilespmem:$0x1D800] =	vst v63  }
0x10: {  	_ = 	snop  }
0x11: {  	[tilespmem:s12], [sflag:$0x1] =	stream.linear.gather [hbm4b:s10+s4], $0x2D00, $0x38;
	[tilespmem:$0x1D800] =	vst v63  }
0x12: {  	_ =	swait.ge [sflag:s13], $0x5A00  }
0x13: {  	[sflag:s13] =	ssyncset.done $0x0  }
0x14: {  	[sflag:s13] =	ssyncadd.s32 $0xFFFFA600  }
0x15: {  	[tilespmem:s14], [sflag:$0x1] =	stream.linear.gather [hbm4b:s2+s4], $0x3800, $0x38;
	[tilespmem:$0x1D800] =	vst v63  }
0x16: {  	_ =	swait.ge [sflag:s13], $0x3800  }
0x17: {  	[sflag:s13] =	ssyncset.done $0x0  }
0x18: {  	[sflag:s13] =	ssyncadd.s32 $0xFFFFC800  }
0x19: {  	[spmem:s16], [sflag:s15] =	dma.local [hbm:s5], $0x2800  }
0x1a: {  	_ =	swait.ge [sflag:s13], $0x2800  }
0x1b: {  	[sflag:s13] =	ssyncset.done $0x0  }
0x1c: {  	[sflag:s13] =	ssyncadd.s32 $0xFFFFD800  }
0x1d: {  	s19 =	simm.s32 $0x14000;
	[bflag:$0x0] =	sbarrier.arrive $0xFFFF  }
0x1e: {  	[spmem:s3] =	stream.indirect.scatter.add.f32 [tilespmem:s14], [sflag:$0x1], $0x80, s19, s17, $0xb8;
	[tilespmem:$0x1D800] =	vst v63  }
0x1f: {  	s19 =	simm.s32 $0x200;
	_ =	swait.ge [sflag:s13], $0x3800  }
.LBB2_2:
0x20: {  	s20 =	sshra.s32 s19, $0x2;
	[sflag:s13] =	ssyncset.done $0x0;
	p0 =	sne.s32 s19, $0xB200  }
.Ltmp0:
0x21: {  	s20 =	sadd.s32 $0x14000, s20;
	[sflag:s13] =	ssyncadd.s32 $0xFFFFC800;
	(pc) =	sbr.rel @p0 .LBB2_2-.Ltmp0, $3  }
0x22: {  	[spmem:s3] =	stream.indirect.scatter.add.f32 [tilespmem:s14], [sflag:$0x1], $0x80, s20, s17, $0xb8;
	[tilespmem:$0x1D800] =	vst v63  }
0x23: {  	s19 =	sadd.s32 $0x200, s19;
	_ =	sdelay $0x1  }
0x24: {  	_ =	swait.ge [sflag:s13], $0x3800  }
0x25: {  	[sflag:s13] =	ssyncset.done $0x0  }
0x26: {  	[sflag:s13] =	ssyncadd.s32 $0xFFFFC800  }
0x27: {  	[bflag:$0x0] =	sbarrier.arrive $0xFFFF  }
0x28: {  	[hbm:s7], [sflag:s15] =	dma.local [spmem:s16], $0x2800  }
0x29: {  	_ =	swait.ge [sflag:s13], $0x2800  }
0x2a: {  	[sflag:s13] =	ssyncset.done $0x0  }
0x2b: {  	[sflag:s13] =	ssyncadd.s32 $0xFFFFD800  }
0x2c: {  	[bflag:$0x0] =	sbarrier.arrive $0xFFFF  }
0x2d: {  	[spmem:s16], [sflag:s15] =	dma.local [hbm:s5], $0x2800  }
0x2e: {  	_ =	swait.ge [sflag:s13], $0x2800  }
0x2f: {  	[sflag:s13] =	ssyncset.done $0x0  }
0x30: {  	[sflag:s13] =	ssyncadd.s32 $0xFFFFD800  }
0x31: {  	s19 =	simm.s32 $0x17000;
	[bflag:$0x0] =	sbarrier.arrive $0xFFFF  }
0x32: {  	[spmem:s3] =	stream.indirect.scatter.add.f32 [tilespmem:s14], [sflag:$0x1], $0x80, s19, s17, $0xb8;
	[tilespmem:$0x1D800] =	vst v63  }
0x33: {  	s19 =	simm.s32 $0x200;
	_ =	swait.ge [sflag:s13], $0x3800  }
.LBB2_4:
0x34: {  	s20 =	sshra.s32 s19, $0x2;
	[sflag:s13] =	ssyncset.done $0x0;
	p0 =	sne.s32 s19, $0xB200  }
.Ltmp1:
0x35: {  	s20 =	sadd.s32 $0x17000, s20;
	[sflag:s13] =	ssyncadd.s32 $0xFFFFC800;
	(pc) =	sbr.rel @p0 .LBB2_4-.Ltmp1, $3  }
0x36: {  	[spmem:s3] =	stream.indirect.scatter.add.f32 [tilespmem:s14], [sflag:$0x1], $0x80, s20, s17, $0xb8;
	[tilespmem:$0x1D800] =	vst v63  }
0x37: {  	s19 =	sadd.s32 $0x200, s19;
	_ =	sdelay $0x1  }
0x38: {  	_ =	swait.ge [sflag:s13], $0x3800  }
0x39: {  	[sflag:s13] =	ssyncset.done $0x0  }
0x3a: {  	s18 =	sadd.s32 $0x1, s18;
	[sflag:s13] =	ssyncadd.s32 $0xFFFFC800  }
0x3b: {  	p0 =	sne.s32 s18, s9;
	[bflag:$0x0] =	sbarrier.arrive $0xFFFF  }
0x3c: {  	[hbm:s8], [sflag:s15] =	dma.local [spmem:s16], $0x2800  }
.Ltmp2:
0x3d: {  	_ =	swait.ge [sflag:s13], $0x2800;
	(pc) =	sbr.rel @p0 .LBB2_1-.Ltmp2, $3  }
0x3e: {  	[sflag:s13] =	ssyncset.done $0x0  }
0x3f: {  	[sflag:s13] =	ssyncadd.s32 $0xFFFFD800  }
0x40: {  	[bflag:$0x0] =	sbarrier.arrive $0xFFFF;
	_ =	sdelay $0x1  }
0x41: {  	_ =	sfence.sel $0x180000  }
0x42: {  	[bflag:$0x0] =	sbarrier.arrive $0xFFFF  }
0x43: {  	p0 =	sne.s32 s0, $0x0;
	_ =	strace $0x90000053  }
0x44: {  	s0 =	sadd.s32 @!p0 $0x100000, s1;
	[bflag:$0x2] =	sbarrier.arrive $0xFFFF  }
0x45: {  	[sflag:s0] =	ssyncadd.tile.s32 @!p0 $0x1;
	_ =	shalt  }
.Lfunc_end2:
_tile_overlayer_lowered:
.L_overlay_start_2:
0x46: {  	(tag) =	ssettag $0x2  }
0x47: {  	s0 =	rddreg [dreg:$0x0];
	s2 =	stileid.u32  }
0x48: {  	s1 =	rddreg [dreg:$0x1];
	p0 =	sne.s32 s2, $0x0  }
0x49: {  	s3 =	rddreg [dreg:$0x2];
	[bflag:$0x3] =	sbarrier.arrive $0xFFFF;
	s2 =	simm.s32 @!p0 $0x1C01  }
0x4a: {  	[timem:s3], [sflag:s2] =	dma.local @!p0 [hbm:s0], s1  }
0x4b: {  	s0 =	simm.s32 @!p0 $0x1  }
0x4c: {  	_ =	swait.ge @!p0 [sflag:s0], s1  }
0x4d: {  	s1 =	ssub.s32 @!p0 $0x0, s1;
	[sflag:s0] =	ssyncset.done @!p0 $0x0  }
0x4e: {  	[sflag:s0] =	ssyncadd.s32 @!p0 s1  }
0x4f: {  	[bflag:$0x3] =	sbarrier.arrive $0xFFFF  }
0x50: {  	_ =	shalt  }

// kernel: kernel.20.cloned.1.call-start
scs
__scs_entry_jumppad:
0x0: {  	(pc) =	sbr.rel $0x88, $3  }
0x1: {  	(tag) =	ssettag $0x0;
	lr =	simm.s32 $0x1  }
0x2: {  	[smem:$0x3F93] =	sst lr;
	_ =	strace $0xD0000000  }
0x3: {  	_ = 	snop  }
0x4: {  	_ = 	snop  }
0x5: {  	_ = 	snop  }
0x6: {  	_ = 	snop  }
0x7: {  	_ = 	snop  }
__scs_overlays_trampoline_lowered:
0x8: {  	[smem:$0x3FA2] =	sst s0  }
0x9: {  	[smem:$0x3FA3] =	sst s1  }
0xa: {  	[smem:$0x3FA4] =	sst s2  }
0xb: {  	[smem:$0x3FA5] =	sst s3  }
0xc: {  	[smem:$0x3FA6] =	sst s4  }
0xd: {  	[smem:$0x3FA7] =	sst s5  }
0xe: {  	[smem:$0x3FA8] =	sst s6  }
0xf: {  	[smem:$0x3FA9] =	sst s7  }
0x10: {  	[smem:$0x3FAA] =	sst s8  }
0x11: {  	[smem:$0x3FAB] =	sst s9;
	s0 =	simm.s32 @!p0 $0x0  }
0x12: {  	s1 =	sld [smem:$0x3F91];
	s0 =	simm.s32 @p0 $0x1  }
0x13: {  	[smem:$0x3FAC] =	sst s0;
	s0 =	simm.s32 @!p1 $0x0  }
0x14: {  	s2 =	sld [smem:$0x3F90];
	s0 =	simm.s32 @p1 $0x1  }
0x15: {  	[smem:$0x3FAD] =	sst s0;
	s0 =	simm.s32 @!p2 $0x0  }
0x16: {  	s3 =	sld [smem:$0x3FDB];
	s0 =	simm.s32 @p2 $0x1  }
0x17: {  	s4 =	simm.s32 $0x1BF5;
	[smem:$0x3FAF] =	sst s0  }
0x18: {  	s0 =	sld [smem:$0x3F92];
	_ =	swait.ge [sflag:s4], $0x0  }
0x19: {  	s7 =	sld [smem:$0x3F93]  }
0x1a: {  	s8 =	sadd.s32 $0xFFFFE003, lr  }
0x1b: {  	s9 =	sadd.s32 $0xFFFFFEF7, lr;
	s5 =	simm.s32 $0xFFFFFFFF;
	p2 =	slt.u32 s8, $0xFFFFF086  }
0x1c: {  	p1 =	slt.u32 s9, $0xF7A;
	s5 =	simm.s32 @!p2 $0x0  }
0x1d: {  	s5 =	simm.s32 @p1 $0x1;
	p0 =	seq.s32 s7, s2  }
0x1e: {  	s7 =	smul.u32 @!p0 $0xF7A, s2;
	p2 =	seq.s32 @!p0 s5, $0x0  }
0x1f: {  	s9 =	smul.u32 $0xF7A, s1;
	s8 =	simm.s32 @!p0 $0x1BF5;
	p2 =	por !p2, p0  }
0x20: {  	[sflag:s8] =	ssyncset.s32 @!p0 $0xFFFFF086;
	s6 =	sadd.s32 @!p0 s3, s7;
	s7 =	simm.s32 @!p0 $0x108  }
0x21: {  	s3 =	sadd.s32 s3, s9;
	s6 =	sadd.s32 @!p0 $0x88, s6;
	s7 =	simm.s32 @p2 $0x1082  }
0x22: {  	[simem:s7], [sflag:s8] =	dma.local @!p0 [hbm:s6], $0xF7A  }
0x23: {  	s9 =	sor.u32 $0xD0000000, s2;
	s6 =	simm.s32 $0x108;
	_ =	swait.ge @!p0 [sflag:s8], $0x0  }
0x24: {  	s3 =	sadd.s32 $0x88, s3;
	s6 =	simm.s32 @!p1 $0x1082;
	[sflag:s4] =	ssyncset.s32 $0xFFFFF086  }
0x25: {  	[simem:s6], [sflag:s4] =	dma.local [hbm:s3], $0xF7A  }
0x26: {  	[smem:$0x3F93] =	sst s1;
	(tag) =	ssettag s2;
	_ =	strace s9  }
0x27: {  	s1 =	sld [smem:$0x3FA3]  }
0x28: {  	s2 =	sld [smem:$0x3FA4]  }
0x29: {  	s4 =	sld [smem:$0x3FA6]  }
0x2a: {  	p0 =	seq.s32 s5, $0x0;
	s5 =	sld [smem:$0x3FA7]  }
0x2b: {  	s6 =	sld [smem:$0x3FA8]  }
0x2c: {  	s7 =	sld [smem:$0x3FA9]  }
0x2d: {  	s3 =	simm.s32 $0x108;
	s8 =	sld [smem:$0x3FAA]  }
0x2e: {  	s3 =	simm.s32 @!p0 $0x1082;
	s9 =	sld [smem:$0x3FAB]  }
0x2f: {  	lr =	sadd.s32 s0, s3;
	s0 =	sld [smem:$0x3FA2]  }
0x30: {  	s3 =	sld [smem:$0x3FA5]  }
0x31: {  	[smem:$0x3FAE] =	sst s10  }
0x32: {  	s10 =	sld [smem:$0x3FAC];
	_ =	sdelay $0x3  }
0x33: {  	p0 =	seq.s32 s10, $0x1;
	s10 =	sld [smem:$0x3FAE];
	_ =	sdelay $0x3  }
0x34: {  	[smem:$0x3FAE] =	sst s10  }
0x35: {  	s10 =	sld [smem:$0x3FAD];
	_ =	sdelay $0x3  }
0x36: {  	p1 =	seq.s32 s10, $0x1;
	s10 =	sld [smem:$0x3FAE];
	_ =	sdelay $0x3  }
0x37: {  	[smem:$0x3FAE] =	sst s10  }
0x38: {  	s10 =	sld [smem:$0x3FAF]  }
0x39: {  	_ = 	snop;
	(pc) =	sbr.ind lr, $3  }
0x3a: {  	_ = 	snop  }
0x3b: {  	_ = 	snop  }
0x3c: {  	p2 =	seq.s32 s10, $0x1;
	s10 =	sld [smem:$0x3FAE]  }
0x3d: {  	_ =	shalt  }
0x3e: {  	_ =	shalt  }
0x3f: {  	_ =	shalt  }
0x40: {  	_ =	shalt  }
0x41: {  	_ =	shalt  }
0x42: {  	_ =	shalt  }
0x43: {  	_ =	shalt  }
0x44: {  	_ =	shalt  }
0x45: {  	_ =	shalt  }
0x46: {  	_ =	shalt  }
0x47: {  	_ =	shalt  }
0x48: {  	_ =	shalt  }
0x49: {  	_ =	shalt  }
0x4a: {  	_ =	shalt  }
0x4b: {  	_ =	shalt  }
0x4c: {  	_ =	shalt  }
0x4d: {  	_ =	shalt  }
0x4e: {  	_ =	shalt  }
0x4f: {  	_ =	shalt  }
0x50: {  	_ =	shalt  }
0x51: {  	_ =	shalt  }
0x52: {  	_ =	shalt  }
0x53: {  	_ =	shalt  }
0x54: {  	_ =	shalt  }
0x55: {  	_ =	shalt  }
0x56: {  	_ =	shalt  }
0x57: {  	_ =	shalt  }
0x58: {  	_ =	shalt  }
0x59: {  	_ =	shalt  }
0x5a: {  	_ =	shalt  }
0x5b: {  	_ =	shalt  }
0x5c: {  	_ =	shalt  }
0x5d: {  	_ =	shalt  }
0x5e: {  	_ =	shalt  }
0x5f: {  	_ =	shalt  }
0x60: {  	_ =	shalt  }
0x61: {  	_ =	shalt  }
0x62: {  	_ =	shalt  }
0x63: {  	_ =	shalt  }
0x64: {  	_ =	shalt  }
0x65: {  	_ =	shalt  }
0x66: {  	_ =	shalt  }
0x67: {  	_ =	shalt  }
0x68: {  	_ =	shalt  }
0x69: {  	_ =	shalt  }
0x6a: {  	_ =	shalt  }
0x6b: {  	_ =	shalt  }
0x6c: {  	_ =	shalt  }
0x6d: {  	_ =	shalt  }
0x6e: {  	_ =	shalt  }
0x6f: {  	_ =	shalt  }
0x70: {  	_ =	shalt  }
0x71: {  	_ =	shalt  }
0x72: {  	_ =	shalt  }
0x73: {  	_ =	shalt  }
0x74: {  	_ =	shalt  }
0x75: {  	_ =	shalt  }
0x76: {  	_ =	shalt  }
0x77: {  	_ =	shalt  }
0x78: {  	_ =	shalt  }
0x79: {  	_ =	shalt  }
0x7a: {  	_ =	shalt  }
0x7b: {  	_ =	shalt  }
0x7c: {  	_ =	shalt  }
0x7d: {  	_ =	shalt  }
0x7e: {  	_ =	shalt  }
0x7f: {  	_ =	shalt  }
0x80: {  	_ =	shalt  }
0x81: {  	_ =	shalt  }
0x82: {  	_ =	shalt  }
0x83: {  	_ =	shalt  }
0x84: {  	_ =	shalt  }
0x85: {  	_ =	shalt  }
0x86: {  	_ =	shalt  }
0x87: {  	_ =	shalt  }
.Lfunc_end0:
.L_simem_size_0:
called_computation.1_lowered:
.L_overlay_start_0:
0x88: {  	s2 =	sld [smem:$0x3FD9]  }
0x89: {  	s3 =	sld [smem:$0x3FFE];
	_ =	sdelay $0x1  }
0x8a: {  	s1 =	srdreg.scid  }
0x8b: {  	s0 =	sand.u32 $0x1, s1  }
0x8c: {  	s16 =	sshll.u32 s0, $0xA;
	s2 =	sadd.s32 s3, s2  }
0x8d: {  	s2 =	sadd.s32 s2, s16  }
0x8e: {  	[smem:$0x3FBA] =	sst s2  }
0x8f: {  	_ = 	snop  }
0x90: {  	(tm) =	ssettm $0x1  }
0x91: {  	s17 =	sld [smem:$0x3FFB];
	_ =	sdelay $0x3  }
0x92: {  	_ =	strace s17  }
0x93: {  	s2 =	sld [smem:$0x3FFC];
	_ =	sdelay $0x3  }
0x94: {  	_ =	strace s2  }
0x95: {  	s2 =	sld [smem:$0x3FFD];
	_ =	sdelay $0x3  }
0x96: {  	_ =	strace s2  }
0x97: {  	_ =	strace $0x8FFFFFFF  }
0x98: {  	s18 =	sld [smem:$0x3FDB];
	_ =	sdelay $0x1  }
0x99: {  	s19 =	simm.s32 $_scs_section_size  }
0x9a: {  	s4 =	simm.s32 $_size__tile_overlayer_lowered;
	s5 =	simm.s32 $_tile_overlayer_lowered  }
0x9b: {  	s22 =	simm.s32 $0x1BFF;
	s21 =	sshll.u32 s5, $0x1;
	s2 =	sadd.s32 s19, s18  }
0x9c: {  	s6 =	simm.s32 $0x0;
	s20 =	sshll.u32 s4, $0x1;
	s4 =	sadd.s32 s21, s2  }
0x9d: {  	[timem:s6], [sflag:s22] =	dma.local [hbm:s4], s20  }
0x9e: {  	_ =	swait.ge [sflag:s22], s20  }
0x9f: {  	s3 =	ssub.s32 $0x0, s20;
	[sflag:s22] =	ssyncset.done $0x0  }
0xa0: {  	[sflag:s22] =	ssyncadd.s32 s3;
	_ =	sdelay $0x1  }
0xa1: {  	s23 =	simm.s32 $0x1B8B  }
0xa2: {  	_ =	swait.ge [sflag:s23], $0x1  }
0xa3: {  	[sflag:s23] =	ssyncset.done $0x0  }
0xa4: {  	s25 =	simm.s32 $0x1B8E;
	s24 =	sld [smem:$0x3FFE];
	[sflag:s23] =	ssyncadd.s32 $0xFFFFFFFF  }
0xa5: {  	s26 =	simm.s32 $execute0_lowered;
	[smem:$0x3FD2] =	sst s25  }
0xa6: {  	s4 =	sshll.u32 s26, $0x1;
	_ =	strace $0x80000046;
	[dreg:$0x1] =	wrdreg $0xFFFFFFFF  }
0xa7: {  	s28 =	simm.s32 $_size_execute0_lowered;
	s2 =	sadd.s32 s2, s4;
	[dreg:$0x0] =	wrdreg $0x0  }
0xa8: {  	s4 =	sshll.u32 s28, $0x1;
	[dreg:$0x2] =	wrdreg s2  }
0xa9: {  	[dreg:$0x3] =	wrdreg s4  }
0xaa: {  	[dreg:$0x4] =	wrdreg $0xC0  }
0xab: {  	_ =	task [dreg:s6], $0x5FFFF  }
0xac: {  	[dreg:$0x1] =	wrdreg $0xFFFFFFFF  }
0xad: {  	[dreg:$0x0] =	wrdreg $0x60  }
0xae: {  	[dreg:$0x2] =	wrdreg s24  }
0xaf: {  	[dreg:$0x3] =	wrdreg $0x0  }
0xb0: {  	[dreg:$0x4] =	wrdreg $0x9  }
0xb1: {  	_ =	task.clear_ibuf [dreg:s6], $0x5FFFF;
	_ =	strace $0x90000046  }
0xb2: {  	s29 =	simm.s32 $0x9;
	_ =	strace $0x80000048  }
0xb3: {  	_ =	swait.ge [sflag:s29], $0x1  }
0xb4: {  	[sflag:s29] =	ssyncadd.s32 $0xFFFFFFFF  }
0xb5: {  	_ =	strace $0x90000048  }
0xb6: {  	_ =	sfence  }
0xb7: {  	s30 =	sld [smem:$0x0];
	_ =	sdelay $0x2  }
0xb8: {  	s31 =	sshll.u32 s1, $0xD;
	s1 =	sshrl.u32 s1, $0x2  }
0xb9: {  	s3 =	sand.u32 $0x4000, s31;
	s1 =	sadd.s32 s1, s30  }
0xba: {  	s0 =	sor.u32 s3, s0;
	s1 =	sshll.u32 s1, $0x11  }
0xbb: {  	s0 =	sor.u32 s1, s0  }
0xbc: {  	s0 =	sadd.s32 $0x8F2B, s0  }
0xbd: {  	[sflag:s0] =	ssyncadd.remote.s32 $0x1  }
0xbe: {  	_ =	sfence.sel $0xFFFF  }
0xbf: {  	[dreg:$0x0] =	wrdreg $0xFFFFFFFF;
	(pc) =	sbr.abs _section_cstart, $3  }
0xc0: {  	[dreg:$0x1] =	wrdreg $0xFFFFFFFF  }
0xc1: {  	_ =	task.clear_ibuf [dreg:s6], $0x2FFFF;
	_ =	strace $0x9FFFFFFF  }
0xc2: {  	(tm) =	ssettm $0x7FFFFFFF  }
0xc3: {  	_ =	shalt  }
tec
execute0_lowered:
.L_overlay_start_1:
0x0: {  	(tag) =	ssettag $0x1  }
0x1: {  	s1 =	srdreg.scid  }
0x2: {  	s0 =	stileid.u32;
	s6 =	rddreg [dreg:$0x0]  }
0x3: {  	s2 =	rddreg [dreg:$0x1];
	s3 =	simm.s32 $0x0;
	s12 =	simm.s32 $0x2  }
0x4: {  	s15 =	simm.s32 $0x70;
	s16 =	simm.s32 $0x1A000;
	s17 =	simm.s32 $0x1  }
0x5: {  	s18 =	simm.s32 $0x0;
	s5 =	sand.u32 $0x1, s1;
	s1 =	rddreg [dreg:$0x2]  }
0x6: {  	s28 =	sshll.u32 s0, $0x1;
	[smem:$0x7FF] =	sst s3;
	s8 =	smul.u32 $0x2800, s0  }
0x7: {  	s11 =	smul.u32 $0x50000, s0;
	s13 =	sshll.u32 s0, $0x6;
	s4 =	sor.u32 s5, s28  }
0x8: {  	_ =	strace $0x80000047;
	s9 =	smul.u32 $0x28000, s5;
	s29 =	ssub.s32 $0x2, s5  }
0x9: {  	s5 =	sadd.s32 $0x44C00, s6;
	s13 =	sor.u32 $0x1C02, s13;
	s7 =	smul.u32 $0xC00, s4  }
0xa: {  	s4 =	sadd.s32 $0x1DA00, s6;
	s30 =	sshrl.u32 s29, $0x1;
	s31 =	sshrl.u32 s11, $0x2  }
0xb: {  	s11 =	simm.s32 $0x17000;
	s8 =	sadd.s32 s8, s9;
	s9 =	ssub.s32 s29, s30  }
0xc: {  	s14 =	sadd.s32 s31, s2;
	s10 =	sadd.s32 s7, s6;
	s8 =	sadd.s32 s8, s6  }
0xd: {  	s14 =	sshrl.u32 s14, $0x3;
	s6 =	sadd.s32 $0x5A00, s10;
	s7 =	sadd.s32 $0x47400, s8  }
0xe: {  	s8 =	smax.u32 s9, $0x1;
	s9 =	sadd.s32 $0x6000, s10;
	s10 =	simm.s32 $0x14000  }
.LBB2_1:
0xf: {  	[tilespmem:s10], [sflag:$0x2] =	stream.linear.gather [hbm4b:s6+s3], $0x2D00, $0x38;
	[tilespmem:$0x1D800] =	vst v63  }
0x10: {  	_ = 	snop  }
0x11: {  	[tilespmem:s11], [sflag:$0x2] =	stream.linear.gather [hbm4b:s9+s3], $0x2D00, $0x38;
	[tilespmem:$0x1D800] =	vst v63  }
0x12: {  	_ =	swait.ge [sflag:s12], $0x5A00  }
0x13: {  	[sflag:s12] =	ssyncset.done $0x0  }
0x14: {  	[sflag:s12] =	ssyncadd.s32 $0xFFFFA600  }
0x15: {  	[spmem:s14], [sflag:s13] =	dma.local [hbm:s5], $0x2800  }
0x16: {  	_ =	swait.ge [sflag:s12], $0x2800  }
0x17: {  	[sflag:s12] =	ssyncset.done $0x0  }
0x18: {  	[sflag:s12] =	ssyncadd.s32 $0xFFFFD800  }
0x19: {  	s19 =	simm.s32 $0x14000;
	[bflag:$0x0] =	sbarrier.arrive $0xFFFF  }
0x1a: {  	[tilespmem:s16], [sflag:$0x1] =	stream.indirect.gather [hbm4b:s4+s15], $0x80, s19, s15, $0xb8;
	[tilespmem:$0x1D800] =	vst v63  }
0x1b: {  	_ =	swait.ge [sflag:s17], $0x3800  }
0x1c: {  	[sflag:s17] =	ssyncset.done $0x0  }
0x1d: {  	s31 =	simm.s32 $0x17000;
	[sflag:s17] =	ssyncadd.s32 $0xFFFFC800  }
0x1e: {  	[spmem:s2] =	stream.indirect.scatter.add.f32 [tilespmem:s16], [sflag:$0x2], $0x80, s31, s15, $0xb8;
	[tilespmem:$0x1D800] =	vst v63  }
0x1f: {  	_ =	swait.ge [sflag:s12], $0x3800  }
0x20: {  	s20 =	simm.s32 $0x400;
	s19 =	simm.s32 $0x80;
	[sflag:s12] =	ssyncset.done $0x0  }
.LBB2_2:
0x21: {  	s21 =	sadd.s32 $0x14000, s19  }
0x22: {  	[sflag:s12] =	ssyncadd.s32 $0xFFFFC800;
	s22 =	smov.u32 s20;
	s23 =	sadd.s32 $0x200, s20  }
0x23: {  	[tilespmem:s16], [sflag:$0x1] =	stream.indirect.gather [hbm4b:s4+s15], $0x80, s21, s15, $0xb8;
	[tilespmem:$0x1D800] =	vst v63  }
0x24: {  	p0 =	sne.s32 s20, $0xB200;
	_ =	swait.ge [sflag:s17], $0x3800  }
.Ltmp0:
0x25: {  	[sflag:s17] =	ssyncset.done $0x0;
	(pc) =	sbr.rel @p0 .LBB2_2-.Ltmp0, $4  }
0x26: {  	s19 =	sadd.s32 $0x17000, s19;
	[sflag:s17] =	ssyncadd.s32 $0xFFFFC800  }
0x27: {  	[spmem:s2] =	stream.indirect.scatter.add.f32 [tilespmem:s16], [sflag:$0x2], $0x80, s19, s15, $0xb8;
	[tilespmem:$0x1D800] =	vst v63  }
0x28: {  	_ =	swait.ge [sflag:s12], $0x3800  }
0x29: {  	s20 =	smov.u32 s23;
	s19 =	sshra.s32 s22, $0x2;
	[sflag:s12] =	ssyncset.done $0x0  }
0x2a: {  	s20 =	sadd.s32 $0x14000, s19;
	[sflag:s12] =	ssyncadd.s32 $0xFFFFC800  }
0x2b: {  	[tilespmem:s16], [sflag:$0x1] =	stream.indirect.gather [hbm4b:s4+s15], $0x80, s20, s15, $0xb8;
	[tilespmem:$0x1D800] =	vst v63  }
0x2c: {  	_ =	swait.ge [sflag:s17], $0x3800  }
0x2d: {  	[sflag:s17] =	ssyncset.done $0x0  }
0x2e: {  	s31 =	sadd.s32 $0x17000, s19;
	[sflag:s17] =	ssyncadd.s32 $0xFFFFC800  }
0x2f: {  	[spmem:s2] =	stream.indirect.scatter.add.f32 [tilespmem:s16], [sflag:$0x2], $0x80, s31, s15, $0xb8;
	[tilespmem:$0x1D800] =	vst v63  }
0x30: {  	_ =	swait.ge [sflag:s12], $0x3800  }
0x31: {  	s18 =	sadd.s32 $0x1, s18;
	[sflag:s12] =	ssyncset.done $0x0  }
0x32: {  	p0 =	sne.s32 s18, s8;
	[sflag:s12] =	ssyncadd.s32 $0xFFFFC800  }
.Ltmp1:
0x33: {  	[bflag:$0x0] =	sbarrier.arrive $0xFFFF;
	(pc) =	sbr.rel @p0 .LBB2_1-.Ltmp1, $4  }
0x34: {  	[hbm:s7], [sflag:s13] =	dma.local [spmem:s14], $0x2800  }
0x35: {  	_ =	swait.ge [sflag:s12], $0x2800  }
0x36: {  	[sflag:s12] =	ssyncset.done $0x0  }
0x37: {  	[sflag:s12] =	ssyncadd.s32 $0xFFFFD800  }
0x38: {  	_ =	sfence.sel $0x180000  }
0x39: {  	[bflag:$0x0] =	sbarrier.arrive $0xFFFF  }
0x3a: {  	p0 =	sne.s32 s0, $0x0;
	_ =	strace $0x90000047  }
0x3b: {  	s0 =	sadd.s32 @!p0 $0x100000, s1;
	[bflag:$0x2] =	sbarrier.arrive $0xFFFF  }
0x3c: {  	[sflag:s0] =	ssyncadd.tile.s32 @!p0 $0x1;
	_ =	shalt  }
.Lfunc_end2:
_tile_overlayer_lowered:
.L_overlay_start_2:
0x3d: {  	(tag) =	ssettag $0x2  }
0x3e: {  	s0 =	rddreg [dreg:$0x0];
	s2 =	stileid.u32  }
0x3f: {  	s1 =	rddreg [dreg:$0x1];
	p0 =	sne.s32 s2, $0x0  }
0x40: {  	s3 =	rddreg [dreg:$0x2];
	[bflag:$0x3] =	sbarrier.arrive $0xFFFF;
	s2 =	simm.s32 @!p0 $0x1C02  }
0x41: {  	[timem:s3], [sflag:s2] =	dma.local @!p0 [hbm:s0], s1  }
0x42: {  	s0 =	simm.s32 @!p0 $0x2  }
0x43: {  	_ =	swait.ge @!p0 [sflag:s0], s1  }
0x44: {  	s1 =	ssub.s32 @!p0 $0x0, s1;
	[sflag:s0] =	ssyncset.done @!p0 $0x0  }
0x45: {  	[sflag:s0] =	ssyncadd.s32 @!p0 s1  }
0x46: {  	[bflag:$0x3] =	sbarrier.arrive $0xFFFF  }
0x47: {  	_ =	shalt  }

// kernel: kernel.23.cloned.1.call-start
scs
__scs_entry_jumppad:
0x0: {  	(pc) =	sbr.rel $0x88, $3  }
0x1: {  	(tag) =	ssettag $0x0;
	lr =	simm.s32 $0x1  }
0x2: {  	[smem:$0x3F93] =	sst lr;
	_ =	strace $0xD0000000  }
0x3: {  	_ = 	snop  }
0x4: {  	_ = 	snop  }
0x5: {  	_ = 	snop  }
0x6: {  	_ = 	snop  }
0x7: {  	_ = 	snop  }
__scs_overlays_trampoline_lowered:
0x8: {  	[smem:$0x3FA2] =	sst s0  }
0x9: {  	[smem:$0x3FA3] =	sst s1  }
0xa: {  	[smem:$0x3FA4] =	sst s2  }
0xb: {  	[smem:$0x3FA5] =	sst s3  }
0xc: {  	[smem:$0x3FA6] =	sst s4  }
0xd: {  	[smem:$0x3FA7] =	sst s5  }
0xe: {  	[smem:$0x3FA8] =	sst s6  }
0xf: {  	[smem:$0x3FA9] =	sst s7  }
0x10: {  	[smem:$0x3FAA] =	sst s8  }
0x11: {  	[smem:$0x3FAB] =	sst s9;
	s0 =	simm.s32 @!p0 $0x0  }
0x12: {  	s1 =	sld [smem:$0x3F91];
	s0 =	simm.s32 @p0 $0x1  }
0x13: {  	[smem:$0x3FAC] =	sst s0;
	s0 =	simm.s32 @!p1 $0x0  }
0x14: {  	s2 =	sld [smem:$0x3F90];
	s0 =	simm.s32 @p1 $0x1  }
0x15: {  	[smem:$0x3FAD] =	sst s0;
	s0 =	simm.s32 @!p2 $0x0  }
0x16: {  	s3 =	sld [smem:$0x3FDB];
	s0 =	simm.s32 @p2 $0x1  }
0x17: {  	s4 =	simm.s32 $0x1BF5;
	[smem:$0x3FAF] =	sst s0  }
0x18: {  	s0 =	sld [smem:$0x3F92];
	_ =	swait.ge [sflag:s4], $0x0  }
0x19: {  	s7 =	sld [smem:$0x3F93]  }
0x1a: {  	s8 =	sadd.s32 $0xFFFFE003, lr  }
0x1b: {  	s9 =	sadd.s32 $0xFFFFFEF7, lr;
	s5 =	simm.s32 $0xFFFFFFFF;
	p2 =	slt.u32 s8, $0xFFFFF086  }
0x1c: {  	p1 =	slt.u32 s9, $0xF7A;
	s5 =	simm.s32 @!p2 $0x0  }
0x1d: {  	s5 =	simm.s32 @p1 $0x1;
	p0 =	seq.s32 s7, s2  }
0x1e: {  	s7 =	smul.u32 @!p0 $0xF7A, s2;
	p2 =	seq.s32 @!p0 s5, $0x0  }
0x1f: {  	s9 =	smul.u32 $0xF7A, s1;
	s8 =	simm.s32 @!p0 $0x1BF5;
	p2 =	por !p2, p0  }
0x20: {  	[sflag:s8] =	ssyncset.s32 @!p0 $0xFFFFF086;
	s6 =	sadd.s32 @!p0 s3, s7;
	s7 =	simm.s32 @!p0 $0x108  }
0x21: {  	s3 =	sadd.s32 s3, s9;
	s6 =	sadd.s32 @!p0 $0x88, s6;
	s7 =	simm.s32 @p2 $0x1082  }
0x22: {  	[simem:s7], [sflag:s8] =	dma.local @!p0 [hbm:s6], $0xF7A  }
0x23: {  	s9 =	sor.u32 $0xD0000000, s2;
	s6 =	simm.s32 $0x108;
	_ =	swait.ge @!p0 [sflag:s8], $0x0  }
0x24: {  	s3 =	sadd.s32 $0x88, s3;
	s6 =	simm.s32 @!p1 $0x1082;
	[sflag:s4] =	ssyncset.s32 $0xFFFFF086  }
0x25: {  	[simem:s6], [sflag:s4] =	dma.local [hbm:s3], $0xF7A  }
0x26: {  	[smem:$0x3F93] =	sst s1;
	(tag) =	ssettag s2;
	_ =	strace s9  }
0x27: {  	s1 =	sld [smem:$0x3FA3]  }
0x28: {  	s2 =	sld [smem:$0x3FA4]  }
0x29: {  	s4 =	sld [smem:$0x3FA6]  }
0x2a: {  	p0 =	seq.s32 s5, $0x0;
	s5 =	sld [smem:$0x3FA7]  }
0x2b: {  	s6 =	sld [smem:$0x3FA8]  }
0x2c: {  	s7 =	sld [smem:$0x3FA9]  }
0x2d: {  	s3 =	simm.s32 $0x108;
	s8 =	sld [smem:$0x3FAA]  }
0x2e: {  	s3 =	simm.s32 @!p0 $0x1082;
	s9 =	sld [smem:$0x3FAB]  }
0x2f: {  	lr =	sadd.s32 s0, s3;
	s0 =	sld [smem:$0x3FA2]  }
0x30: {  	s3 =	sld [smem:$0x3FA5]  }
0x31: {  	[smem:$0x3FAE] =	sst s10  }
0x32: {  	s10 =	sld [smem:$0x3FAC];
	_ =	sdelay $0x3  }
0x33: {  	p0 =	seq.s32 s10, $0x1;
	s10 =	sld [smem:$0x3FAE];
	_ =	sdelay $0x3  }
0x34: {  	[smem:$0x3FAE] =	sst s10  }
0x35: {  	s10 =	sld [smem:$0x3FAD];
	_ =	sdelay $0x3  }
0x36: {  	p1 =	seq.s32 s10, $0x1;
	s10 =	sld [smem:$0x3FAE];
	_ =	sdelay $0x3  }
0x37: {  	[smem:$0x3FAE] =	sst s10  }
0x38: {  	s10 =	sld [smem:$0x3FAF]  }
0x39: {  	_ = 	snop;
	(pc) =	sbr.ind lr, $3  }
0x3a: {  	_ = 	snop  }
0x3b: {  	_ = 	snop  }
0x3c: {  	p2 =	seq.s32 s10, $0x1;
	s10 =	sld [smem:$0x3FAE]  }
0x3d: {  	_ =	shalt  }
0x3e: {  	_ =	shalt  }
0x3f: {  	_ =	shalt  }
0x40: {  	_ =	shalt  }
0x41: {  	_ =	shalt  }
0x42: {  	_ =	shalt  }
0x43: {  	_ =	shalt  }
0x44: {  	_ =	shalt  }
0x45: {  	_ =	shalt  }
0x46: {  	_ =	shalt  }
0x47: {  	_ =	shalt  }
0x48: {  	_ =	shalt  }
0x49: {  	_ =	shalt  }
0x4a: {  	_ =	shalt  }
0x4b: {  	_ =	shalt  }
0x4c: {  	_ =	shalt  }
0x4d: {  	_ =	shalt  }
0x4e: {  	_ =	shalt  }
0x4f: {  	_ =	shalt  }
0x50: {  	_ =	shalt  }
0x51: {  	_ =	shalt  }
0x52: {  	_ =	shalt  }
0x53: {  	_ =	shalt  }
0x54: {  	_ =	shalt  }
0x55: {  	_ =	shalt  }
0x56: {  	_ =	shalt  }
0x57: {  	_ =	shalt  }
0x58: {  	_ =	shalt  }
0x59: {  	_ =	shalt  }
0x5a: {  	_ =	shalt  }
0x5b: {  	_ =	shalt  }
0x5c: {  	_ =	shalt  }
0x5d: {  	_ =	shalt  }
0x5e: {  	_ =	shalt  }
0x5f: {  	_ =	shalt  }
0x60: {  	_ =	shalt  }
0x61: {  	_ =	shalt  }
0x62: {  	_ =	shalt  }
0x63: {  	_ =	shalt  }
0x64: {  	_ =	shalt  }
0x65: {  	_ =	shalt  }
0x66: {  	_ =	shalt  }
0x67: {  	_ =	shalt  }
0x68: {  	_ =	shalt  }
0x69: {  	_ =	shalt  }
0x6a: {  	_ =	shalt  }
0x6b: {  	_ =	shalt  }
0x6c: {  	_ =	shalt  }
0x6d: {  	_ =	shalt  }
0x6e: {  	_ =	shalt  }
0x6f: {  	_ =	shalt  }
0x70: {  	_ =	shalt  }
0x71: {  	_ =	shalt  }
0x72: {  	_ =	shalt  }
0x73: {  	_ =	shalt  }
0x74: {  	_ =	shalt  }
0x75: {  	_ =	shalt  }
0x76: {  	_ =	shalt  }
0x77: {  	_ =	shalt  }
0x78: {  	_ =	shalt  }
0x79: {  	_ =	shalt  }
0x7a: {  	_ =	shalt  }
0x7b: {  	_ =	shalt  }
0x7c: {  	_ =	shalt  }
0x7d: {  	_ =	shalt  }
0x7e: {  	_ =	shalt  }
0x7f: {  	_ =	shalt  }
0x80: {  	_ =	shalt  }
0x81: {  	_ =	shalt  }
0x82: {  	_ =	shalt  }
0x83: {  	_ =	shalt  }
0x84: {  	_ =	shalt  }
0x85: {  	_ =	shalt  }
0x86: {  	_ =	shalt  }
0x87: {  	_ =	shalt  }
.Lfunc_end0:
.L_simem_size_0:
called_computation.2_lowered:
.L_overlay_start_0:
0x88: {  	s2 =	sld [smem:$0x3FD9]  }
0x89: {  	s3 =	sld [smem:$0x3FFE];
	_ =	sdelay $0x1  }
0x8a: {  	s1 =	srdreg.scid  }
0x8b: {  	s0 =	sand.u32 $0x1, s1  }
0x8c: {  	s16 =	sshll.u32 s0, $0xA;
	s2 =	sadd.s32 s3, s2  }
0x8d: {  	s2 =	sadd.s32 s2, s16  }
0x8e: {  	[smem:$0x3FBA] =	sst s2  }
0x8f: {  	_ = 	snop  }
0x90: {  	(tm) =	ssettm $0x1  }
0x91: {  	s17 =	sld [smem:$0x3FFB];
	_ =	sdelay $0x3  }
0x92: {  	_ =	strace s17  }
0x93: {  	s2 =	sld [smem:$0x3FFC];
	_ =	sdelay $0x3  }
0x94: {  	_ =	strace s2  }
0x95: {  	s2 =	sld [smem:$0x3FFD];
	_ =	sdelay $0x3  }
0x96: {  	_ =	strace s2  }
0x97: {  	_ =	strace $0x8FFFFFFF  }
0x98: {  	s18 =	sld [smem:$0x3FDB];
	_ =	sdelay $0x1  }
0x99: {  	s19 =	simm.s32 $_scs_section_size  }
0x9a: {  	s4 =	simm.s32 $_size__tile_overlayer_lowered;
	s5 =	simm.s32 $_tile_overlayer_lowered  }
0x9b: {  	s22 =	simm.s32 $0x1BFF;
	s21 =	sshll.u32 s5, $0x1;
	s2 =	sadd.s32 s19, s18  }
0x9c: {  	s6 =	simm.s32 $0x0;
	s20 =	sshll.u32 s4, $0x1;
	s4 =	sadd.s32 s21, s2  }
0x9d: {  	[timem:s6], [sflag:s22] =	dma.local [hbm:s4], s20  }
0x9e: {  	_ =	swait.ge [sflag:s22], s20  }
0x9f: {  	s3 =	ssub.s32 $0x0, s20;
	[sflag:s22] =	ssyncset.done $0x0  }
0xa0: {  	[sflag:s22] =	ssyncadd.s32 s3;
	_ =	sdelay $0x1  }
0xa1: {  	s23 =	simm.s32 $0x1B8B  }
0xa2: {  	_ =	swait.ge [sflag:s23], $0x1  }
0xa3: {  	[sflag:s23] =	ssyncset.done $0x0  }
0xa4: {  	s25 =	simm.s32 $0x1B8E;
	s24 =	sld [smem:$0x3FFE];
	[sflag:s23] =	ssyncadd.s32 $0xFFFFFFFF  }
0xa5: {  	s26 =	simm.s32 $execute0_lowered;
	[smem:$0x3FD2] =	sst s25  }
0xa6: {  	s4 =	sshll.u32 s26, $0x1;
	_ =	strace $0x80000049;
	[dreg:$0x1] =	wrdreg $0xFFFFFFFF  }
0xa7: {  	s28 =	simm.s32 $_size_execute0_lowered;
	s2 =	sadd.s32 s2, s4;
	[dreg:$0x0] =	wrdreg $0x0  }
0xa8: {  	s4 =	sshll.u32 s28, $0x1;
	[dreg:$0x2] =	wrdreg s2  }
0xa9: {  	[dreg:$0x3] =	wrdreg s4  }
0xaa: {  	[dreg:$0x4] =	wrdreg $0xC0  }
0xab: {  	_ =	task [dreg:s6], $0x5FFFF  }
0xac: {  	[dreg:$0x1] =	wrdreg $0xFFFFFFFF  }
0xad: {  	[dreg:$0x0] =	wrdreg $0x60  }
0xae: {  	[dreg:$0x2] =	wrdreg s24  }
0xaf: {  	[dreg:$0x3] =	wrdreg $0x0  }
0xb0: {  	[dreg:$0x4] =	wrdreg $0x9  }
0xb1: {  	_ =	task.clear_ibuf [dreg:s6], $0x5FFFF;
	_ =	strace $0x90000049  }
0xb2: {  	s29 =	simm.s32 $0x9;
	_ =	strace $0x8000004B  }
0xb3: {  	_ =	swait.ge [sflag:s29], $0x1  }
0xb4: {  	[sflag:s29] =	ssyncadd.s32 $0xFFFFFFFF  }
0xb5: {  	_ =	strace $0x9000004B  }
0xb6: {  	_ =	sfence  }
0xb7: {  	s30 =	sld [smem:$0x0];
	_ =	sdelay $0x2  }
0xb8: {  	s31 =	sshll.u32 s1, $0xD;
	s1 =	sshrl.u32 s1, $0x2  }
0xb9: {  	s3 =	sand.u32 $0x4000, s31;
	s1 =	sadd.s32 s1, s30  }
0xba: {  	s0 =	sor.u32 s3, s0;
	s1 =	sshll.u32 s1, $0x11  }
0xbb: {  	s0 =	sor.u32 s1, s0  }
0xbc: {  	s0 =	sadd.s32 $0x8F2B, s0  }
0xbd: {  	[sflag:s0] =	ssyncadd.remote.s32 $0x1  }
0xbe: {  	_ =	sfence.sel $0xFFFF  }
0xbf: {  	[dreg:$0x0] =	wrdreg $0xFFFFFFFF;
	(pc) =	sbr.abs _section_cstart, $3  }
0xc0: {  	[dreg:$0x1] =	wrdreg $0xFFFFFFFF  }
0xc1: {  	_ =	task.clear_ibuf [dreg:s6], $0x2FFFF;
	_ =	strace $0x9FFFFFFF  }
0xc2: {  	(tm) =	ssettm $0x7FFFFFFF  }
0xc3: {  	_ =	shalt  }
tec
execute0_lowered:
.L_overlay_start_1:
0x0: {  	(tag) =	ssettag $0x1  }
0x1: {  	s1 =	srdreg.scid  }
0x2: {  	s0 =	stileid.u32;
	s6 =	rddreg [dreg:$0x0]  }
0x3: {  	s2 =	rddreg [dreg:$0x1];
	s3 =	simm.s32 $0x0;
	s12 =	simm.s32 $0x2  }
0x4: {  	s15 =	simm.s32 $0x70;
	s16 =	simm.s32 $0x1A000;
	s17 =	simm.s32 $0x1  }
0x5: {  	s18 =	simm.s32 $0x0;
	s5 =	sand.u32 $0x1, s1;
	s1 =	rddreg [dreg:$0x2]  }
0x6: {  	s28 =	sshll.u32 s0, $0x1;
	[smem:$0x7FF] =	sst s3;
	s8 =	smul.u32 $0x2800, s0  }
0x7: {  	s11 =	smul.u32 $0x50000, s0;
	s13 =	sshll.u32 s0, $0x6;
	s4 =	sor.u32 s5, s28  }
0x8: {  	_ =	strace $0x8000004A;
	s9 =	smul.u32 $0x28000, s5;
	s29 =	ssub.s32 $0x2, s5  }
0x9: {  	s5 =	sadd.s32 $0x44C00, s6;
	s13 =	sor.u32 $0x1C02, s13;
	s7 =	smul.u32 $0xC00, s4  }
0xa: {  	s4 =	sadd.s32 $0x1DA00, s6;
	s30 =	sshrl.u32 s29, $0x1;
	s31 =	sshrl.u32 s11, $0x2  }
0xb: {  	s11 =	simm.s32 $0x17000;
	s8 =	sadd.s32 s8, s9;
	s9 =	ssub.s32 s29, s30  }
0xc: {  	s14 =	sadd.s32 s31, s2;
	s10 =	sadd.s32 s7, s6;
	s8 =	sadd.s32 s8, s6  }
0xd: {  	s14 =	sshrl.u32 s14, $0x3;
	s6 =	sadd.s32 $0x5A00, s10;
	s7 =	sadd.s32 $0x47400, s8  }
0xe: {  	s8 =	smax.u32 s9, $0x1;
	s9 =	sadd.s32 $0x6000, s10;
	s10 =	simm.s32 $0x14000  }
.LBB2_1:
0xf: {  	[tilespmem:s10], [sflag:$0x2] =	stream.linear.gather [hbm4b:s6+s3], $0x2D00, $0x38;
	[tilespmem:$0x1D800] =	vst v63  }
0x10: {  	_ = 	snop  }
0x11: {  	[tilespmem:s11], [sflag:$0x2] =	stream.linear.gather [hbm4b:s9+s3], $0x2D00, $0x38;
	[tilespmem:$0x1D800] =	vst v63  }
0x12: {  	_ =	swait.ge [sflag:s12], $0x5A00  }
0x13: {  	[sflag:s12] =	ssyncset.done $0x0  }
0x14: {  	[sflag:s12] =	ssyncadd.s32 $0xFFFFA600  }
0x15: {  	[spmem:s14], [sflag:s13] =	dma.local [hbm:s5], $0x2800  }
0x16: {  	_ =	swait.ge [sflag:s12], $0x2800  }
0x17: {  	[sflag:s12] =	ssyncset.done $0x0  }
0x18: {  	[sflag:s12] =	ssyncadd.s32 $0xFFFFD800  }
0x19: {  	s19 =	simm.s32 $0x14000;
	[bflag:$0x0] =	sbarrier.arrive $0xFFFF  }
0x1a: {  	[tilespmem:s16], [sflag:$0x1] =	stream.indirect.gather [hbm4b:s4+s15], $0x80, s19, s15, $0xb8;
	[tilespmem:$0x1D800] =	vst v63  }
0x1b: {  	_ =	swait.ge [sflag:s17], $0x3800  }
0x1c: {  	[sflag:s17] =	ssyncset.done $0x0  }
0x1d: {  	s31 =	simm.s32 $0x17000;
	[sflag:s17] =	ssyncadd.s32 $0xFFFFC800  }
0x1e: {  	[spmem:s2] =	stream.indirect.scatter.add.f32 [tilespmem:s16], [sflag:$0x2], $0x80, s31, s15, $0xb8;
	[tilespmem:$0x1D800] =	vst v63  }
0x1f: {  	_ =	swait.ge [sflag:s12], $0x3800  }
0x20: {  	s20 =	simm.s32 $0x400;
	s19 =	simm.s32 $0x80;
	[sflag:s12] =	ssyncset.done $0x0  }
.LBB2_2:
0x21: {  	s21 =	sadd.s32 $0x14000, s19  }
0x22: {  	[sflag:s12] =	ssyncadd.s32 $0xFFFFC800;
	s22 =	smov.u32 s20;
	s23 =	sadd.s32 $0x200, s20  }
0x23: {  	[tilespmem:s16], [sflag:$0x1] =	stream.indirect.gather [hbm4b:s4+s15], $0x80, s21, s15, $0xb8;
	[tilespmem:$0x1D800] =	vst v63  }
0x24: {  	p0 =	sne.s32 s20, $0xB200;
	_ =	swait.ge [sflag:s17], $0x3800  }
.Ltmp0:
0x25: {  	[sflag:s17] =	ssyncset.done $0x0;
	(pc) =	sbr.rel @p0 .LBB2_2-.Ltmp0, $4  }
0x26: {  	s19 =	sadd.s32 $0x17000, s19;
	[sflag:s17] =	ssyncadd.s32 $0xFFFFC800  }
0x27: {  	[spmem:s2] =	stream.indirect.scatter.add.f32 [tilespmem:s16], [sflag:$0x2], $0x80, s19, s15, $0xb8;
	[tilespmem:$0x1D800] =	vst v63  }
0x28: {  	_ =	swait.ge [sflag:s12], $0x3800  }
0x29: {  	s20 =	smov.u32 s23;
	s19 =	sshra.s32 s22, $0x2;
	[sflag:s12] =	ssyncset.done $0x0  }
0x2a: {  	s20 =	sadd.s32 $0x14000, s19;
	[sflag:s12] =	ssyncadd.s32 $0xFFFFC800  }
0x2b: {  	[tilespmem:s16], [sflag:$0x1] =	stream.indirect.gather [hbm4b:s4+s15], $0x80, s20, s15, $0xb8;
	[tilespmem:$0x1D800] =	vst v63  }
0x2c: {  	_ =	swait.ge [sflag:s17], $0x3800  }
0x2d: {  	[sflag:s17] =	ssyncset.done $0x0  }
0x2e: {  	s31 =	sadd.s32 $0x17000, s19;
	[sflag:s17] =	ssyncadd.s32 $0xFFFFC800  }
0x2f: {  	[spmem:s2] =	stream.indirect.scatter.add.f32 [tilespmem:s16], [sflag:$0x2], $0x80, s31, s15, $0xb8;
	[tilespmem:$0x1D800] =	vst v63  }
0x30: {  	_ =	swait.ge [sflag:s12], $0x3800  }
0x31: {  	s18 =	sadd.s32 $0x1, s18;
	[sflag:s12] =	ssyncset.done $0x0  }
0x32: {  	p0 =	sne.s32 s18, s8;
	[sflag:s12] =	ssyncadd.s32 $0xFFFFC800  }
.Ltmp1:
0x33: {  	[bflag:$0x0] =	sbarrier.arrive $0xFFFF;
	(pc) =	sbr.rel @p0 .LBB2_1-.Ltmp1, $4  }
0x34: {  	[hbm:s7], [sflag:s13] =	dma.local [spmem:s14], $0x2800  }
0x35: {  	_ =	swait.ge [sflag:s12], $0x2800  }
0x36: {  	[sflag:s12] =	ssyncset.done $0x0  }
0x37: {  	[sflag:s12] =	ssyncadd.s32 $0xFFFFD800  }
0x38: {  	_ =	sfence.sel $0x180000  }
0x39: {  	[bflag:$0x0] =	sbarrier.arrive $0xFFFF  }
0x3a: {  	p0 =	sne.s32 s0, $0x0;
	_ =	strace $0x9000004A  }
0x3b: {  	s0 =	sadd.s32 @!p0 $0x100000, s1;
	[bflag:$0x2] =	sbarrier.arrive $0xFFFF  }
0x3c: {  	[sflag:s0] =	ssyncadd.tile.s32 @!p0 $0x1;
	_ =	shalt  }
.Lfunc_end2:
_tile_overlayer_lowered:
.L_overlay_start_2:
0x3d: {  	(tag) =	ssettag $0x2  }
0x3e: {  	s0 =	rddreg [dreg:$0x0];
	s2 =	stileid.u32  }
0x3f: {  	s1 =	rddreg [dreg:$0x1];
	p0 =	sne.s32 s2, $0x0  }
0x40: {  	s3 =	rddreg [dreg:$0x2];
	[bflag:$0x3] =	sbarrier.arrive $0xFFFF;
	s2 =	simm.s32 @!p0 $0x1C02  }
0x41: {  	[timem:s3], [sflag:s2] =	dma.local @!p0 [hbm:s0], s1  }
0x42: {  	s0 =	simm.s32 @!p0 $0x2  }
0x43: {  	_ =	swait.ge @!p0 [sflag:s0], s1  }
0x44: {  	s1 =	ssub.s32 @!p0 $0x0, s1;
	[sflag:s0] =	ssyncset.done @!p0 $0x0  }
0x45: {  	[sflag:s0] =	ssyncadd.s32 @!p0 s1  }
0x46: {  	[bflag:$0x3] =	sbarrier.arrive $0xFFFF  }
0x47: {  	_ =	shalt  }

// kernel: kernel.26.cloned.1.call-start
scs
__scs_entry_jumppad:
0x0: {  	(pc) =	sbr.rel $0x88, $3  }
0x1: {  	(tag) =	ssettag $0x0;
	lr =	simm.s32 $0x1  }
0x2: {  	[smem:$0x3F93] =	sst lr;
	_ =	strace $0xD0000000  }
0x3: {  	_ = 	snop  }
0x4: {  	_ = 	snop  }
0x5: {  	_ = 	snop  }
0x6: {  	_ = 	snop  }
0x7: {  	_ = 	snop  }
__scs_overlays_trampoline_lowered:
0x8: {  	[smem:$0x3FA2] =	sst s0  }
0x9: {  	[smem:$0x3FA3] =	sst s1  }
0xa: {  	[smem:$0x3FA4] =	sst s2  }
0xb: {  	[smem:$0x3FA5] =	sst s3  }
0xc: {  	[smem:$0x3FA6] =	sst s4  }
0xd: {  	[smem:$0x3FA7] =	sst s5  }
0xe: {  	[smem:$0x3FA8] =	sst s6  }
0xf: {  	[smem:$0x3FA9] =	sst s7  }
0x10: {  	[smem:$0x3FAA] =	sst s8  }
0x11: {  	[smem:$0x3FAB] =	sst s9;
	s0 =	simm.s32 @!p0 $0x0  }
0x12: {  	s1 =	sld [smem:$0x3F91];
	s0 =	simm.s32 @p0 $0x1  }
0x13: {  	[smem:$0x3FAC] =	sst s0;
	s0 =	simm.s32 @!p1 $0x0  }
0x14: {  	s2 =	sld [smem:$0x3F90];
	s0 =	simm.s32 @p1 $0x1  }
0x15: {  	[smem:$0x3FAD] =	sst s0;
	s0 =	simm.s32 @!p2 $0x0  }
0x16: {  	s3 =	sld [smem:$0x3FDB];
	s0 =	simm.s32 @p2 $0x1  }
0x17: {  	s4 =	simm.s32 $0x1BF5;
	[smem:$0x3FAF] =	sst s0  }
0x18: {  	s0 =	sld [smem:$0x3F92];
	_ =	swait.ge [sflag:s4], $0x0  }
0x19: {  	s7 =	sld [smem:$0x3F93]  }
0x1a: {  	s8 =	sadd.s32 $0xFFFFE003, lr  }
0x1b: {  	s9 =	sadd.s32 $0xFFFFFEF7, lr;
	s5 =	simm.s32 $0xFFFFFFFF;
	p2 =	slt.u32 s8, $0xFFFFF086  }
0x1c: {  	p1 =	slt.u32 s9, $0xF7A;
	s5 =	simm.s32 @!p2 $0x0  }
0x1d: {  	s5 =	simm.s32 @p1 $0x1;
	p0 =	seq.s32 s7, s2  }
0x1e: {  	s7 =	smul.u32 @!p0 $0xF7A, s2;
	p2 =	seq.s32 @!p0 s5, $0x0  }
0x1f: {  	s9 =	smul.u32 $0xF7A, s1;
	s8 =	simm.s32 @!p0 $0x1BF5;
	p2 =	por !p2, p0  }
0x20: {  	[sflag:s8] =	ssyncset.s32 @!p0 $0xFFFFF086;
	s6 =	sadd.s32 @!p0 s3, s7;
	s7 =	simm.s32 @!p0 $0x108  }
0x21: {  	s3 =	sadd.s32 s3, s9;
	s6 =	sadd.s32 @!p0 $0x88, s6;
	s7 =	simm.s32 @p2 $0x1082  }
0x22: {  	[simem:s7], [sflag:s8] =	dma.local @!p0 [hbm:s6], $0xF7A  }
0x23: {  	s9 =	sor.u32 $0xD0000000, s2;
	s6 =	simm.s32 $0x108;
	_ =	swait.ge @!p0 [sflag:s8], $0x0  }
0x24: {  	s3 =	sadd.s32 $0x88, s3;
	s6 =	simm.s32 @!p1 $0x1082;
	[sflag:s4] =	ssyncset.s32 $0xFFFFF086  }
0x25: {  	[simem:s6], [sflag:s4] =	dma.local [hbm:s3], $0xF7A  }
0x26: {  	[smem:$0x3F93] =	sst s1;
	(tag) =	ssettag s2;
	_ =	strace s9  }
0x27: {  	s1 =	sld [smem:$0x3FA3]  }
0x28: {  	s2 =	sld [smem:$0x3FA4]  }
0x29: {  	s4 =	sld [smem:$0x3FA6]  }
0x2a: {  	p0 =	seq.s32 s5, $0x0;
	s5 =	sld [smem:$0x3FA7]  }
0x2b: {  	s6 =	sld [smem:$0x3FA8]  }
0x2c: {  	s7 =	sld [smem:$0x3FA9]  }
0x2d: {  	s3 =	simm.s32 $0x108;
	s8 =	sld [smem:$0x3FAA]  }
0x2e: {  	s3 =	simm.s32 @!p0 $0x1082;
	s9 =	sld [smem:$0x3FAB]  }
0x2f: {  	lr =	sadd.s32 s0, s3;
	s0 =	sld [smem:$0x3FA2]  }
0x30: {  	s3 =	sld [smem:$0x3FA5]  }
0x31: {  	[smem:$0x3FAE] =	sst s10  }
0x32: {  	s10 =	sld [smem:$0x3FAC];
	_ =	sdelay $0x3  }
0x33: {  	p0 =	seq.s32 s10, $0x1;
	s10 =	sld [smem:$0x3FAE];
	_ =	sdelay $0x3  }
0x34: {  	[smem:$0x3FAE] =	sst s10  }
0x35: {  	s10 =	sld [smem:$0x3FAD];
	_ =	sdelay $0x3  }
0x36: {  	p1 =	seq.s32 s10, $0x1;
	s10 =	sld [smem:$0x3FAE];
	_ =	sdelay $0x3  }
0x37: {  	[smem:$0x3FAE] =	sst s10  }
0x38: {  	s10 =	sld [smem:$0x3FAF]  }
0x39: {  	_ = 	snop;
	(pc) =	sbr.ind lr, $3  }
0x3a: {  	_ = 	snop  }
0x3b: {  	_ = 	snop  }
0x3c: {  	p2 =	seq.s32 s10, $0x1;
	s10 =	sld [smem:$0x3FAE]  }
0x3d: {  	_ =	shalt  }
0x3e: {  	_ =	shalt  }
0x3f: {  	_ =	shalt  }
0x40: {  	_ =	shalt  }
0x41: {  	_ =	shalt  }
0x42: {  	_ =	shalt  }
0x43: {  	_ =	shalt  }
0x44: {  	_ =	shalt  }
0x45: {  	_ =	shalt  }
0x46: {  	_ =	shalt  }
0x47: {  	_ =	shalt  }
0x48: {  	_ =	shalt  }
0x49: {  	_ =	shalt  }
0x4a: {  	_ =	shalt  }
0x4b: {  	_ =	shalt  }
0x4c: {  	_ =	shalt  }
0x4d: {  	_ =	shalt  }
0x4e: {  	_ =	shalt  }
0x4f: {  	_ =	shalt  }
0x50: {  	_ =	shalt  }
0x51: {  	_ =	shalt  }
0x52: {  	_ =	shalt  }
0x53: {  	_ =	shalt  }
0x54: {  	_ =	shalt  }
0x55: {  	_ =	shalt  }
0x56: {  	_ =	shalt  }
0x57: {  	_ =	shalt  }
0x58: {  	_ =	shalt  }
0x59: {  	_ =	shalt  }
0x5a: {  	_ =	shalt  }
0x5b: {  	_ =	shalt  }
0x5c: {  	_ =	shalt  }
0x5d: {  	_ =	shalt  }
0x5e: {  	_ =	shalt  }
0x5f: {  	_ =	shalt  }
0x60: {  	_ =	shalt  }
0x61: {  	_ =	shalt  }
0x62: {  	_ =	shalt  }
0x63: {  	_ =	shalt  }
0x64: {  	_ =	shalt  }
0x65: {  	_ =	shalt  }
0x66: {  	_ =	shalt  }
0x67: {  	_ =	shalt  }
0x68: {  	_ =	shalt  }
0x69: {  	_ =	shalt  }
0x6a: {  	_ =	shalt  }
0x6b: {  	_ =	shalt  }
0x6c: {  	_ =	shalt  }
0x6d: {  	_ =	shalt  }
0x6e: {  	_ =	shalt  }
0x6f: {  	_ =	shalt  }
0x70: {  	_ =	shalt  }
0x71: {  	_ =	shalt  }
0x72: {  	_ =	shalt  }
0x73: {  	_ =	shalt  }
0x74: {  	_ =	shalt  }
0x75: {  	_ =	shalt  }
0x76: {  	_ =	shalt  }
0x77: {  	_ =	shalt  }
0x78: {  	_ =	shalt  }
0x79: {  	_ =	shalt  }
0x7a: {  	_ =	shalt  }
0x7b: {  	_ =	shalt  }
0x7c: {  	_ =	shalt  }
0x7d: {  	_ =	shalt  }
0x7e: {  	_ =	shalt  }
0x7f: {  	_ =	shalt  }
0x80: {  	_ =	shalt  }
0x81: {  	_ =	shalt  }
0x82: {  	_ =	shalt  }
0x83: {  	_ =	shalt  }
0x84: {  	_ =	shalt  }
0x85: {  	_ =	shalt  }
0x86: {  	_ =	shalt  }
0x87: {  	_ =	shalt  }
.Lfunc_end0:
.L_simem_size_0:
called_computation.3_lowered:
.L_overlay_start_0:
0x88: {  	s2 =	sld [smem:$0x3FD9]  }
0x89: {  	s3 =	sld [smem:$0x3FFE];
	_ =	sdelay $0x1  }
0x8a: {  	s1 =	srdreg.scid  }
0x8b: {  	s0 =	sand.u32 $0x1, s1  }
0x8c: {  	s16 =	sshll.u32 s0, $0xA;
	s2 =	sadd.s32 s3, s2  }
0x8d: {  	s2 =	sadd.s32 s2, s16  }
0x8e: {  	[smem:$0x3FBA] =	sst s2  }
0x8f: {  	_ = 	snop  }
0x90: {  	(tm) =	ssettm $0x1  }
0x91: {  	s17 =	sld [smem:$0x3FFB];
	_ =	sdelay $0x3  }
0x92: {  	_ =	strace s17  }
0x93: {  	s2 =	sld [smem:$0x3FFC];
	_ =	sdelay $0x3  }
0x94: {  	_ =	strace s2  }
0x95: {  	s2 =	sld [smem:$0x3FFD];
	_ =	sdelay $0x3  }
0x96: {  	_ =	strace s2  }
0x97: {  	_ =	strace $0x8FFFFFFF  }
0x98: {  	s18 =	sld [smem:$0x3FDB];
	_ =	sdelay $0x1  }
0x99: {  	s19 =	simm.s32 $_scs_section_size  }
0x9a: {  	s4 =	simm.s32 $_size__tile_overlayer_lowered;
	s5 =	simm.s32 $_tile_overlayer_lowered  }
0x9b: {  	s22 =	simm.s32 $0x1BFF;
	s21 =	sshll.u32 s5, $0x1;
	s2 =	sadd.s32 s19, s18  }
0x9c: {  	s6 =	simm.s32 $0x0;
	s20 =	sshll.u32 s4, $0x1;
	s4 =	sadd.s32 s21, s2  }
0x9d: {  	[timem:s6], [sflag:s22] =	dma.local [hbm:s4], s20  }
0x9e: {  	_ =	swait.ge [sflag:s22], s20  }
0x9f: {  	s3 =	ssub.s32 $0x0, s20;
	[sflag:s22] =	ssyncset.done $0x0  }
0xa0: {  	[sflag:s22] =	ssyncadd.s32 s3;
	_ =	sdelay $0x1  }
0xa1: {  	s23 =	simm.s32 $0x1B8B  }
0xa2: {  	_ =	swait.ge [sflag:s23], $0x1  }
0xa3: {  	[sflag:s23] =	ssyncset.done $0x0  }
0xa4: {  	s25 =	simm.s32 $0x1B8E;
	s24 =	sld [smem:$0x3FFE];
	[sflag:s23] =	ssyncadd.s32 $0xFFFFFFFF  }
0xa5: {  	s26 =	simm.s32 $execute0_lowered;
	[smem:$0x3FD2] =	sst s25  }
0xa6: {  	s4 =	sshll.u32 s26, $0x1;
	_ =	strace $0x8000004C;
	[dreg:$0x1] =	wrdreg $0xFFFFFFFF  }
0xa7: {  	s28 =	simm.s32 $_size_execute0_lowered;
	s2 =	sadd.s32 s2, s4;
	[dreg:$0x0] =	wrdreg $0x0  }
0xa8: {  	s4 =	sshll.u32 s28, $0x1;
	[dreg:$0x2] =	wrdreg s2  }
0xa9: {  	[dreg:$0x3] =	wrdreg s4  }
0xaa: {  	[dreg:$0x4] =	wrdreg $0xC0  }
0xab: {  	_ =	task [dreg:s6], $0x5FFFF  }
0xac: {  	[dreg:$0x1] =	wrdreg $0xFFFFFFFF  }
0xad: {  	[dreg:$0x0] =	wrdreg $0x60  }
0xae: {  	[dreg:$0x2] =	wrdreg s24  }
0xaf: {  	[dreg:$0x3] =	wrdreg $0x0  }
0xb0: {  	[dreg:$0x4] =	wrdreg $0x9  }
0xb1: {  	_ =	task.clear_ibuf [dreg:s6], $0x5FFFF;
	_ =	strace $0x9000004C  }
0xb2: {  	s29 =	simm.s32 $0x9;
	_ =	strace $0x8000004E  }
0xb3: {  	_ =	swait.ge [sflag:s29], $0x1  }
0xb4: {  	[sflag:s29] =	ssyncadd.s32 $0xFFFFFFFF  }
0xb5: {  	_ =	strace $0x9000004E  }
0xb6: {  	_ =	sfence  }
0xb7: {  	s30 =	sld [smem:$0x0];
	_ =	sdelay $0x2  }
0xb8: {  	s31 =	sshll.u32 s1, $0xD;
	s1 =	sshrl.u32 s1, $0x2  }
0xb9: {  	s3 =	sand.u32 $0x4000, s31;
	s1 =	sadd.s32 s1, s30  }
0xba: {  	s0 =	sor.u32 s3, s0;
	s1 =	sshll.u32 s1, $0x11  }
0xbb: {  	s0 =	sor.u32 s1, s0  }
0xbc: {  	s0 =	sadd.s32 $0x8F2B, s0  }
0xbd: {  	[sflag:s0] =	ssyncadd.remote.s32 $0x1  }
0xbe: {  	_ =	sfence.sel $0xFFFF  }
0xbf: {  	[dreg:$0x0] =	wrdreg $0xFFFFFFFF;
	(pc) =	sbr.abs _section_cstart, $3  }
0xc0: {  	[dreg:$0x1] =	wrdreg $0xFFFFFFFF  }
0xc1: {  	_ =	task.clear_ibuf [dreg:s6], $0x2FFFF;
	_ =	strace $0x9FFFFFFF  }
0xc2: {  	(tm) =	ssettm $0x7FFFFFFF  }
0xc3: {  	_ =	shalt  }
tec
execute0_lowered:
.L_overlay_start_1:
0x0: {  	(tag) =	ssettag $0x1  }
0x1: {  	s1 =	srdreg.scid  }
0x2: {  	s0 =	stileid.u32;
	s6 =	rddreg [dreg:$0x0]  }
0x3: {  	s2 =	rddreg [dreg:$0x1];
	s3 =	simm.s32 $0x0;
	s12 =	simm.s32 $0x2  }
0x4: {  	s15 =	simm.s32 $0x70;
	s16 =	simm.s32 $0x1A000;
	s17 =	simm.s32 $0x1  }
0x5: {  	s18 =	simm.s32 $0x0;
	s5 =	sand.u32 $0x1, s1;
	s1 =	rddreg [dreg:$0x2]  }
0x6: {  	s28 =	sshll.u32 s0, $0x1;
	[smem:$0x7FF] =	sst s3;
	s8 =	smul.u32 $0x2800, s0  }
0x7: {  	s11 =	smul.u32 $0x50000, s0;
	s13 =	sshll.u32 s0, $0x6;
	s4 =	sor.u32 s5, s28  }
0x8: {  	_ =	strace $0x8000004D;
	s9 =	smul.u32 $0x28000, s5;
	s29 =	ssub.s32 $0x2, s5  }
0x9: {  	s5 =	sadd.s32 $0x44C00, s6;
	s13 =	sor.u32 $0x1C02, s13;
	s7 =	smul.u32 $0xC00, s4  }
0xa: {  	s4 =	sadd.s32 $0x1DA00, s6;
	s30 =	sshrl.u32 s29, $0x1;
	s31 =	sshrl.u32 s11, $0x2  }
0xb: {  	s11 =	simm.s32 $0x17000;
	s8 =	sadd.s32 s8, s9;
	s9 =	ssub.s32 s29, s30  }
0xc: {  	s14 =	sadd.s32 s31, s2;
	s10 =	sadd.s32 s7, s6;
	s8 =	sadd.s32 s8, s6  }
0xd: {  	s14 =	sshrl.u32 s14, $0x3;
	s6 =	sadd.s32 $0x5A00, s10;
	s7 =	sadd.s32 $0x47400, s8  }
0xe: {  	s8 =	smax.u32 s9, $0x1;
	s9 =	sadd.s32 $0x6000, s10;
	s10 =	simm.s32 $0x14000  }
.LBB2_1:
0xf: {  	[tilespmem:s10], [sflag:$0x2] =	stream.linear.gather [hbm4b:s6+s3], $0x2D00, $0x38;
	[tilespmem:$0x1D800] =	vst v63  }
0x10: {  	_ = 	snop  }
0x11: {  	[tilespmem:s11], [sflag:$0x2] =	stream.linear.gather [hbm4b:s9+s3], $0x2D00, $0x38;
	[tilespmem:$0x1D800] =	vst v63  }
0x12: {  	_ =	swait.ge [sflag:s12], $0x5A00  }
0x13: {  	[sflag:s12] =	ssyncset.done $0x0  }
0x14: {  	[sflag:s12] =	ssyncadd.s32 $0xFFFFA600  }
0x15: {  	[spmem:s14], [sflag:s13] =	dma.local [hbm:s5], $0x2800  }
0x16: {  	_ =	swait.ge [sflag:s12], $0x2800  }
0x17: {  	[sflag:s12] =	ssyncset.done $0x0  }
0x18: {  	[sflag:s12] =	ssyncadd.s32 $0xFFFFD800  }
0x19: {  	s19 =	simm.s32 $0x14000;
	[bflag:$0x0] =	sbarrier.arrive $0xFFFF  }
0x1a: {  	[tilespmem:s16], [sflag:$0x1] =	stream.indirect.gather [hbm4b:s4+s15], $0x80, s19, s15, $0xb8;
	[tilespmem:$0x1D800] =	vst v63  }
0x1b: {  	_ =	swait.ge [sflag:s17], $0x3800  }
0x1c: {  	[sflag:s17] =	ssyncset.done $0x0  }
0x1d: {  	s31 =	simm.s32 $0x17000;
	[sflag:s17] =	ssyncadd.s32 $0xFFFFC800  }
0x1e: {  	[spmem:s2] =	stream.indirect.scatter.add.f32 [tilespmem:s16], [sflag:$0x2], $0x80, s31, s15, $0xb8;
	[tilespmem:$0x1D800] =	vst v63  }
0x1f: {  	_ =	swait.ge [sflag:s12], $0x3800  }
0x20: {  	s20 =	simm.s32 $0x400;
	s19 =	simm.s32 $0x80;
	[sflag:s12] =	ssyncset.done $0x0  }
.LBB2_2:
0x21: {  	s21 =	sadd.s32 $0x14000, s19  }
0x22: {  	[sflag:s12] =	ssyncadd.s32 $0xFFFFC800;
	s22 =	smov.u32 s20;
	s23 =	sadd.s32 $0x200, s20  }
0x23: {  	[tilespmem:s16], [sflag:$0x1] =	stream.indirect.gather [hbm4b:s4+s15], $0x80, s21, s15, $0xb8;
	[tilespmem:$0x1D800] =	vst v63  }
0x24: {  	p0 =	sne.s32 s20, $0xB200;
	_ =	swait.ge [sflag:s17], $0x3800  }
.Ltmp0:
0x25: {  	[sflag:s17] =	ssyncset.done $0x0;
	(pc) =	sbr.rel @p0 .LBB2_2-.Ltmp0, $4  }
0x26: {  	s19 =	sadd.s32 $0x17000, s19;
	[sflag:s17] =	ssyncadd.s32 $0xFFFFC800  }
0x27: {  	[spmem:s2] =	stream.indirect.scatter.add.f32 [tilespmem:s16], [sflag:$0x2], $0x80, s19, s15, $0xb8;
	[tilespmem:$0x1D800] =	vst v63  }
0x28: {  	_ =	swait.ge [sflag:s12], $0x3800  }
0x29: {  	s20 =	smov.u32 s23;
	s19 =	sshra.s32 s22, $0x2;
	[sflag:s12] =	ssyncset.done $0x0  }
0x2a: {  	s20 =	sadd.s32 $0x14000, s19;
	[sflag:s12] =	ssyncadd.s32 $0xFFFFC800  }
0x2b: {  	[tilespmem:s16], [sflag:$0x1] =	stream.indirect.gather [hbm4b:s4+s15], $0x80, s20, s15, $0xb8;
	[tilespmem:$0x1D800] =	vst v63  }
0x2c: {  	_ =	swait.ge [sflag:s17], $0x3800  }
0x2d: {  	[sflag:s17] =	ssyncset.done $0x0  }
0x2e: {  	s31 =	sadd.s32 $0x17000, s19;
	[sflag:s17] =	ssyncadd.s32 $0xFFFFC800  }
0x2f: {  	[spmem:s2] =	stream.indirect.scatter.add.f32 [tilespmem:s16], [sflag:$0x2], $0x80, s31, s15, $0xb8;
	[tilespmem:$0x1D800] =	vst v63  }
0x30: {  	_ =	swait.ge [sflag:s12], $0x3800  }
0x31: {  	s18 =	sadd.s32 $0x1, s18;
	[sflag:s12] =	ssyncset.done $0x0  }
0x32: {  	p0 =	sne.s32 s18, s8;
	[sflag:s12] =	ssyncadd.s32 $0xFFFFC800  }
.Ltmp1:
0x33: {  	[bflag:$0x0] =	sbarrier.arrive $0xFFFF;
	(pc) =	sbr.rel @p0 .LBB2_1-.Ltmp1, $4  }
0x34: {  	[hbm:s7], [sflag:s13] =	dma.local [spmem:s14], $0x2800  }
0x35: {  	_ =	swait.ge [sflag:s12], $0x2800  }
0x36: {  	[sflag:s12] =	ssyncset.done $0x0  }
0x37: {  	[sflag:s12] =	ssyncadd.s32 $0xFFFFD800  }
0x38: {  	_ =	sfence.sel $0x180000  }
0x39: {  	[bflag:$0x0] =	sbarrier.arrive $0xFFFF  }
0x3a: {  	p0 =	sne.s32 s0, $0x0;
	_ =	strace $0x9000004D  }
0x3b: {  	s0 =	sadd.s32 @!p0 $0x100000, s1;
	[bflag:$0x2] =	sbarrier.arrive $0xFFFF  }
0x3c: {  	[sflag:s0] =	ssyncadd.tile.s32 @!p0 $0x1;
	_ =	shalt  }
.Lfunc_end2:
_tile_overlayer_lowered:
.L_overlay_start_2:
0x3d: {  	(tag) =	ssettag $0x2  }
0x3e: {  	s0 =	rddreg [dreg:$0x0];
	s2 =	stileid.u32  }
0x3f: {  	s1 =	rddreg [dreg:$0x1];
	p0 =	sne.s32 s2, $0x0  }
0x40: {  	s3 =	rddreg [dreg:$0x2];
	[bflag:$0x3] =	sbarrier.arrive $0xFFFF;
	s2 =	simm.s32 @!p0 $0x1C02  }
0x41: {  	[timem:s3], [sflag:s2] =	dma.local @!p0 [hbm:s0], s1  }
0x42: {  	s0 =	simm.s32 @!p0 $0x2  }
0x43: {  	_ =	swait.ge @!p0 [sflag:s0], s1  }
0x44: {  	s1 =	ssub.s32 @!p0 $0x0, s1;
	[sflag:s0] =	ssyncset.done @!p0 $0x0  }
0x45: {  	[sflag:s0] =	ssyncadd.s32 @!p0 s1  }
0x46: {  	[bflag:$0x3] =	sbarrier.arrive $0xFFFF  }
0x47: {  	_ =	shalt  }

// kernel: kernel.29.cloned.1.call-start
scs
__scs_entry_jumppad:
0x0: {  	(pc) =	sbr.rel $0x88, $3  }
0x1: {  	(tag) =	ssettag $0x0;
	lr =	simm.s32 $0x1  }
0x2: {  	[smem:$0x3F93] =	sst lr;
	_ =	strace $0xD0000000  }
0x3: {  	_ = 	snop  }
0x4: {  	_ = 	snop  }
0x5: {  	_ = 	snop  }
0x6: {  	_ = 	snop  }
0x7: {  	_ = 	snop  }
__scs_overlays_trampoline_lowered:
0x8: {  	[smem:$0x3FA2] =	sst s0  }
0x9: {  	[smem:$0x3FA3] =	sst s1  }
0xa: {  	[smem:$0x3FA4] =	sst s2  }
0xb: {  	[smem:$0x3FA5] =	sst s3  }
0xc: {  	[smem:$0x3FA6] =	sst s4  }
0xd: {  	[smem:$0x3FA7] =	sst s5  }
0xe: {  	[smem:$0x3FA8] =	sst s6  }
0xf: {  	[smem:$0x3FA9] =	sst s7  }
0x10: {  	[smem:$0x3FAA] =	sst s8  }
0x11: {  	[smem:$0x3FAB] =	sst s9;
	s0 =	simm.s32 @!p0 $0x0  }
0x12: {  	s1 =	sld [smem:$0x3F91];
	s0 =	simm.s32 @p0 $0x1  }
0x13: {  	[smem:$0x3FAC] =	sst s0;
	s0 =	simm.s32 @!p1 $0x0  }
0x14: {  	s2 =	sld [smem:$0x3F90];
	s0 =	simm.s32 @p1 $0x1  }
0x15: {  	[smem:$0x3FAD] =	sst s0;
	s0 =	simm.s32 @!p2 $0x0  }
0x16: {  	s3 =	sld [smem:$0x3FDB];
	s0 =	simm.s32 @p2 $0x1  }
0x17: {  	s4 =	simm.s32 $0x1BF5;
	[smem:$0x3FAF] =	sst s0  }
0x18: {  	s0 =	sld [smem:$0x3F92];
	_ =	swait.ge [sflag:s4], $0x0  }
0x19: {  	s7 =	sld [smem:$0x3F93]  }
0x1a: {  	s8 =	sadd.s32 $0xFFFFE003, lr  }
0x1b: {  	s9 =	sadd.s32 $0xFFFFFEF7, lr;
	s5 =	simm.s32 $0xFFFFFFFF;
	p2 =	slt.u32 s8, $0xFFFFF086  }
0x1c: {  	p1 =	slt.u32 s9, $0xF7A;
	s5 =	simm.s32 @!p2 $0x0  }
0x1d: {  	s5 =	simm.s32 @p1 $0x1;
	p0 =	seq.s32 s7, s2  }
0x1e: {  	s7 =	smul.u32 @!p0 $0xF7A, s2;
	p2 =	seq.s32 @!p0 s5, $0x0  }
0x1f: {  	s9 =	smul.u32 $0xF7A, s1;
	s8 =	simm.s32 @!p0 $0x1BF5;
	p2 =	por !p2, p0  }
0x20: {  	[sflag:s8] =	ssyncset.s32 @!p0 $0xFFFFF086;
	s6 =	sadd.s32 @!p0 s3, s7;
	s7 =	simm.s32 @!p0 $0x108  }
0x21: {  	s3 =	sadd.s32 s3, s9;
	s6 =	sadd.s32 @!p0 $0x88, s6;
	s7 =	simm.s32 @p2 $0x1082  }
0x22: {  	[simem:s7], [sflag:s8] =	dma.local @!p0 [hbm:s6], $0xF7A  }
0x23: {  	s9 =	sor.u32 $0xD0000000, s2;
	s6 =	simm.s32 $0x108;
	_ =	swait.ge @!p0 [sflag:s8], $0x0  }
0x24: {  	s3 =	sadd.s32 $0x88, s3;
	s6 =	simm.s32 @!p1 $0x1082;
	[sflag:s4] =	ssyncset.s32 $0xFFFFF086  }
0x25: {  	[simem:s6], [sflag:s4] =	dma.local [hbm:s3], $0xF7A  }
0x26: {  	[smem:$0x3F93] =	sst s1;
	(tag) =	ssettag s2;
	_ =	strace s9  }
0x27: {  	s1 =	sld [smem:$0x3FA3]  }
0x28: {  	s2 =	sld [smem:$0x3FA4]  }
0x29: {  	s4 =	sld [smem:$0x3FA6]  }
0x2a: {  	p0 =	seq.s32 s5, $0x0;
	s5 =	sld [smem:$0x3FA7]  }
0x2b: {  	s6 =	sld [smem:$0x3FA8]  }
0x2c: {  	s7 =	sld [smem:$0x3FA9]  }
0x2d: {  	s3 =	simm.s32 $0x108;
	s8 =	sld [smem:$0x3FAA]  }
0x2e: {  	s3 =	simm.s32 @!p0 $0x1082;
	s9 =	sld [smem:$0x3FAB]  }
0x2f: {  	lr =	sadd.s32 s0, s3;
	s0 =	sld [smem:$0x3FA2]  }
0x30: {  	s3 =	sld [smem:$0x3FA5]  }
0x31: {  	[smem:$0x3FAE] =	sst s10  }
0x32: {  	s10 =	sld [smem:$0x3FAC];
	_ =	sdelay $0x3  }
0x33: {  	p0 =	seq.s32 s10, $0x1;
	s10 =	sld [smem:$0x3FAE];
	_ =	sdelay $0x3  }
0x34: {  	[smem:$0x3FAE] =	sst s10  }
0x35: {  	s10 =	sld [smem:$0x3FAD];
	_ =	sdelay $0x3  }
0x36: {  	p1 =	seq.s32 s10, $0x1;
	s10 =	sld [smem:$0x3FAE];
	_ =	sdelay $0x3  }
0x37: {  	[smem:$0x3FAE] =	sst s10  }
0x38: {  	s10 =	sld [smem:$0x3FAF]  }
0x39: {  	_ = 	snop;
	(pc) =	sbr.ind lr, $3  }
0x3a: {  	_ = 	snop  }
0x3b: {  	_ = 	snop  }
0x3c: {  	p2 =	seq.s32 s10, $0x1;
	s10 =	sld [smem:$0x3FAE]  }
0x3d: {  	_ =	shalt  }
0x3e: {  	_ =	shalt  }
0x3f: {  	_ =	shalt  }
0x40: {  	_ =	shalt  }
0x41: {  	_ =	shalt  }
0x42: {  	_ =	shalt  }
0x43: {  	_ =	shalt  }
0x44: {  	_ =	shalt  }
0x45: {  	_ =	shalt  }
0x46: {  	_ =	shalt  }
0x47: {  	_ =	shalt  }
0x48: {  	_ =	shalt  }
0x49: {  	_ =	shalt  }
0x4a: {  	_ =	shalt  }
0x4b: {  	_ =	shalt  }
0x4c: {  	_ =	shalt  }
0x4d: {  	_ =	shalt  }
0x4e: {  	_ =	shalt  }
0x4f: {  	_ =	shalt  }
0x50: {  	_ =	shalt  }
0x51: {  	_ =	shalt  }
0x52: {  	_ =	shalt  }
0x53: {  	_ =	shalt  }
0x54: {  	_ =	shalt  }
0x55: {  	_ =	shalt  }
0x56: {  	_ =	shalt  }
0x57: {  	_ =	shalt  }
0x58: {  	_ =	shalt  }
0x59: {  	_ =	shalt  }
0x5a: {  	_ =	shalt  }
0x5b: {  	_ =	shalt  }
0x5c: {  	_ =	shalt  }
0x5d: {  	_ =	shalt  }
0x5e: {  	_ =	shalt  }
0x5f: {  	_ =	shalt  }
0x60: {  	_ =	shalt  }
0x61: {  	_ =	shalt  }
0x62: {  	_ =	shalt  }
0x63: {  	_ =	shalt  }
0x64: {  	_ =	shalt  }
0x65: {  	_ =	shalt  }
0x66: {  	_ =	shalt  }
0x67: {  	_ =	shalt  }
0x68: {  	_ =	shalt  }
0x69: {  	_ =	shalt  }
0x6a: {  	_ =	shalt  }
0x6b: {  	_ =	shalt  }
0x6c: {  	_ =	shalt  }
0x6d: {  	_ =	shalt  }
0x6e: {  	_ =	shalt  }
0x6f: {  	_ =	shalt  }
0x70: {  	_ =	shalt  }
0x71: {  	_ =	shalt  }
0x72: {  	_ =	shalt  }
0x73: {  	_ =	shalt  }
0x74: {  	_ =	shalt  }
0x75: {  	_ =	shalt  }
0x76: {  	_ =	shalt  }
0x77: {  	_ =	shalt  }
0x78: {  	_ =	shalt  }
0x79: {  	_ =	shalt  }
0x7a: {  	_ =	shalt  }
0x7b: {  	_ =	shalt  }
0x7c: {  	_ =	shalt  }
0x7d: {  	_ =	shalt  }
0x7e: {  	_ =	shalt  }
0x7f: {  	_ =	shalt  }
0x80: {  	_ =	shalt  }
0x81: {  	_ =	shalt  }
0x82: {  	_ =	shalt  }
0x83: {  	_ =	shalt  }
0x84: {  	_ =	shalt  }
0x85: {  	_ =	shalt  }
0x86: {  	_ =	shalt  }
0x87: {  	_ =	shalt  }
.Lfunc_end0:
.L_simem_size_0:
called_computation.4_lowered:
.L_overlay_start_0:
0x88: {  	s2 =	sld [smem:$0x3FD9]  }
0x89: {  	s3 =	sld [smem:$0x3FFE];
	_ =	sdelay $0x1  }
0x8a: {  	s1 =	srdreg.scid  }
0x8b: {  	s0 =	sand.u32 $0x1, s1  }
0x8c: {  	s16 =	sshll.u32 s0, $0xA;
	s2 =	sadd.s32 s3, s2  }
0x8d: {  	s2 =	sadd.s32 s2, s16  }
0x8e: {  	[smem:$0x3FBA] =	sst s2  }
0x8f: {  	_ = 	snop  }
0x90: {  	(tm) =	ssettm $0x1  }
0x91: {  	s17 =	sld [smem:$0x3FFB];
	_ =	sdelay $0x3  }
0x92: {  	_ =	strace s17  }
0x93: {  	s2 =	sld [smem:$0x3FFC];
	_ =	sdelay $0x3  }
0x94: {  	_ =	strace s2  }
0x95: {  	s2 =	sld [smem:$0x3FFD];
	_ =	sdelay $0x3  }
0x96: {  	_ =	strace s2  }
0x97: {  	_ =	strace $0x8FFFFFFF  }
0x98: {  	s18 =	sld [smem:$0x3FDB];
	_ =	sdelay $0x1  }
0x99: {  	s19 =	simm.s32 $_scs_section_size  }
0x9a: {  	s4 =	simm.s32 $_size__tile_overlayer_lowered;
	s5 =	simm.s32 $_tile_overlayer_lowered  }
0x9b: {  	s22 =	simm.s32 $0x1BFF;
	s21 =	sshll.u32 s5, $0x1;
	s2 =	sadd.s32 s19, s18  }
0x9c: {  	s6 =	simm.s32 $0x0;
	s20 =	sshll.u32 s4, $0x1;
	s4 =	sadd.s32 s21, s2  }
0x9d: {  	[timem:s6], [sflag:s22] =	dma.local [hbm:s4], s20  }
0x9e: {  	_ =	swait.ge [sflag:s22], s20  }
0x9f: {  	s3 =	ssub.s32 $0x0, s20;
	[sflag:s22] =	ssyncset.done $0x0  }
0xa0: {  	[sflag:s22] =	ssyncadd.s32 s3;
	_ =	sdelay $0x1  }
0xa1: {  	s23 =	simm.s32 $0x1B8B  }
0xa2: {  	_ =	swait.ge [sflag:s23], $0x1  }
0xa3: {  	[sflag:s23] =	ssyncset.done $0x0  }
0xa4: {  	s25 =	simm.s32 $0x1B8E;
	s24 =	sld [smem:$0x3FFE];
	[sflag:s23] =	ssyncadd.s32 $0xFFFFFFFF  }
0xa5: {  	s26 =	simm.s32 $execute0_lowered;
	[smem:$0x3FD2] =	sst s25  }
0xa6: {  	s4 =	sshll.u32 s26, $0x1;
	_ =	strace $0x8000004F;
	[dreg:$0x1] =	wrdreg $0xFFFFFFFF  }
0xa7: {  	s28 =	simm.s32 $_size_execute0_lowered;
	s2 =	sadd.s32 s2, s4;
	[dreg:$0x0] =	wrdreg $0x0  }
0xa8: {  	s4 =	sshll.u32 s28, $0x1;
	[dreg:$0x2] =	wrdreg s2  }
0xa9: {  	[dreg:$0x3] =	wrdreg s4  }
0xaa: {  	[dreg:$0x4] =	wrdreg $0xC0  }
0xab: {  	_ =	task [dreg:s6], $0x5FFFF  }
0xac: {  	[dreg:$0x1] =	wrdreg $0xFFFFFFFF  }
0xad: {  	[dreg:$0x0] =	wrdreg $0x60  }
0xae: {  	[dreg:$0x2] =	wrdreg s24  }
0xaf: {  	[dreg:$0x3] =	wrdreg $0x0  }
0xb0: {  	[dreg:$0x4] =	wrdreg $0xA  }
0xb1: {  	_ =	task.clear_ibuf [dreg:s6], $0x5FFFF;
	_ =	strace $0x9000004F  }
0xb2: {  	s29 =	simm.s32 $0xA;
	_ =	strace $0x80000051  }
0xb3: {  	_ =	swait.ge [sflag:s29], $0x1  }
0xb4: {  	[sflag:s29] =	ssyncadd.s32 $0xFFFFFFFF  }
0xb5: {  	_ =	strace $0x90000051  }
0xb6: {  	_ =	sfence  }
0xb7: {  	s30 =	sld [smem:$0x0];
	_ =	sdelay $0x2  }
0xb8: {  	s31 =	sshll.u32 s1, $0xD;
	s1 =	sshrl.u32 s1, $0x2  }
0xb9: {  	s3 =	sand.u32 $0x4000, s31;
	s1 =	sadd.s32 s1, s30  }
0xba: {  	s0 =	sor.u32 s3, s0;
	s1 =	sshll.u32 s1, $0x11  }
0xbb: {  	s0 =	sor.u32 s1, s0  }
0xbc: {  	s0 =	sadd.s32 $0x8F2B, s0  }
0xbd: {  	[sflag:s0] =	ssyncadd.remote.s32 $0x1  }
0xbe: {  	_ =	sfence.sel $0xFFFF  }
0xbf: {  	[dreg:$0x0] =	wrdreg $0xFFFFFFFF;
	(pc) =	sbr.abs _section_cstart, $3  }
0xc0: {  	[dreg:$0x1] =	wrdreg $0xFFFFFFFF  }
0xc1: {  	_ =	task.clear_ibuf [dreg:s6], $0x2FFFF;
	_ =	strace $0x9FFFFFFF  }
0xc2: {  	(tm) =	ssettm $0x7FFFFFFF  }
0xc3: {  	_ =	shalt  }
tec
execute0_lowered:
.L_overlay_start_1:
0x0: {  	(tag) =	ssettag $0x1  }
0x1: {  	s1 =	srdreg.scid  }
0x2: {  	s0 =	stileid.u32;
	s6 =	rddreg [dreg:$0x0]  }
0x3: {  	s2 =	rddreg [dreg:$0x1];
	s3 =	simm.s32 $0x0;
	s12 =	simm.s32 $0x2  }
0x4: {  	s15 =	simm.s32 $0x70;
	s16 =	simm.s32 $0x1A000;
	s17 =	simm.s32 $0x1  }
0x5: {  	s18 =	simm.s32 $0x0;
	s5 =	sand.u32 $0x1, s1;
	s1 =	rddreg [dreg:$0x2]  }
0x6: {  	s28 =	sshll.u32 s0, $0x1;
	[smem:$0x7FF] =	sst s3;
	s8 =	smul.u32 $0x2800, s0  }
0x7: {  	s11 =	smul.u32 $0x50000, s0;
	s13 =	sshll.u32 s0, $0x6;
	s4 =	sor.u32 s5, s28  }
0x8: {  	_ =	strace $0x80000050;
	s9 =	smul.u32 $0x28000, s5;
	s29 =	ssub.s32 $0x2, s5  }
0x9: {  	s5 =	sadd.s32 $0x44C00, s6;
	s13 =	sor.u32 $0x1C02, s13;
	s7 =	smul.u32 $0xC00, s4  }
0xa: {  	s4 =	sadd.s32 $0x1DA00, s6;
	s30 =	sshrl.u32 s29, $0x1;
	s31 =	sshrl.u32 s11, $0x2  }
0xb: {  	s11 =	simm.s32 $0x17000;
	s8 =	sadd.s32 s8, s9;
	s9 =	ssub.s32 s29, s30  }
0xc: {  	s14 =	sadd.s32 s31, s2;
	s10 =	sadd.s32 s7, s6;
	s8 =	sadd.s32 s8, s6  }
0xd: {  	s14 =	sshrl.u32 s14, $0x3;
	s6 =	sadd.s32 $0x5A00, s10;
	s7 =	sadd.s32 $0x47400, s8  }
0xe: {  	s8 =	smax.u32 s9, $0x1;
	s9 =	sadd.s32 $0x6000, s10;
	s10 =	simm.s32 $0x14000  }
.LBB2_1:
0xf: {  	[tilespmem:s10], [sflag:$0x2] =	stream.linear.gather [hbm4b:s6+s3], $0x2D00, $0x38;
	[tilespmem:$0x1D800] =	vst v63  }
0x10: {  	_ = 	snop  }
0x11: {  	[tilespmem:s11], [sflag:$0x2] =	stream.linear.gather [hbm4b:s9+s3], $0x2D00, $0x38;
	[tilespmem:$0x1D800] =	vst v63  }
0x12: {  	_ =	swait.ge [sflag:s12], $0x5A00  }
0x13: {  	[sflag:s12] =	ssyncset.done $0x0  }
0x14: {  	[sflag:s12] =	ssyncadd.s32 $0xFFFFA600  }
0x15: {  	[spmem:s14], [sflag:s13] =	dma.local [hbm:s5], $0x2800  }
0x16: {  	_ =	swait.ge [sflag:s12], $0x2800  }
0x17: {  	[sflag:s12] =	ssyncset.done $0x0  }
0x18: {  	[sflag:s12] =	ssyncadd.s32 $0xFFFFD800  }
0x19: {  	s19 =	simm.s32 $0x14000;
	[bflag:$0x0] =	sbarrier.arrive $0xFFFF  }
0x1a: {  	[tilespmem:s16], [sflag:$0x1] =	stream.indirect.gather [hbm4b:s4+s15], $0x80, s19, s15, $0xb8;
	[tilespmem:$0x1D800] =	vst v63  }
0x1b: {  	_ =	swait.ge [sflag:s17], $0x3800  }
0x1c: {  	[sflag:s17] =	ssyncset.done $0x0  }
0x1d: {  	s31 =	simm.s32 $0x17000;
	[sflag:s17] =	ssyncadd.s32 $0xFFFFC800  }
0x1e: {  	[spmem:s2] =	stream.indirect.scatter.add.f32 [tilespmem:s16], [sflag:$0x2], $0x80, s31, s15, $0xb8;
	[tilespmem:$0x1D800] =	vst v63  }
0x1f: {  	_ =	swait.ge [sflag:s12], $0x3800  }
0x20: {  	s20 =	simm.s32 $0x400;
	s19 =	simm.s32 $0x80;
	[sflag:s12] =	ssyncset.done $0x0  }
.LBB2_2:
0x21: {  	s21 =	sadd.s32 $0x14000, s19  }
0x22: {  	[sflag:s12] =	ssyncadd.s32 $0xFFFFC800;
	s22 =	smov.u32 s20;
	s23 =	sadd.s32 $0x200, s20  }
0x23: {  	[tilespmem:s16], [sflag:$0x1] =	stream.indirect.gather [hbm4b:s4+s15], $0x80, s21, s15, $0xb8;
	[tilespmem:$0x1D800] =	vst v63  }
0x24: {  	p0 =	sne.s32 s20, $0xB200;
	_ =	swait.ge [sflag:s17], $0x3800  }
.Ltmp0:
0x25: {  	[sflag:s17] =	ssyncset.done $0x0;
	(pc) =	sbr.rel @p0 .LBB2_2-.Ltmp0, $4  }
0x26: {  	s19 =	sadd.s32 $0x17000, s19;
	[sflag:s17] =	ssyncadd.s32 $0xFFFFC800  }
0x27: {  	[spmem:s2] =	stream.indirect.scatter.add.f32 [tilespmem:s16], [sflag:$0x2], $0x80, s19, s15, $0xb8;
	[tilespmem:$0x1D800] =	vst v63  }
0x28: {  	_ =	swait.ge [sflag:s12], $0x3800  }
0x29: {  	s20 =	smov.u32 s23;
	s19 =	sshra.s32 s22, $0x2;
	[sflag:s12] =	ssyncset.done $0x0  }
0x2a: {  	s20 =	sadd.s32 $0x14000, s19;
	[sflag:s12] =	ssyncadd.s32 $0xFFFFC800  }
0x2b: {  	[tilespmem:s16], [sflag:$0x1] =	stream.indirect.gather [hbm4b:s4+s15], $0x80, s20, s15, $0xb8;
	[tilespmem:$0x1D800] =	vst v63  }
0x2c: {  	_ =	swait.ge [sflag:s17], $0x3800  }
0x2d: {  	[sflag:s17] =	ssyncset.done $0x0  }
0x2e: {  	s31 =	sadd.s32 $0x17000, s19;
	[sflag:s17] =	ssyncadd.s32 $0xFFFFC800  }
0x2f: {  	[spmem:s2] =	stream.indirect.scatter.add.f32 [tilespmem:s16], [sflag:$0x2], $0x80, s31, s15, $0xb8;
	[tilespmem:$0x1D800] =	vst v63  }
0x30: {  	_ =	swait.ge [sflag:s12], $0x3800  }
0x31: {  	s18 =	sadd.s32 $0x1, s18;
	[sflag:s12] =	ssyncset.done $0x0  }
0x32: {  	p0 =	sne.s32 s18, s8;
	[sflag:s12] =	ssyncadd.s32 $0xFFFFC800  }
.Ltmp1:
0x33: {  	[bflag:$0x0] =	sbarrier.arrive $0xFFFF;
	(pc) =	sbr.rel @p0 .LBB2_1-.Ltmp1, $4  }
0x34: {  	[hbm:s7], [sflag:s13] =	dma.local [spmem:s14], $0x2800  }
0x35: {  	_ =	swait.ge [sflag:s12], $0x2800  }
0x36: {  	[sflag:s12] =	ssyncset.done $0x0  }
0x37: {  	[sflag:s12] =	ssyncadd.s32 $0xFFFFD800  }
0x38: {  	_ =	sfence.sel $0x180000  }
0x39: {  	[bflag:$0x0] =	sbarrier.arrive $0xFFFF  }
0x3a: {  	p0 =	sne.s32 s0, $0x0;
	_ =	strace $0x90000050  }
0x3b: {  	s0 =	sadd.s32 @!p0 $0x100000, s1;
	[bflag:$0x2] =	sbarrier.arrive $0xFFFF  }
0x3c: {  	[sflag:s0] =	ssyncadd.tile.s32 @!p0 $0x1;
	_ =	shalt  }
.Lfunc_end2:
_tile_overlayer_lowered:
.L_overlay_start_2:
0x3d: {  	(tag) =	ssettag $0x2  }
0x3e: {  	s0 =	rddreg [dreg:$0x0];
	s2 =	stileid.u32  }
0x3f: {  	s1 =	rddreg [dreg:$0x1];
	p0 =	sne.s32 s2, $0x0  }
0x40: {  	s3 =	rddreg [dreg:$0x2];
	[bflag:$0x3] =	sbarrier.arrive $0xFFFF;
	s2 =	simm.s32 @!p0 $0x1C02  }
0x41: {  	[timem:s3], [sflag:s2] =	dma.local @!p0 [hbm:s0], s1  }
0x42: {  	s0 =	simm.s32 @!p0 $0x2  }
0x43: {  	_ =	swait.ge @!p0 [sflag:s0], s1  }
0x44: {  	s1 =	ssub.s32 @!p0 $0x0, s1;
	[sflag:s0] =	ssyncset.done @!p0 $0x0  }
0x45: {  	[sflag:s0] =	ssyncadd.s32 @!p0 s1  }
0x46: {  	[bflag:$0x3] =	sbarrier.arrive $0xFFFF  }
0x47: {  	_ =	shalt  }

// kernel: kernel.32.cloned.1.call-start
scs
__scs_entry_jumppad:
0x0: {  	(pc) =	sbr.rel $0x88, $3  }
0x1: {  	(tag) =	ssettag $0x0;
	lr =	simm.s32 $0x1  }
0x2: {  	[smem:$0x3F93] =	sst lr;
	_ =	strace $0xD0000000  }
0x3: {  	_ = 	snop  }
0x4: {  	_ = 	snop  }
0x5: {  	_ = 	snop  }
0x6: {  	_ = 	snop  }
0x7: {  	_ = 	snop  }
__scs_overlays_trampoline_lowered:
0x8: {  	[smem:$0x3FA2] =	sst s0  }
0x9: {  	[smem:$0x3FA3] =	sst s1  }
0xa: {  	[smem:$0x3FA4] =	sst s2  }
0xb: {  	[smem:$0x3FA5] =	sst s3  }
0xc: {  	[smem:$0x3FA6] =	sst s4  }
0xd: {  	[smem:$0x3FA7] =	sst s5  }
0xe: {  	[smem:$0x3FA8] =	sst s6  }
0xf: {  	[smem:$0x3FA9] =	sst s7  }
0x10: {  	[smem:$0x3FAA] =	sst s8  }
0x11: {  	[smem:$0x3FAB] =	sst s9;
	s0 =	simm.s32 @!p0 $0x0  }
0x12: {  	s1 =	sld [smem:$0x3F91];
	s0 =	simm.s32 @p0 $0x1  }
0x13: {  	[smem:$0x3FAC] =	sst s0;
	s0 =	simm.s32 @!p1 $0x0  }
0x14: {  	s2 =	sld [smem:$0x3F90];
	s0 =	simm.s32 @p1 $0x1  }
0x15: {  	[smem:$0x3FAD] =	sst s0;
	s0 =	simm.s32 @!p2 $0x0  }
0x16: {  	s3 =	sld [smem:$0x3FDB];
	s0 =	simm.s32 @p2 $0x1  }
0x17: {  	s4 =	simm.s32 $0x1BF5;
	[smem:$0x3FAF] =	sst s0  }
0x18: {  	s0 =	sld [smem:$0x3F92];
	_ =	swait.ge [sflag:s4], $0x0  }
0x19: {  	s7 =	sld [smem:$0x3F93]  }
0x1a: {  	s8 =	sadd.s32 $0xFFFFE003, lr  }
0x1b: {  	s9 =	sadd.s32 $0xFFFFFEF7, lr;
	s5 =	simm.s32 $0xFFFFFFFF;
	p2 =	slt.u32 s8, $0xFFFFF086  }
0x1c: {  	p1 =	slt.u32 s9, $0xF7A;
	s5 =	simm.s32 @!p2 $0x0  }
0x1d: {  	s5 =	simm.s32 @p1 $0x1;
	p0 =	seq.s32 s7, s2  }
0x1e: {  	s7 =	smul.u32 @!p0 $0xF7A, s2;
	p2 =	seq.s32 @!p0 s5, $0x0  }
0x1f: {  	s9 =	smul.u32 $0xF7A, s1;
	s8 =	simm.s32 @!p0 $0x1BF5;
	p2 =	por !p2, p0  }
0x20: {  	[sflag:s8] =	ssyncset.s32 @!p0 $0xFFFFF086;
	s6 =	sadd.s32 @!p0 s3, s7;
	s7 =	simm.s32 @!p0 $0x108  }
0x21: {  	s3 =	sadd.s32 s3, s9;
	s6 =	sadd.s32 @!p0 $0x88, s6;
	s7 =	simm.s32 @p2 $0x1082  }
0x22: {  	[simem:s7], [sflag:s8] =	dma.local @!p0 [hbm:s6], $0xF7A  }
0x23: {  	s9 =	sor.u32 $0xD0000000, s2;
	s6 =	simm.s32 $0x108;
	_ =	swait.ge @!p0 [sflag:s8], $0x0  }
0x24: {  	s3 =	sadd.s32 $0x88, s3;
	s6 =	simm.s32 @!p1 $0x1082;
	[sflag:s4] =	ssyncset.s32 $0xFFFFF086  }
0x25: {  	[simem:s6], [sflag:s4] =	dma.local [hbm:s3], $0xF7A  }
0x26: {  	[smem:$0x3F93] =	sst s1;
	(tag) =	ssettag s2;
	_ =	strace s9  }
0x27: {  	s1 =	sld [smem:$0x3FA3]  }
0x28: {  	s2 =	sld [smem:$0x3FA4]  }
0x29: {  	s4 =	sld [smem:$0x3FA6]  }
0x2a: {  	p0 =	seq.s32 s5, $0x0;
	s5 =	sld [smem:$0x3FA7]  }
0x2b: {  	s6 =	sld [smem:$0x3FA8]  }
0x2c: {  	s7 =	sld [smem:$0x3FA9]  }
0x2d: {  	s3 =	simm.s32 $0x108;
	s8 =	sld [smem:$0x3FAA]  }
0x2e: {  	s3 =	simm.s32 @!p0 $0x1082;
	s9 =	sld [smem:$0x3FAB]  }
0x2f: {  	lr =	sadd.s32 s0, s3;
	s0 =	sld [smem:$0x3FA2]  }
0x30: {  	s3 =	sld [smem:$0x3FA5]  }
0x31: {  	[smem:$0x3FAE] =	sst s10  }
0x32: {  	s10 =	sld [smem:$0x3FAC];
	_ =	sdelay $0x3  }
0x33: {  	p0 =	seq.s32 s10, $0x1;
	s10 =	sld [smem:$0x3FAE];
	_ =	sdelay $0x3  }
0x34: {  	[smem:$0x3FAE] =	sst s10  }
0x35: {  	s10 =	sld [smem:$0x3FAD];
	_ =	sdelay $0x3  }
0x36: {  	p1 =	seq.s32 s10, $0x1;
	s10 =	sld [smem:$0x3FAE];
	_ =	sdelay $0x3  }
0x37: {  	[smem:$0x3FAE] =	sst s10  }
0x38: {  	s10 =	sld [smem:$0x3FAF]  }
0x39: {  	_ = 	snop;
	(pc) =	sbr.ind lr, $3  }
0x3a: {  	_ = 	snop  }
0x3b: {  	_ = 	snop  }
0x3c: {  	p2 =	seq.s32 s10, $0x1;
	s10 =	sld [smem:$0x3FAE]  }
0x3d: {  	_ =	shalt  }
0x3e: {  	_ =	shalt  }
0x3f: {  	_ =	shalt  }
0x40: {  	_ =	shalt  }
0x41: {  	_ =	shalt  }
0x42: {  	_ =	shalt  }
0x43: {  	_ =	shalt  }
0x44: {  	_ =	shalt  }
0x45: {  	_ =	shalt  }
0x46: {  	_ =	shalt  }
0x47: {  	_ =	shalt  }
0x48: {  	_ =	shalt  }
0x49: {  	_ =	shalt  }
0x4a: {  	_ =	shalt  }
0x4b: {  	_ =	shalt  }
0x4c: {  	_ =	shalt  }
0x4d: {  	_ =	shalt  }
0x4e: {  	_ =	shalt  }
0x4f: {  	_ =	shalt  }
0x50: {  	_ =	shalt  }
0x51: {  	_ =	shalt  }
0x52: {  	_ =	shalt  }
0x53: {  	_ =	shalt  }
0x54: {  	_ =	shalt  }
0x55: {  	_ =	shalt  }
0x56: {  	_ =	shalt  }
0x57: {  	_ =	shalt  }
0x58: {  	_ =	shalt  }
0x59: {  	_ =	shalt  }
0x5a: {  	_ =	shalt  }
0x5b: {  	_ =	shalt  }
0x5c: {  	_ =	shalt  }
0x5d: {  	_ =	shalt  }
0x5e: {  	_ =	shalt  }
0x5f: {  	_ =	shalt  }
0x60: {  	_ =	shalt  }
0x61: {  	_ =	shalt  }
0x62: {  	_ =	shalt  }
0x63: {  	_ =	shalt  }
0x64: {  	_ =	shalt  }
0x65: {  	_ =	shalt  }
0x66: {  	_ =	shalt  }
0x67: {  	_ =	shalt  }
0x68: {  	_ =	shalt  }
0x69: {  	_ =	shalt  }
0x6a: {  	_ =	shalt  }
0x6b: {  	_ =	shalt  }
0x6c: {  	_ =	shalt  }
0x6d: {  	_ =	shalt  }
0x6e: {  	_ =	shalt  }
0x6f: {  	_ =	shalt  }
0x70: {  	_ =	shalt  }
0x71: {  	_ =	shalt  }
0x72: {  	_ =	shalt  }
0x73: {  	_ =	shalt  }
0x74: {  	_ =	shalt  }
0x75: {  	_ =	shalt  }
0x76: {  	_ =	shalt  }
0x77: {  	_ =	shalt  }
0x78: {  	_ =	shalt  }
0x79: {  	_ =	shalt  }
0x7a: {  	_ =	shalt  }
0x7b: {  	_ =	shalt  }
0x7c: {  	_ =	shalt  }
0x7d: {  	_ =	shalt  }
0x7e: {  	_ =	shalt  }
0x7f: {  	_ =	shalt  }
0x80: {  	_ =	shalt  }
0x81: {  	_ =	shalt  }
0x82: {  	_ =	shalt  }
0x83: {  	_ =	shalt  }
0x84: {  	_ =	shalt  }
0x85: {  	_ =	shalt  }
0x86: {  	_ =	shalt  }
0x87: {  	_ =	shalt  }
.Lfunc_end0:
.L_simem_size_0:
called_computation.5_lowered:
.L_overlay_start_0:
0x88: {  	s2 =	sld [smem:$0x3FD9]  }
0x89: {  	s3 =	sld [smem:$0x3FFE];
	_ =	sdelay $0x1  }
0x8a: {  	s1 =	srdreg.scid  }
0x8b: {  	s0 =	sand.u32 $0x1, s1  }
0x8c: {  	s17 =	sshll.u32 s0, $0xA;
	s2 =	sadd.s32 s3, s2  }
0x8d: {  	s2 =	sadd.s32 s2, s17  }
0x8e: {  	[smem:$0x3FBA] =	sst s2  }
0x8f: {  	_ = 	snop  }
0x90: {  	(tm) =	ssettm $0x1  }
0x91: {  	s18 =	sld [smem:$0x3FFB];
	_ =	sdelay $0x3  }
0x92: {  	_ =	strace s18  }
0x93: {  	s2 =	sld [smem:$0x3FFC];
	_ =	sdelay $0x3  }
0x94: {  	_ =	strace s2  }
0x95: {  	s2 =	sld [smem:$0x3FFD];
	_ =	sdelay $0x3  }
0x96: {  	_ =	strace s2  }
0x97: {  	_ =	strace $0x8FFFFFFF  }
0x98: {  	s19 =	sld [smem:$0x3FDB];
	_ =	sdelay $0x1  }
0x99: {  	s20 =	simm.s32 $_scs_section_size  }
0x9a: {  	s4 =	simm.s32 $_size__tile_overlayer_lowered;
	s5 =	simm.s32 $_tile_overlayer_lowered  }
0x9b: {  	s6 =	simm.s32 $0x1BFF;
	s21 =	sshll.u32 s5, $0x1;
	s3 =	sadd.s32 s20, s19  }
0x9c: {  	s22 =	simm.s32 $0x0;
	s4 =	sshll.u32 s4, $0x1;
	s5 =	sadd.s32 s21, s3  }
0x9d: {  	[timem:s22], [sflag:s6] =	dma.local [hbm:s5], s4  }
0x9e: {  	_ =	swait.ge [sflag:s6], s4  }
0x9f: {  	s4 =	ssub.s32 $0x0, s4;
	[sflag:s6] =	ssyncset.done $0x0  }
0xa0: {  	[sflag:s6] =	ssyncadd.s32 s4;
	_ =	sdelay $0x1  }
0xa1: {  	s23 =	simm.s32 $0x1B8B  }
0xa2: {  	_ =	swait.ge [sflag:s23], $0x1  }
0xa3: {  	[sflag:s23] =	ssyncset.done $0x0  }
0xa4: {  	[sflag:s23] =	ssyncadd.s32 $0xFFFFFFFF  }
0xa5: {  	s4 =	sld [smem:$0x0]  }
0xa6: {  	s5 =	sand.u32 $0xFFFFFFFE, s1  }
0xa7: {  	p0 =	sne.s32 s1, s5  }
0xa8: {  	s5 =	sshll.u32 @p0 s5, $0xE  }
0xa9: {  	s5 =	sadd.s32 @p0 $0x11B8D, s5;
	s6 =	sshll.u32 @p0 s4, $0x11  }
0xaa: {  	s5 =	sor.u32 @p0 s6, s5  }
0xab: {  	[sflag:s5] =	ssyncadd.remote.s32 @p0 $0x1;
	_ =	sdelay $0x1  }
0xac: {  	s5 =	simm.s32 @p0 $0x1B8D  }
0xad: {  	_ =	swait.eq @p0 [sflag:s5], $0x1  }
0xae: {  	[sflag:s5] =	ssyncadd.s32 @p0 $0xFFFFFFFF  }
0xaf: {  	s6 =	sshll.u32 @!p0 s1, $0xE  }
0xb0: {  	s6 =	sor.u32 @!p0 $0x4000, s6;
	s5 =	simm.s32 @!p0 $0x1B8D  }
0xb1: {  	s4 =	sshll.u32 @!p0 s4, $0x11;
	s6 =	sadd.s32 @!p0 $0x11B8D, s6;
	_ =	swait.eq @!p0 [sflag:s5], $0x1  }
0xb2: {  	s4 =	sor.u32 @!p0 s4, s6;
	[sflag:s5] =	ssyncadd.s32 @!p0 $0xFFFFFFFF  }
0xb3: {  	s25 =	simm.s32 $0x1B8E;
	s24 =	sld [smem:$0x3FFE];
	[sflag:s4] =	ssyncadd.remote.s32 @!p0 $0x1  }
0xb4: {  	s26 =	simm.s32 $execute0_lowered;
	[smem:$0x3FD2] =	sst s25  }
0xb5: {  	s5 =	sshll.u32 s26, $0x1;
	_ =	strace $0x80000055;
	[dreg:$0x1] =	wrdreg $0xFFFFFFFF  }
0xb6: {  	s28 =	simm.s32 $_size_execute0_lowered;
	s3 =	sadd.s32 s3, s5;
	[dreg:$0x0] =	wrdreg $0x0  }
0xb7: {  	s5 =	sshll.u32 s28, $0x1;
	[dreg:$0x2] =	wrdreg s3  }
0xb8: {  	[dreg:$0x3] =	wrdreg s5  }
0xb9: {  	[dreg:$0x4] =	wrdreg $0xC0  }
0xba: {  	_ =	task [dreg:s22], $0x5FFFF  }
0xbb: {  	[dreg:$0x1] =	wrdreg $0xFFFFFFFF  }
0xbc: {  	[dreg:$0x0] =	wrdreg $0x60  }
0xbd: {  	[dreg:$0x2] =	wrdreg s24  }
0xbe: {  	[dreg:$0x3] =	wrdreg $0x0  }
0xbf: {  	[dreg:$0x4] =	wrdreg $0xA  }
0xc0: {  	_ =	task.clear_ibuf [dreg:s22], $0x5FFFF;
	_ =	strace $0x90000055  }
0xc1: {  	s29 =	simm.s32 $0xA;
	_ =	strace $0x80000057  }
0xc2: {  	_ =	swait.ge [sflag:s29], $0x1  }
0xc3: {  	[sflag:s29] =	ssyncadd.s32 $0xFFFFFFFF  }
0xc4: {  	_ =	strace $0x90000057  }
0xc5: {  	_ =	sfence  }
0xc6: {  	s30 =	sld [smem:$0x0];
	_ =	sdelay $0x2  }
0xc7: {  	s31 =	sshll.u32 s1, $0xD;
	s1 =	sshrl.u32 s1, $0x2  }
0xc8: {  	s4 =	sand.u32 $0x4000, s31;
	s1 =	sadd.s32 s1, s30  }
0xc9: {  	s0 =	sor.u32 s4, s0;
	s1 =	sshll.u32 s1, $0x11  }
0xca: {  	s0 =	sor.u32 s1, s0  }
0xcb: {  	s0 =	sadd.s32 $0x8F2B, s0  }
0xcc: {  	[sflag:s0] =	ssyncadd.remote.s32 $0x1  }
0xcd: {  	_ =	sfence.sel $0xFFFF  }
0xce: {  	[dreg:$0x0] =	wrdreg $0xFFFFFFFF;
	(pc) =	sbr.abs _section_cstart, $3  }
0xcf: {  	[dreg:$0x1] =	wrdreg $0xFFFFFFFF  }
0xd0: {  	_ =	task.clear_ibuf [dreg:s22], $0x2FFFF;
	_ =	strace $0x9FFFFFFF  }
0xd1: {  	(tm) =	ssettm $0x7FFFFFFF  }
tec
execute0_lowered:
.L_overlay_start_1:
0x0: {  	(tag) =	ssettag $0x1  }
0x1: {  	s1 =	srdreg.scid  }
0x2: {  	s0 =	stileid.u32;
	s6 =	rddreg [dreg:$0x0]  }
0x3: {  	s2 =	rddreg [dreg:$0x1];
	s3 =	simm.s32 $0x0;
	s12 =	simm.s32 $0x2  }
0x4: {  	s15 =	simm.s32 $0x70;
	s16 =	simm.s32 $0x1A000;
	s17 =	simm.s32 $0x1  }
0x5: {  	s18 =	simm.s32 $0x0;
	s5 =	sand.u32 $0x1, s1;
	s1 =	rddreg [dreg:$0x2]  }
0x6: {  	s28 =	sshll.u32 s0, $0x1;
	[smem:$0x7FF] =	sst s3;
	s8 =	smul.u32 $0x2800, s0  }
0x7: {  	s11 =	smul.u32 $0x50000, s0;
	s13 =	sshll.u32 s0, $0x6;
	s4 =	sor.u32 s5, s28  }
0x8: {  	_ =	strace $0x80000056;
	s9 =	smul.u32 $0x28000, s5;
	s29 =	ssub.s32 $0x2, s5  }
0x9: {  	s5 =	sadd.s32 $0x44C00, s6;
	s13 =	sor.u32 $0x1C02, s13;
	s7 =	smul.u32 $0xC00, s4  }
0xa: {  	s4 =	sadd.s32 $0x1DA00, s6;
	s30 =	sshrl.u32 s29, $0x1;
	s31 =	sshrl.u32 s11, $0x2  }
0xb: {  	s11 =	simm.s32 $0x17000;
	s8 =	sadd.s32 s8, s9;
	s9 =	ssub.s32 s29, s30  }
0xc: {  	s14 =	sadd.s32 s31, s2;
	s10 =	sadd.s32 s7, s6;
	s8 =	sadd.s32 s8, s6  }
0xd: {  	s14 =	sshrl.u32 s14, $0x3;
	s6 =	sadd.s32 $0x5A00, s10;
	s7 =	sadd.s32 $0x47400, s8  }
0xe: {  	s8 =	smax.u32 s9, $0x1;
	s9 =	sadd.s32 $0x6000, s10;
	s10 =	simm.s32 $0x14000  }
.LBB2_1:
0xf: {  	[tilespmem:s10], [sflag:$0x2] =	stream.linear.gather [hbm4b:s6+s3], $0x2D00, $0x38;
	[tilespmem:$0x1D800] =	vst v63  }
0x10: {  	_ = 	snop  }
0x11: {  	[tilespmem:s11], [sflag:$0x2] =	stream.linear.gather [hbm4b:s9+s3], $0x2D00, $0x38;
	[tilespmem:$0x1D800] =	vst v63  }
0x12: {  	_ =	swait.ge [sflag:s12], $0x5A00  }
0x13: {  	[sflag:s12] =	ssyncset.done $0x0  }
0x14: {  	[sflag:s12] =	ssyncadd.s32 $0xFFFFA600  }
0x15: {  	[spmem:s14], [sflag:s13] =	dma.local [hbm:s5], $0x2800  }
0x16: {  	_ =	swait.ge [sflag:s12], $0x2800  }
0x17: {  	[sflag:s12] =	ssyncset.done $0x0  }
0x18: {  	[sflag:s12] =	ssyncadd.s32 $0xFFFFD800  }
0x19: {  	s19 =	simm.s32 $0x14000;
	[bflag:$0x0] =	sbarrier.arrive $0xFFFF  }
0x1a: {  	[tilespmem:s16], [sflag:$0x1] =	stream.indirect.gather [hbm4b:s4+s15], $0x80, s19, s15, $0xb8;
	[tilespmem:$0x1D800] =	vst v63  }
0x1b: {  	_ =	swait.ge [sflag:s17], $0x3800  }
0x1c: {  	[sflag:s17] =	ssyncset.done $0x0  }
0x1d: {  	s31 =	simm.s32 $0x17000;
	[sflag:s17] =	ssyncadd.s32 $0xFFFFC800  }
0x1e: {  	[spmem:s2] =	stream.indirect.scatter.add.f32 [tilespmem:s16], [sflag:$0x2], $0x80, s31, s15, $0xb8;
	[tilespmem:$0x1D800] =	vst v63  }
0x1f: {  	_ =	swait.ge [sflag:s12], $0x3800  }
0x20: {  	s20 =	simm.s32 $0x400;
	s19 =	simm.s32 $0x80;
	[sflag:s12] =	ssyncset.done $0x0  }
.LBB2_2:
0x21: {  	s21 =	sadd.s32 $0x14000, s19  }
0x22: {  	[sflag:s12] =	ssyncadd.s32 $0xFFFFC800;
	s22 =	smov.u32 s20;
	s23 =	sadd.s32 $0x200, s20  }
0x23: {  	[tilespmem:s16], [sflag:$0x1] =	stream.indirect.gather [hbm4b:s4+s15], $0x80, s21, s15, $0xb8;
	[tilespmem:$0x1D800] =	vst v63  }
0x24: {  	p0 =	sne.s32 s20, $0xB200;
	_ =	swait.ge [sflag:s17], $0x3800  }
.Ltmp0:
0x25: {  	[sflag:s17] =	ssyncset.done $0x0;
	(pc) =	sbr.rel @p0 .LBB2_2-.Ltmp0, $4  }
0x26: {  	s19 =	sadd.s32 $0x17000, s19;
	[sflag:s17] =	ssyncadd.s32 $0xFFFFC800  }
0x27: {  	[spmem:s2] =	stream.indirect.scatter.add.f32 [tilespmem:s16], [sflag:$0x2], $0x80, s19, s15, $0xb8;
	[tilespmem:$0x1D800] =	vst v63  }
0x28: {  	_ =	swait.ge [sflag:s12], $0x3800  }
0x29: {  	s20 =	smov.u32 s23;
	s19 =	sshra.s32 s22, $0x2;
	[sflag:s12] =	ssyncset.done $0x0  }
0x2a: {  	s20 =	sadd.s32 $0x14000, s19;
	[sflag:s12] =	ssyncadd.s32 $0xFFFFC800  }
0x2b: {  	[tilespmem:s16], [sflag:$0x1] =	stream.indirect.gather [hbm4b:s4+s15], $0x80, s20, s15, $0xb8;
	[tilespmem:$0x1D800] =	vst v63  }
0x2c: {  	_ =	swait.ge [sflag:s17], $0x3800  }
0x2d: {  	[sflag:s17] =	ssyncset.done $0x0  }
0x2e: {  	s31 =	sadd.s32 $0x17000, s19;
	[sflag:s17] =	ssyncadd.s32 $0xFFFFC800  }
0x2f: {  	[spmem:s2] =	stream.indirect.scatter.add.f32 [tilespmem:s16], [sflag:$0x2], $0x80, s31, s15, $0xb8;
	[tilespmem:$0x1D800] =	vst v63  }
0x30: {  	_ =	swait.ge [sflag:s12], $0x3800  }
0x31: {  	s18 =	sadd.s32 $0x1, s18;
	[sflag:s12] =	ssyncset.done $0x0  }
0x32: {  	p0 =	sne.s32 s18, s8;
	[sflag:s12] =	ssyncadd.s32 $0xFFFFC800  }
.Ltmp1:
0x33: {  	[bflag:$0x0] =	sbarrier.arrive $0xFFFF;
	(pc) =	sbr.rel @p0 .LBB2_1-.Ltmp1, $4  }
0x34: {  	[hbm:s7], [sflag:s13] =	dma.local [spmem:s14], $0x2800  }
0x35: {  	_ =	swait.ge [sflag:s12], $0x2800  }
0x36: {  	[sflag:s12] =	ssyncset.done $0x0  }
0x37: {  	[sflag:s12] =	ssyncadd.s32 $0xFFFFD800  }
0x38: {  	_ =	sfence.sel $0x180000  }
0x39: {  	[bflag:$0x0] =	sbarrier.arrive $0xFFFF  }
0x3a: {  	p0 =	sne.s32 s0, $0x0;
	_ =	strace $0x90000056  }
0x3b: {  	s0 =	sadd.s32 @!p0 $0x100000, s1;
	[bflag:$0x2] =	sbarrier.arrive $0xFFFF  }
0x3c: {  	[sflag:s0] =	ssyncadd.tile.s32 @!p0 $0x1;
	_ =	shalt  }
.Lfunc_end2:
_tile_overlayer_lowered:
.L_overlay_start_2:
0x3d: {  	(tag) =	ssettag $0x2  }
0x3e: {  	s0 =	rddreg [dreg:$0x0];
	s2 =	stileid.u32  }
0x3f: {  	s1 =	rddreg [dreg:$0x1];
	p0 =	sne.s32 s2, $0x0  }
0x40: {  	s3 =	rddreg [dreg:$0x2];
	[bflag:$0x3] =	sbarrier.arrive $0xFFFF;
	s2 =	simm.s32 @!p0 $0x1C02  }
0x41: {  	[timem:s3], [sflag:s2] =	dma.local @!p0 [hbm:s0], s1  }
0x42: {  	s0 =	simm.s32 @!p0 $0x2  }
0x43: {  	_ =	swait.ge @!p0 [sflag:s0], s1  }
0x44: {  	s1 =	ssub.s32 @!p0 $0x0, s1;
	[sflag:s0] =	ssyncset.done @!p0 $0x0  }
0x45: {  	[sflag:s0] =	ssyncadd.s32 @!p0 s1  }
0x46: {  	[bflag:$0x3] =	sbarrier.arrive $0xFFFF  }
0x47: {  	_ =	shalt  }

// kernel: kernel.35.cloned.1.call-start
scs
__scs_entry_jumppad:
0x0: {  	(pc) =	sbr.rel $0x88, $3  }
0x1: {  	(tag) =	ssettag $0x0;
	lr =	simm.s32 $0x1  }
0x2: {  	[smem:$0x3F93] =	sst lr;
	_ =	strace $0xD0000000  }
0x3: {  	_ = 	snop  }
0x4: {  	_ = 	snop  }
0x5: {  	_ = 	snop  }
0x6: {  	_ = 	snop  }
0x7: {  	_ = 	snop  }
__scs_overlays_trampoline_lowered:
0x8: {  	[smem:$0x3FA2] =	sst s0  }
0x9: {  	[smem:$0x3FA3] =	sst s1  }
0xa: {  	[smem:$0x3FA4] =	sst s2  }
0xb: {  	[smem:$0x3FA5] =	sst s3  }
0xc: {  	[smem:$0x3FA6] =	sst s4  }
0xd: {  	[smem:$0x3FA7] =	sst s5  }
0xe: {  	[smem:$0x3FA8] =	sst s6  }
0xf: {  	[smem:$0x3FA9] =	sst s7  }
0x10: {  	[smem:$0x3FAA] =	sst s8  }
0x11: {  	[smem:$0x3FAB] =	sst s9;
	s0 =	simm.s32 @!p0 $0x0  }
0x12: {  	s1 =	sld [smem:$0x3F91];
	s0 =	simm.s32 @p0 $0x1  }
0x13: {  	[smem:$0x3FAC] =	sst s0;
	s0 =	simm.s32 @!p1 $0x0  }
0x14: {  	s2 =	sld [smem:$0x3F90];
	s0 =	simm.s32 @p1 $0x1  }
0x15: {  	[smem:$0x3FAD] =	sst s0;
	s0 =	simm.s32 @!p2 $0x0  }
0x16: {  	s3 =	sld [smem:$0x3FDB];
	s0 =	simm.s32 @p2 $0x1  }
0x17: {  	s4 =	simm.s32 $0x1BF5;
	[smem:$0x3FAF] =	sst s0  }
0x18: {  	s0 =	sld [smem:$0x3F92];
	_ =	swait.ge [sflag:s4], $0x0  }
0x19: {  	s7 =	sld [smem:$0x3F93]  }
0x1a: {  	s8 =	sadd.s32 $0xFFFFE003, lr  }
0x1b: {  	s9 =	sadd.s32 $0xFFFFFEF7, lr;
	s5 =	simm.s32 $0xFFFFFFFF;
	p2 =	slt.u32 s8, $0xFFFFF086  }
0x1c: {  	p1 =	slt.u32 s9, $0xF7A;
	s5 =	simm.s32 @!p2 $0x0  }
0x1d: {  	s5 =	simm.s32 @p1 $0x1;
	p0 =	seq.s32 s7, s2  }
0x1e: {  	s7 =	smul.u32 @!p0 $0xF7A, s2;
	p2 =	seq.s32 @!p0 s5, $0x0  }
0x1f: {  	s9 =	smul.u32 $0xF7A, s1;
	s8 =	simm.s32 @!p0 $0x1BF5;
	p2 =	por !p2, p0  }
0x20: {  	[sflag:s8] =	ssyncset.s32 @!p0 $0xFFFFF086;
	s6 =	sadd.s32 @!p0 s3, s7;
	s7 =	simm.s32 @!p0 $0x108  }
0x21: {  	s3 =	sadd.s32 s3, s9;
	s6 =	sadd.s32 @!p0 $0x88, s6;
	s7 =	simm.s32 @p2 $0x1082  }
0x22: {  	[simem:s7], [sflag:s8] =	dma.local @!p0 [hbm:s6], $0xF7A  }
0x23: {  	s9 =	sor.u32 $0xD0000000, s2;
	s6 =	simm.s32 $0x108;
	_ =	swait.ge @!p0 [sflag:s8], $0x0  }
0x24: {  	s3 =	sadd.s32 $0x88, s3;
	s6 =	simm.s32 @!p1 $0x1082;
	[sflag:s4] =	ssyncset.s32 $0xFFFFF086  }
0x25: {  	[simem:s6], [sflag:s4] =	dma.local [hbm:s3], $0xF7A  }
0x26: {  	[smem:$0x3F93] =	sst s1;
	(tag) =	ssettag s2;
	_ =	strace s9  }
0x27: {  	s1 =	sld [smem:$0x3FA3]  }
0x28: {  	s2 =	sld [smem:$0x3FA4]  }
0x29: {  	s4 =	sld [smem:$0x3FA6]  }
0x2a: {  	p0 =	seq.s32 s5, $0x0;
	s5 =	sld [smem:$0x3FA7]  }
0x2b: {  	s6 =	sld [smem:$0x3FA8]  }
0x2c: {  	s7 =	sld [smem:$0x3FA9]  }
0x2d: {  	s3 =	simm.s32 $0x108;
	s8 =	sld [smem:$0x3FAA]  }
0x2e: {  	s3 =	simm.s32 @!p0 $0x1082;
	s9 =	sld [smem:$0x3FAB]  }
0x2f: {  	lr =	sadd.s32 s0, s3;
	s0 =	sld [smem:$0x3FA2]  }
0x30: {  	s3 =	sld [smem:$0x3FA5]  }
0x31: {  	[smem:$0x3FAE] =	sst s10  }
0x32: {  	s10 =	sld [smem:$0x3FAC];
	_ =	sdelay $0x3  }
0x33: {  	p0 =	seq.s32 s10, $0x1;
	s10 =	sld [smem:$0x3FAE];
	_ =	sdelay $0x3  }
0x34: {  	[smem:$0x3FAE] =	sst s10  }
0x35: {  	s10 =	sld [smem:$0x3FAD];
	_ =	sdelay $0x3  }
0x36: {  	p1 =	seq.s32 s10, $0x1;
	s10 =	sld [smem:$0x3FAE];
	_ =	sdelay $0x3  }
0x37: {  	[smem:$0x3FAE] =	sst s10  }
0x38: {  	s10 =	sld [smem:$0x3FAF]  }
0x39: {  	_ = 	snop;
	(pc) =	sbr.ind lr, $3  }
0x3a: {  	_ = 	snop  }
0x3b: {  	_ = 	snop  }
0x3c: {  	p2 =	seq.s32 s10, $0x1;
	s10 =	sld [smem:$0x3FAE]  }
0x3d: {  	_ =	shalt  }
0x3e: {  	_ =	shalt  }
0x3f: {  	_ =	shalt  }
0x40: {  	_ =	shalt  }
0x41: {  	_ =	shalt  }
0x42: {  	_ =	shalt  }
0x43: {  	_ =	shalt  }
0x44: {  	_ =	shalt  }
0x45: {  	_ =	shalt  }
0x46: {  	_ =	shalt  }
0x47: {  	_ =	shalt  }
0x48: {  	_ =	shalt  }
0x49: {  	_ =	shalt  }
0x4a: {  	_ =	shalt  }
0x4b: {  	_ =	shalt  }
0x4c: {  	_ =	shalt  }
0x4d: {  	_ =	shalt  }
0x4e: {  	_ =	shalt  }
0x4f: {  	_ =	shalt  }
0x50: {  	_ =	shalt  }
0x51: {  	_ =	shalt  }
0x52: {  	_ =	shalt  }
0x53: {  	_ =	shalt  }
0x54: {  	_ =	shalt  }
0x55: {  	_ =	shalt  }
0x56: {  	_ =	shalt  }
0x57: {  	_ =	shalt  }
0x58: {  	_ =	shalt  }
0x59: {  	_ =	shalt  }
0x5a: {  	_ =	shalt  }
0x5b: {  	_ =	shalt  }
0x5c: {  	_ =	shalt  }
0x5d: {  	_ =	shalt  }
0x5e: {  	_ =	shalt  }
0x5f: {  	_ =	shalt  }
0x60: {  	_ =	shalt  }
0x61: {  	_ =	shalt  }
0x62: {  	_ =	shalt  }
0x63: {  	_ =	shalt  }
0x64: {  	_ =	shalt  }
0x65: {  	_ =	shalt  }
0x66: {  	_ =	shalt  }
0x67: {  	_ =	shalt  }
0x68: {  	_ =	shalt  }
0x69: {  	_ =	shalt  }
0x6a: {  	_ =	shalt  }
0x6b: {  	_ =	shalt  }
0x6c: {  	_ =	shalt  }
0x6d: {  	_ =	shalt  }
0x6e: {  	_ =	shalt  }
0x6f: {  	_ =	shalt  }
0x70: {  	_ =	shalt  }
0x71: {  	_ =	shalt  }
0x72: {  	_ =	shalt  }
0x73: {  	_ =	shalt  }
0x74: {  	_ =	shalt  }
0x75: {  	_ =	shalt  }
0x76: {  	_ =	shalt  }
0x77: {  	_ =	shalt  }
0x78: {  	_ =	shalt  }
0x79: {  	_ =	shalt  }
0x7a: {  	_ =	shalt  }
0x7b: {  	_ =	shalt  }
0x7c: {  	_ =	shalt  }
0x7d: {  	_ =	shalt  }
0x7e: {  	_ =	shalt  }
0x7f: {  	_ =	shalt  }
0x80: {  	_ =	shalt  }
0x81: {  	_ =	shalt  }
0x82: {  	_ =	shalt  }
0x83: {  	_ =	shalt  }
0x84: {  	_ =	shalt  }
0x85: {  	_ =	shalt  }
0x86: {  	_ =	shalt  }
0x87: {  	_ =	shalt  }
.Lfunc_end0:
.L_simem_size_0:
called_computation.6_lowered:
.L_overlay_start_0:
0x88: {  	s2 =	sld [smem:$0x3FD9]  }
0x89: {  	s3 =	sld [smem:$0x3FFE];
	_ =	sdelay $0x1  }
0x8a: {  	s1 =	srdreg.scid  }
0x8b: {  	s0 =	sand.u32 $0x1, s1  }
0x8c: {  	s16 =	sshll.u32 s0, $0xA;
	s2 =	sadd.s32 s3, s2  }
0x8d: {  	s2 =	sadd.s32 s2, s16  }
0x8e: {  	[smem:$0x3FBA] =	sst s2  }
0x8f: {  	_ = 	snop  }
0x90: {  	(tm) =	ssettm $0x1  }
0x91: {  	s17 =	sld [smem:$0x3FFB];
	_ =	sdelay $0x3  }
0x92: {  	_ =	strace s17  }
0x93: {  	s2 =	sld [smem:$0x3FFC];
	_ =	sdelay $0x3  }
0x94: {  	_ =	strace s2  }
0x95: {  	s2 =	sld [smem:$0x3FFD];
	_ =	sdelay $0x3  }
0x96: {  	_ =	strace s2  }
0x97: {  	_ =	strace $0x8FFFFFFF  }
0x98: {  	s18 =	sld [smem:$0x3FDB];
	_ =	sdelay $0x1  }
0x99: {  	s19 =	simm.s32 $_scs_section_size  }
0x9a: {  	s4 =	simm.s32 $_size__tile_overlayer_lowered;
	s5 =	simm.s32 $_tile_overlayer_lowered  }
0x9b: {  	s22 =	simm.s32 $0x1BFF;
	s21 =	sshll.u32 s5, $0x1;
	s2 =	sadd.s32 s19, s18  }
0x9c: {  	s6 =	simm.s32 $0x0;
	s20 =	sshll.u32 s4, $0x1;
	s4 =	sadd.s32 s21, s2  }
0x9d: {  	[timem:s6], [sflag:s22] =	dma.local [hbm:s4], s20  }
0x9e: {  	_ =	swait.ge [sflag:s22], s20  }
0x9f: {  	s3 =	ssub.s32 $0x0, s20;
	[sflag:s22] =	ssyncset.done $0x0  }
0xa0: {  	[sflag:s22] =	ssyncadd.s32 s3;
	_ =	sdelay $0x1  }
0xa1: {  	s23 =	simm.s32 $0x1B8B  }
0xa2: {  	_ =	swait.ge [sflag:s23], $0x1  }
0xa3: {  	[sflag:s23] =	ssyncset.done $0x0  }
0xa4: {  	s25 =	simm.s32 $0x1B8E;
	s24 =	sld [smem:$0x3FFE];
	[sflag:s23] =	ssyncadd.s32 $0xFFFFFFFF  }
0xa5: {  	s26 =	simm.s32 $execute0_lowered;
	[smem:$0x3FD2] =	sst s25  }
0xa6: {  	s4 =	sshll.u32 s26, $0x1;
	_ =	strace $0x80000058;
	[dreg:$0x1] =	wrdreg $0xFFFFFFFF  }
0xa7: {  	s28 =	simm.s32 $_size_execute0_lowered;
	s2 =	sadd.s32 s2, s4;
	[dreg:$0x0] =	wrdreg $0x0  }
0xa8: {  	s4 =	sshll.u32 s28, $0x1;
	[dreg:$0x2] =	wrdreg s2  }
0xa9: {  	[dreg:$0x3] =	wrdreg s4  }
0xaa: {  	[dreg:$0x4] =	wrdreg $0xC0  }
0xab: {  	_ =	task [dreg:s6], $0x5FFFF  }
0xac: {  	[dreg:$0x1] =	wrdreg $0xFFFFFFFF  }
0xad: {  	[dreg:$0x0] =	wrdreg $0x60  }
0xae: {  	[dreg:$0x2] =	wrdreg s24  }
0xaf: {  	[dreg:$0x3] =	wrdreg $0x0  }
0xb0: {  	[dreg:$0x4] =	wrdreg $0x9  }
0xb1: {  	_ =	task.clear_ibuf [dreg:s6], $0x5FFFF;
	_ =	strace $0x90000058  }
0xb2: {  	s29 =	simm.s32 $0x9;
	_ =	strace $0x8000005A  }
0xb3: {  	_ =	swait.ge [sflag:s29], $0x1  }
0xb4: {  	[sflag:s29] =	ssyncadd.s32 $0xFFFFFFFF  }
0xb5: {  	_ =	strace $0x9000005A  }
0xb6: {  	_ =	sfence  }
0xb7: {  	s30 =	sld [smem:$0x0];
	_ =	sdelay $0x2  }
0xb8: {  	s31 =	sshll.u32 s1, $0xD;
	s1 =	sshrl.u32 s1, $0x2  }
0xb9: {  	s3 =	sand.u32 $0x4000, s31;
	s1 =	sadd.s32 s1, s30  }
0xba: {  	s0 =	sor.u32 s3, s0;
	s1 =	sshll.u32 s1, $0x11  }
0xbb: {  	s0 =	sor.u32 s1, s0  }
0xbc: {  	s0 =	sadd.s32 $0x8F2B, s0  }
0xbd: {  	[sflag:s0] =	ssyncadd.remote.s32 $0x1  }
0xbe: {  	_ =	sfence.sel $0xFFFF  }
0xbf: {  	[dreg:$0x0] =	wrdreg $0xFFFFFFFF;
	(pc) =	sbr.abs _section_cstart, $3  }
0xc0: {  	[dreg:$0x1] =	wrdreg $0xFFFFFFFF  }
0xc1: {  	_ =	task.clear_ibuf [dreg:s6], $0x2FFFF;
	_ =	strace $0x9FFFFFFF  }
0xc2: {  	(tm) =	ssettm $0x7FFFFFFF  }
0xc3: {  	_ =	shalt  }
tec
execute0_lowered:
.L_overlay_start_1:
0x0: {  	(tag) =	ssettag $0x1  }
0x1: {  	s1 =	srdreg.scid  }
0x2: {  	s0 =	stileid.u32;
	s6 =	rddreg [dreg:$0x0]  }
0x3: {  	s2 =	rddreg [dreg:$0x1];
	s3 =	simm.s32 $0x0;
	s12 =	simm.s32 $0x2  }
0x4: {  	s15 =	simm.s32 $0x70;
	s16 =	simm.s32 $0x1A000;
	s17 =	simm.s32 $0x1  }
0x5: {  	s18 =	simm.s32 $0x0;
	s5 =	sand.u32 $0x1, s1;
	s1 =	rddreg [dreg:$0x2]  }
0x6: {  	s28 =	sshll.u32 s0, $0x1;
	[smem:$0x7FF] =	sst s3;
	s8 =	smul.u32 $0x2800, s0  }
0x7: {  	s11 =	smul.u32 $0x50000, s0;
	s13 =	sshll.u32 s0, $0x6;
	s4 =	sor.u32 s5, s28  }
0x8: {  	_ =	strace $0x80000059;
	s9 =	smul.u32 $0x28000, s5;
	s29 =	ssub.s32 $0x2, s5  }
0x9: {  	s5 =	sadd.s32 $0x44C00, s6;
	s13 =	sor.u32 $0x1C02, s13;
	s7 =	smul.u32 $0xC00, s4  }
0xa: {  	s4 =	sadd.s32 $0x1DA00, s6;
	s30 =	sshrl.u32 s29, $0x1;
	s31 =	sshrl.u32 s11, $0x2  }
0xb: {  	s11 =	simm.s32 $0x17000;
	s8 =	sadd.s32 s8, s9;
	s9 =	ssub.s32 s29, s30  }
0xc: {  	s14 =	sadd.s32 s31, s2;
	s10 =	sadd.s32 s7, s6;
	s8 =	sadd.s32 s8, s6  }
0xd: {  	s14 =	sshrl.u32 s14, $0x3;
	s6 =	sadd.s32 $0x5A00, s10;
	s7 =	sadd.s32 $0x47400, s8  }
0xe: {  	s8 =	smax.u32 s9, $0x1;
	s9 =	sadd.s32 $0x6000, s10;
	s10 =	simm.s32 $0x14000  }
.LBB2_1:
0xf: {  	[tilespmem:s10], [sflag:$0x2] =	stream.linear.gather [hbm4b:s6+s3], $0x2D00, $0x38;
	[tilespmem:$0x1D800] =	vst v63  }
0x10: {  	_ = 	snop  }
0x11: {  	[tilespmem:s11], [sflag:$0x2] =	stream.linear.gather [hbm4b:s9+s3], $0x2D00, $0x38;
	[tilespmem:$0x1D800] =	vst v63  }
0x12: {  	_ =	swait.ge [sflag:s12], $0x5A00  }
0x13: {  	[sflag:s12] =	ssyncset.done $0x0  }
0x14: {  	[sflag:s12] =	ssyncadd.s32 $0xFFFFA600  }
0x15: {  	[spmem:s14], [sflag:s13] =	dma.local [hbm:s5], $0x2800  }
0x16: {  	_ =	swait.ge [sflag:s12], $0x2800  }
0x17: {  	[sflag:s12] =	ssyncset.done $0x0  }
0x18: {  	[sflag:s12] =	ssyncadd.s32 $0xFFFFD800  }
0x19: {  	s19 =	simm.s32 $0x14000;
	[bflag:$0x0] =	sbarrier.arrive $0xFFFF  }
0x1a: {  	[tilespmem:s16], [sflag:$0x1] =	stream.indirect.gather [hbm4b:s4+s15], $0x80, s19, s15, $0xb8;
	[tilespmem:$0x1D800] =	vst v63  }
0x1b: {  	_ =	swait.ge [sflag:s17], $0x3800  }
0x1c: {  	[sflag:s17] =	ssyncset.done $0x0  }
0x1d: {  	s31 =	simm.s32 $0x17000;
	[sflag:s17] =	ssyncadd.s32 $0xFFFFC800  }
0x1e: {  	[spmem:s2] =	stream.indirect.scatter.add.f32 [tilespmem:s16], [sflag:$0x2], $0x80, s31, s15, $0xb8;
	[tilespmem:$0x1D800] =	vst v63  }
0x1f: {  	_ =	swait.ge [sflag:s12], $0x3800  }
0x20: {  	s20 =	simm.s32 $0x400;
	s19 =	simm.s32 $0x80;
	[sflag:s12] =	ssyncset.done $0x0  }
.LBB2_2:
0x21: {  	s21 =	sadd.s32 $0x14000, s19  }
0x22: {  	[sflag:s12] =	ssyncadd.s32 $0xFFFFC800;
	s22 =	smov.u32 s20;
	s23 =	sadd.s32 $0x200, s20  }
0x23: {  	[tilespmem:s16], [sflag:$0x1] =	stream.indirect.gather [hbm4b:s4+s15], $0x80, s21, s15, $0xb8;
	[tilespmem:$0x1D800] =	vst v63  }
0x24: {  	p0 =	sne.s32 s20, $0xB200;
	_ =	swait.ge [sflag:s17], $0x3800  }
.Ltmp0:
0x25: {  	[sflag:s17] =	ssyncset.done $0x0;
	(pc) =	sbr.rel @p0 .LBB2_2-.Ltmp0, $4  }
0x26: {  	s19 =	sadd.s32 $0x17000, s19;
	[sflag:s17] =	ssyncadd.s32 $0xFFFFC800  }
0x27: {  	[spmem:s2] =	stream.indirect.scatter.add.f32 [tilespmem:s16], [sflag:$0x2], $0x80, s19, s15, $0xb8;
	[tilespmem:$0x1D800] =	vst v63  }
0x28: {  	_ =	swait.ge [sflag:s12], $0x3800  }
0x29: {  	s20 =	smov.u32 s23;
	s19 =	sshra.s32 s22, $0x2;
	[sflag:s12] =	ssyncset.done $0x0  }
0x2a: {  	s20 =	sadd.s32 $0x14000, s19;
	[sflag:s12] =	ssyncadd.s32 $0xFFFFC800  }
0x2b: {  	[tilespmem:s16], [sflag:$0x1] =	stream.indirect.gather [hbm4b:s4+s15], $0x80, s20, s15, $0xb8;
	[tilespmem:$0x1D800] =	vst v63  }
0x2c: {  	_ =	swait.ge [sflag:s17], $0x3800  }
0x2d: {  	[sflag:s17] =	ssyncset.done $0x0  }
0x2e: {  	s31 =	sadd.s32 $0x17000, s19;
	[sflag:s17] =	ssyncadd.s32 $0xFFFFC800  }
0x2f: {  	[spmem:s2] =	stream.indirect.scatter.add.f32 [tilespmem:s16], [sflag:$0x2], $0x80, s31, s15, $0xb8;
	[tilespmem:$0x1D800] =	vst v63  }
0x30: {  	_ =	swait.ge [sflag:s12], $0x3800  }
0x31: {  	s18 =	sadd.s32 $0x1, s18;
	[sflag:s12] =	ssyncset.done $0x0  }
0x32: {  	p0 =	sne.s32 s18, s8;
	[sflag:s12] =	ssyncadd.s32 $0xFFFFC800  }
.Ltmp1:
0x33: {  	[bflag:$0x0] =	sbarrier.arrive $0xFFFF;
	(pc) =	sbr.rel @p0 .LBB2_1-.Ltmp1, $4  }
0x34: {  	[hbm:s7], [sflag:s13] =	dma.local [spmem:s14], $0x2800  }
0x35: {  	_ =	swait.ge [sflag:s12], $0x2800  }
0x36: {  	[sflag:s12] =	ssyncset.done $0x0  }
0x37: {  	[sflag:s12] =	ssyncadd.s32 $0xFFFFD800  }
0x38: {  	_ =	sfence.sel $0x180000  }
0x39: {  	[bflag:$0x0] =	sbarrier.arrive $0xFFFF  }
0x3a: {  	p0 =	sne.s32 s0, $0x0;
	_ =	strace $0x90000059  }
0x3b: {  	s0 =	sadd.s32 @!p0 $0x100000, s1;
	[bflag:$0x2] =	sbarrier.arrive $0xFFFF  }
0x3c: {  	[sflag:s0] =	ssyncadd.tile.s32 @!p0 $0x1;
	_ =	shalt  }
.Lfunc_end2:
_tile_overlayer_lowered:
.L_overlay_start_2:
0x3d: {  	(tag) =	ssettag $0x2  }
0x3e: {  	s0 =	rddreg [dreg:$0x0];
	s2 =	stileid.u32  }
0x3f: {  	s1 =	rddreg [dreg:$0x1];
	p0 =	sne.s32 s2, $0x0  }
0x40: {  	s3 =	rddreg [dreg:$0x2];
	[bflag:$0x3] =	sbarrier.arrive $0xFFFF;
	s2 =	simm.s32 @!p0 $0x1C02  }
0x41: {  	[timem:s3], [sflag:s2] =	dma.local @!p0 [hbm:s0], s1  }
0x42: {  	s0 =	simm.s32 @!p0 $0x2  }
0x43: {  	_ =	swait.ge @!p0 [sflag:s0], s1  }
0x44: {  	s1 =	ssub.s32 @!p0 $0x0, s1;
	[sflag:s0] =	ssyncset.done @!p0 $0x0  }
0x45: {  	[sflag:s0] =	ssyncadd.s32 @!p0 s1  }
0x46: {  	[bflag:$0x3] =	sbarrier.arrive $0xFFFF  }
0x47: {  	_ =	shalt  }

</sc_bundles>
